<compile_context>
chip_gen: v7x
topology: tpu7x:2x2x1
jax: 0.10.2.dev20260603
libtpu: 0.0.44.dev20260713+nightly
codegen_flags: <defaults>
</compile_context>

<pallas_src>
import functools

import jax
import jax.numpy as jnp
from jax import lax
from jax.experimental import pallas as pl
from jax.experimental.pallas import tpu as pltpu
from jax.experimental.pallas import tpu_sc as plsc

INP_DIM = 1024
EMB_DIM = 64
N_PROJ = 16
NUM_BINS = 20
NCOLS = (NUM_BINS + 1) * N_PROJ

TOK_BLOCK = 1024
NCHUNK = 4


def _consts():
    resolution = 2.0 / NUM_BINS
    grid = jnp.linspace(-1.0, 1.0, NUM_BINS + 1)[:-1] + 0.5 * resolution
    lower = jnp.concatenate([jnp.full((1,), -3.0, jnp.float32), grid])
    lower = jnp.tile(lower, (N_PROJ,)).reshape(1, NCOLS)
    p_of_col = jnp.arange(NCOLS, dtype=jnp.int32) // (NUM_BINS + 1)
    seg = (p_of_col[:, None] == jnp.arange(N_PROJ, dtype=jnp.int32)[None, :])
    seg = seg.astype(jnp.bfloat16)
    cp = ((jnp.arange(N_PROJ, dtype=jnp.float32) * (NUM_BINS + 1) - 1.0)
          * (EMB_DIM // 2)).reshape(1, N_PROJ)
    return lower, seg, cp


def _addr_body(x_ref, pmx_ref, low_ref, seg_ref, cp_ref, addr_ref):
    xb = x_ref[...]
    ssq = jnp.sum(xb * xb, axis=1, keepdims=True)
    norm = jnp.maximum(jnp.sqrt(ssq), 1e-12)
    xn = xb / norm
    zc = jnp.dot(xn.astype(jnp.bfloat16), pmx_ref[...],
                 preferred_element_type=jnp.float32)
    ge = (zc > low_ref[...]).astype(jnp.bfloat16)
    cnt = jnp.dot(ge, seg_ref[...], preferred_element_type=jnp.float32)
    addr_ref[...] = (cnt * float(EMB_DIM // 2) + cp_ref[...]).astype(jnp.int32)


def _tc_addr(xf, projection_mat, chunk, nchunk):
    ntok = xf.shape[0]
    ctok = ntok // nchunk
    nblk = ctok // TOK_BLOCK
    lower, seg, cp = _consts()
    pmx = jnp.repeat(projection_mat.astype(jnp.bfloat16), NUM_BINS + 1, axis=1)
    return pl.pallas_call(
        _addr_body,
        grid=(nblk,),
        in_specs=[
            pl.BlockSpec((TOK_BLOCK, INP_DIM),
                         lambda i, c=chunk, n=nblk: (c * n + i, 0)),
            pl.BlockSpec((INP_DIM, NCOLS), lambda i: (0, 0)),
            pl.BlockSpec((1, NCOLS), lambda i: (0, 0)),
            pl.BlockSpec((NCOLS, N_PROJ), lambda i: (0, 0)),
            pl.BlockSpec((1, N_PROJ), lambda i: (0, 0)),
        ],
        out_specs=pl.BlockSpec((TOK_BLOCK, N_PROJ), lambda i: (i, 0)),
        out_shape=jax.ShapeDtypeStruct((ctok, N_PROJ), jnp.int32),
        compiler_params=pltpu.CompilerParams(
            dimension_semantics=("arbitrary",),
        ),
    )(xf, pmx, lower, seg, cp)


def _pack_table(emb_weight):
    wr = emb_weight.reshape(NCOLS, 2, 2, 16)
    lo = jax.lax.bitcast_convert_type(
        wr[:, :, 0, :].astype(jnp.bfloat16), jnp.uint16).astype(jnp.uint32)
    hi = jax.lax.bitcast_convert_type(
        wr[:, :, 1, :].astype(jnp.bfloat16), jnp.uint16).astype(jnp.uint32)
    words = lo | (hi << 16)
    return jax.lax.bitcast_convert_type(words, jnp.int32).reshape(-1)


def _sc_bag(ptable, addr_flat, ntok):
    info = plsc.get_sparse_core_info()
    nc, ns = info.num_cores, info.num_subcores
    nw = nc * ns
    tpw = ntok // nw
    mesh = plsc.VectorSubcoreMesh(core_axis_name="c", subcore_axis_name="s")

    @functools.partial(
        pl.kernel,
        out_type=jax.ShapeDtypeStruct((ntok * EMB_DIM,), jnp.float32),
        mesh=mesh,
        scratch_types=[
            pltpu.VMEM((NCOLS * EMB_DIM // 2,), jnp.int32),
            pltpu.VMEM((tpw * N_PROJ,), jnp.int32),
            pltpu.VMEM((tpw * EMB_DIM,), jnp.float32),
        ],
        compiler_params=pltpu.CompilerParams(needs_layout_passes=False),
    )
    def bag(table_hbm, addr_hbm, out_hbm, table_v, addr_v, out_v):
        wid = lax.axis_index("s") * nc + lax.axis_index("c")
        pltpu.sync_copy(table_hbm, table_v)
        pltpu.sync_copy(
            addr_hbm.at[pl.ds(wid * (tpw * N_PROJ), tpw * N_PROJ)], addr_v)
        lane = lax.iota(jnp.int32, 16)
        offs = [lane, lane + 16]

        def body(t, carry):
            accs = [jnp.zeros((16,), jnp.float32) for _ in range(EMB_DIM // 16)]
            av = addr_v[pl.ds(t * N_PROJ, N_PROJ)]
            for p in range(N_PROJ):
                a = av[p]
                for g in range(2):
                    w = plsc.load_gather(table_v, [a + offs[g]])
                    pair = plsc.bitcast(w, jnp.bfloat16)
                    lo, hi = plsc.unpack(pair, format=plsc.PackFormat.INTERLEAVED)
                    accs[2 * g] = accs[2 * g] + lo
                    accs[2 * g + 1] = accs[2 * g + 1] + hi
            for c in range(EMB_DIM // 16):
                out_v[pl.ds(t * EMB_DIM + 16 * c, 16)] = accs[c] * (1.0 / N_PROJ)
            return carry

        lax.fori_loop(0, tpw, body, 0)
        pltpu.sync_copy(out_v, out_hbm.at[pl.ds(wid * (tpw * EMB_DIM),
                                                tpw * EMB_DIM)])

    return bag(ptable, addr_flat)


@jax.jit
def kernel(x, projection_mat, emb_weight):
    bs, seq_len, _ = x.shape
    ntok = bs * seq_len
    ctok = ntok // NCHUNK
    xf = x.reshape(ntok, INP_DIM)
    ptable = _pack_table(emb_weight)
    outs = []
    for i in range(NCHUNK):
        addr = _tc_addr(xf, projection_mat, i, NCHUNK)
        outs.append(_sc_bag(ptable, addr.reshape(-1), ctok))
    out = jnp.concatenate(outs)
    return out.reshape(bs, seq_len, EMB_DIM)

# --- scband reference (transcript-rebuilt; emitter-appended) ---
"""Pipeline reference for scband-cosine-vector-embedding-55473797595871 (READ-ONLY COPY).

The authoritative reference and input builder live on the scoring server;
editing this copy changes nothing except your own understanding.
"""

import jax, jax.numpy as jnp
import numpy as np

INP_DIM = 1024
EMB_DIM = 64
N_PROJ = 16
NUM_BINS = 20
BS = 4
SEQ_LEN = 8192


def setup_inputs(seed: int = 0) -> dict:
    key = jax.random.key(seed)
    k1, k2, k3 = jax.random.split(key, 3)
    x = jax.random.normal(k1, (BS, SEQ_LEN, INP_DIM), dtype=jnp.float32)
    pm = jax.random.normal(k2, (INP_DIM, N_PROJ), dtype=jnp.float32)
    # F.normalize(..., p=2.0, dim=0) with eps=1e-12
    projection_mat = pm / jnp.clip(jnp.linalg.norm(pm, axis=0, keepdims=True), 1e-12)
    emb_weight = jax.random.normal(k3, ((NUM_BINS + 1) * N_PROJ, EMB_DIM), dtype=jnp.float32)
    return {"x": x, "projection_mat": projection_mat, "emb_weight": emb_weight}


def reference(x, projection_mat, emb_weight):
    bs, seq_len, _ = x.shape
    resolution = 2.0 / NUM_BINS
    grid = jnp.linspace(-1.0, 1.0, NUM_BINS + 1)[:-1] + 0.5 * resolution
    # F.normalize(x, p=2.0, dim=-1) with eps=1e-12
    xn = x / jnp.clip(jnp.linalg.norm(x, axis=-1, keepdims=True), 1e-12)
    z = xn @ projection_mat  # [bs, seq, n_proj]
    # torch.bucketize(z, grid) with right=False == searchsorted side='left'
    idx = jnp.searchsorted(grid, z, side='left')
    # the transpose / pos_offset / transpose dance == per-projection offset on last axis
    offsets = (NUM_BINS + 1) * jnp.arange(N_PROJ, dtype=idx.dtype)
    idx = idx + offsets  # [bs, seq, n_proj]
    flat_idx = idx.reshape(-1, N_PROJ)
    # nn.EmbeddingBag default mode='mean': gather then mean over the bag dim
    vals = jnp.take(emb_weight, flat_idx, axis=0)  # [bs*seq, n_proj, emb_dim]
    out = vals.mean(axis=1)
    return out.reshape(bs, seq_len, EMB_DIM)

if __name__ == "__main__":
    import jax
    _d = setup_inputs()
    print(jax.jit(kernel)(*tuple(_d.values())))

</pallas_src>

<mosaic_0001>
#map = affine_map<(d0, d1) -> (0)>
module attributes {stable_mosaic.version = 14 : i64} {
  func.func @bag(%arg0: i32, %arg1: i32, %arg2: memref<10752xi32, #tpu.memory_space<hbm>>, %arg3: memref<131072xi32, #tpu.memory_space<hbm>>, %arg4: memref<524288xf32, #tpu.memory_space<hbm>>, %arg5: memref<10752xi32, #tpu.memory_space<vmem>>, %arg6: memref<4096xi32, #tpu.memory_space<vmem>>, %arg7: memref<16384xf32, #tpu.memory_space<vmem>>) attributes {dimension_semantics = [#tpu.dimension_semantics<core_parallel>, #tpu.dimension_semantics<subcore_parallel>], iteration_bounds = array<i64: 2, 16>, scalar_prefetch = 0 : i64, scratch_operands = 3 : i64, tpu.core_type = #tpu.core_type<sc_vector_subcore>, window_params = [{transform_indices = #map}, {transform_indices = #map}, {transform_indices = #map}]} {
    %mul3A = arith.constant 2 : i32
    %mul3A_0 = arith.muli %arg1, %mul3A : i32
    %add3A = arith.addi %mul3A_0, %arg0 : i32
    "tpu.region"() ({
      %run_scoped3A = tpu.sem_alloc : memref<!tpu.dma_semaphore, #tpu.memory_space<semaphore_mem>>
      tpu.enqueue_dma source(%arg2 : memref<10752xi32, #tpu.memory_space<hbm>>) target(%arg5 : memref<10752xi32, #tpu.memory_space<vmem>>) target_semaphore(%run_scoped3A : memref<!tpu.dma_semaphore, #tpu.memory_space<semaphore_mem>>)
      tpu.wait_dma2 semaphore(%run_scoped3A : memref<!tpu.dma_semaphore, #tpu.memory_space<semaphore_mem>>) src(%arg2 : memref<10752xi32, #tpu.memory_space<hbm>>) dst(%arg5 : memref<10752xi32, #tpu.memory_space<vmem>>)
      tpu.yield
    }) : () -> ()
    %mul3A_1 = arith.constant 4096 : i32
    %mul3A_2 = arith.muli %add3A, %mul3A_1 : i32
    "tpu.region"() ({
      %run_scoped3A = tpu.sem_alloc : memref<!tpu.dma_semaphore, #tpu.memory_space<semaphore_mem>>
      %dma_start3A = tpu.memref_slice %arg3[%mul3A_2] : memref<131072xi32, #tpu.memory_space<hbm>> -> memref<4096xi32, #tpu.memory_space<hbm>>
      %dma_start3A_13 = tpu.memref_slice %arg3[%mul3A_2] : memref<131072xi32, #tpu.memory_space<hbm>> -> memref<4096xi32, #tpu.memory_space<hbm>>
      tpu.enqueue_dma source(%dma_start3A_13 : memref<4096xi32, #tpu.memory_space<hbm>>) target(%arg6 : memref<4096xi32, #tpu.memory_space<vmem>>) target_semaphore(%run_scoped3A : memref<!tpu.dma_semaphore, #tpu.memory_space<semaphore_mem>>)
      %dma_wait3A = tpu.memref_slice %arg3[%mul3A_2] : memref<131072xi32, #tpu.memory_space<hbm>> -> memref<4096xi32, #tpu.memory_space<hbm>>
      %dma_wait3A_14 = tpu.memref_slice %arg3[%mul3A_2] : memref<131072xi32, #tpu.memory_space<hbm>> -> memref<4096xi32, #tpu.memory_space<hbm>>
      tpu.wait_dma2 semaphore(%run_scoped3A : memref<!tpu.dma_semaphore, #tpu.memory_space<semaphore_mem>>) src(%dma_wait3A_14 : memref<4096xi32, #tpu.memory_space<hbm>>) dst(%arg6 : memref<4096xi32, #tpu.memory_space<vmem>>)
      tpu.yield
    }) : () -> ()
    %iota3A = tpu.iota {dimensions = array<i32: 0>} : vector<16xi32>
    %add3A_3 = arith.constant 16 : i32
    %add3A_4 = vector.broadcast %add3A_3 : i32 to vector<16xi32>
    %add3A_5 = arith.addi %iota3A, %add3A_4 : vector<16xi32>
    %scan3A = arith.constant 0 : i32
    %scan3A_6 = arith.constant 0 : i32
    %scan3A_7 = arith.constant 256 : i32
    %scan3A_8 = arith.addi %scan3A_6, %scan3A_7 : i32
    %scan3A_9 = arith.constant 1 : i32
    scf.for %scan3A_13 = %scan3A_6 to %scan3A_8 step %scan3A_9  : i32 {
      %broadcast_in_dim3A = arith.constant 0.000000e+00 : f32
      %broadcast_in_dim3A_14 = vector.broadcast %broadcast_in_dim3A : f32 to vector<16xf32>
      %broadcast_in_dim3A_15 = arith.constant 0.000000e+00 : f32
      %broadcast_in_dim3A_16 = vector.broadcast %broadcast_in_dim3A_15 : f32 to vector<16xf32>
      %broadcast_in_dim3A_17 = arith.constant 0.000000e+00 : f32
      %broadcast_in_dim3A_18 = vector.broadcast %broadcast_in_dim3A_17 : f32 to vector<16xf32>
      %broadcast_in_dim3A_19 = arith.constant 0.000000e+00 : f32
      %broadcast_in_dim3A_20 = vector.broadcast %broadcast_in_dim3A_19 : f32 to vector<16xf32>
      %mul3A_21 = arith.constant 16 : i32
      %mul3A_22 = arith.muli %scan3A_13, %mul3A_21 : i32
      %get3A = arith.index_cast %mul3A_22 : i32 to index
      %get3A_23 = tpu.vector_load %arg6[%get3A] {strides = array<i32>} : memref<4096xi32, #tpu.memory_space<vmem>>, vector<16xi32>,
      %slice3A = vector.extract_strided_slice %get3A_23 {offsets = [0], sizes = [1], strides = [1]} : vector<16xi32> to vector<1xi32>
      %squeeze3A = vector.extract %slice3A[0] : i32 from vector<1xi32>
      %add3A_24 = vector.broadcast %squeeze3A : i32 to vector<16xi32>
      %add3A_25 = arith.addi %add3A_24, %iota3A : vector<16xi32>
      %gather3A = tpu.vector_load_idx %arg5[%add3A_25] : memref<10752xi32, #tpu.memory_space<vmem>>[vector<16xi32>], vector<16xi32>,
      %bitcast3A = vector.bitcast %gather3A : vector<16xi32> to vector<32xbf16>
      %unpack3A = tpu.unpack_subelements %bitcast3A, 0 {pack_format = #tpu.pack_format<interleaved>} : vector<32xbf16> -> vector<16xf32>
      %unpack3A_26 = tpu.unpack_subelements %bitcast3A, 1 {pack_format = #tpu.pack_format<interleaved>} : vector<32xbf16> -> vector<16xf32>
      %add3A_27 = arith.addf %broadcast_in_dim3A_14, %unpack3A : vector<16xf32>
      %add3A_28 = arith.addf %broadcast_in_dim3A_16, %unpack3A_26 : vector<16xf32>
      %add3A_29 = vector.broadcast %squeeze3A : i32 to vector<16xi32>
      %add3A_30 = arith.addi %add3A_29, %add3A_5 : vector<16xi32>
      %gather3A_31 = tpu.vector_load_idx %arg5[%add3A_30] : memref<10752xi32, #tpu.memory_space<vmem>>[vector<16xi32>], vector<16xi32>,
      %bitcast3A_32 = vector.bitcast %gather3A_31 : vector<16xi32> to vector<32xbf16>
      %unpack3A_33 = tpu.unpack_subelements %bitcast3A_32, 0 {pack_format = #tpu.pack_format<interleaved>} : vector<32xbf16> -> vector<16xf32>
      %unpack3A_34 = tpu.unpack_subelements %bitcast3A_32, 1 {pack_format = #tpu.pack_format<interleaved>} : vector<32xbf16> -> vector<16xf32>
      %add3A_35 = arith.addf %broadcast_in_dim3A_18, %unpack3A_33 : vector<16xf32>
      %add3A_36 = arith.addf %broadcast_in_dim3A_20, %unpack3A_34 : vector<16xf32>
      %slice3A_37 = vector.extract_strided_slice %get3A_23 {offsets = [1], sizes = [1], strides = [1]} : vector<16xi32> to vector<1xi32>
      %squeeze3A_38 = vector.extract %slice3A_37[0] : i32 from vector<1xi32>
      %add3A_39 = vector.broadcast %squeeze3A_38 : i32 to vector<16xi32>
      %add3A_40 = arith.addi %add3A_39, %iota3A : vector<16xi32>
      %gather3A_41 = tpu.vector_load_idx %arg5[%add3A_40] : memref<10752xi32, #tpu.memory_space<vmem>>[vector<16xi32>], vector<16xi32>,
      %bitcast3A_42 = vector.bitcast %gather3A_41 : vector<16xi32> to vector<32xbf16>
      %unpack3A_43 = tpu.unpack_subelements %bitcast3A_42, 0 {pack_format = #tpu.pack_format<interleaved>} : vector<32xbf16> -> vector<16xf32>
      %unpack3A_44 = tpu.unpack_subelements %bitcast3A_42, 1 {pack_format = #tpu.pack_format<interleaved>} : vector<32xbf16> -> vector<16xf32>
      %add3A_45 = arith.addf %add3A_27, %unpack3A_43 : vector<16xf32>
      %add3A_46 = arith.addf %add3A_28, %unpack3A_44 : vector<16xf32>
      %add3A_47 = vector.broadcast %squeeze3A_38 : i32 to vector<16xi32>
      %add3A_48 = arith.addi %add3A_47, %add3A_5 : vector<16xi32>
      %gather3A_49 = tpu.vector_load_idx %arg5[%add3A_48] : memref<10752xi32, #tpu.memory_space<vmem>>[vector<16xi32>], vector<16xi32>,
      %bitcast3A_50 = vector.bitcast %gather3A_49 : vector<16xi32> to vector<32xbf16>
      %unpack3A_51 = tpu.unpack_subelements %bitcast3A_50, 0 {pack_format = #tpu.pack_format<interleaved>} : vector<32xbf16> -> vector<16xf32>
      %unpack3A_52 = tpu.unpack_subelements %bitcast3A_50, 1 {pack_format = #tpu.pack_format<interleaved>} : vector<32xbf16> -> vector<16xf32>
      %add3A_53 = arith.addf %add3A_35, %unpack3A_51 : vector<16xf32>
      %add3A_54 = arith.addf %add3A_36, %unpack3A_52 : vector<16xf32>
      %slice3A_55 = vector.extract_strided_slice %get3A_23 {offsets = [2], sizes = [1], strides = [1]} : vector<16xi32> to vector<1xi32>
      %squeeze3A_56 = vector.extract %slice3A_55[0] : i32 from vector<1xi32>
      %add3A_57 = vector.broadcast %squeeze3A_56 : i32 to vector<16xi32>
      %add3A_58 = arith.addi %add3A_57, %iota3A : vector<16xi32>
      %gather3A_59 = tpu.vector_load_idx %arg5[%add3A_58] : memref<10752xi32, #tpu.memory_space<vmem>>[vector<16xi32>], vector<16xi32>,
      %bitcast3A_60 = vector.bitcast %gather3A_59 : vector<16xi32> to vector<32xbf16>
      %unpack3A_61 = tpu.unpack_subelements %bitcast3A_60, 0 {pack_format = #tpu.pack_format<interleaved>} : vector<32xbf16> -> vector<16xf32>
      %unpack3A_62 = tpu.unpack_subelements %bitcast3A_60, 1 {pack_format = #tpu.pack_format<interleaved>} : vector<32xbf16> -> vector<16xf32>
      %add3A_63 = arith.addf %add3A_45, %unpack3A_61 : vector<16xf32>
      %add3A_64 = arith.addf %add3A_46, %unpack3A_62 : vector<16xf32>
      %add3A_65 = vector.broadcast %squeeze3A_56 : i32 to vector<16xi32>
      %add3A_66 = arith.addi %add3A_65, %add3A_5 : vector<16xi32>
      %gather3A_67 = tpu.vector_load_idx %arg5[%add3A_66] : memref<10752xi32, #tpu.memory_space<vmem>>[vector<16xi32>], vector<16xi32>,
      %bitcast3A_68 = vector.bitcast %gather3A_67 : vector<16xi32> to vector<32xbf16>
      %unpack3A_69 = tpu.unpack_subelements %bitcast3A_68, 0 {pack_format = #tpu.pack_format<interleaved>} : vector<32xbf16> -> vector<16xf32>
      %unpack3A_70 = tpu.unpack_subelements %bitcast3A_68, 1 {pack_format = #tpu.pack_format<interleaved>} : vector<32xbf16> -> vector<16xf32>
      %add3A_71 = arith.addf %add3A_53, %unpack3A_69 : vector<16xf32>
      %add3A_72 = arith.addf %add3A_54, %unpack3A_70 : vector<16xf32>
      %slice3A_73 = vector.extract_strided_slice %get3A_23 {offsets = [3], sizes = [1], strides = [1]} : vector<16xi32> to vector<1xi32>
      %squeeze3A_74 = vector.extract %slice3A_73[0] : i32 from vector<1xi32>
      %add3A_75 = vector.broadcast %squeeze3A_74 : i32 to vector<16xi32>
      %add3A_76 = arith.addi %add3A_75, %iota3A : vector<16xi32>
      %gather3A_77 = tpu.vector_load_idx %arg5[%add3A_76] : memref<10752xi32, #tpu.memory_space<vmem>>[vector<16xi32>], vector<16xi32>,
      %bitcast3A_78 = vector.bitcast %gather3A_77 : vector<16xi32> to vector<32xbf16>
      %unpack3A_79 = tpu.unpack_subelements %bitcast3A_78, 0 {pack_format = #tpu.pack_format<interleaved>} : vector<32xbf16> -> vector<16xf32>
      %unpack3A_80 = tpu.unpack_subelements %bitcast3A_78, 1 {pack_format = #tpu.pack_format<interleaved>} : vector<32xbf16> -> vector<16xf32>
      %add3A_81 = arith.addf %add3A_63, %unpack3A_79 : vector<16xf32>
      %add3A_82 = arith.addf %add3A_64, %unpack3A_80 : vector<16xf32>
      %add3A_83 = vector.broadcast %squeeze3A_74 : i32 to vector<16xi32>
      %add3A_84 = arith.addi %add3A_83, %add3A_5 : vector<16xi32>
      %gather3A_85 = tpu.vector_load_idx %arg5[%add3A_84] : memref<10752xi32, #tpu.memory_space<vmem>>[vector<16xi32>], vector<16xi32>,
      %bitcast3A_86 = vector.bitcast %gather3A_85 : vector<16xi32> to vector<32xbf16>
      %unpack3A_87 = tpu.unpack_subelements %bitcast3A_86, 0 {pack_format = #tpu.pack_format<interleaved>} : vector<32xbf16> -> vector<16xf32>
      %unpack3A_88 = tpu.unpack_subelements %bitcast3A_86, 1 {pack_format = #tpu.pack_format<interleaved>} : vector<32xbf16> -> vector<16xf32>
      %add3A_89 = arith.addf %add3A_71, %unpack3A_87 : vector<16xf32>
      %add3A_90 = arith.addf %add3A_72, %unpack3A_88 : vector<16xf32>
      %slice3A_91 = vector.extract_strided_slice %get3A_23 {offsets = [4], sizes = [1], strides = [1]} : vector<16xi32> to vector<1xi32>
      %squeeze3A_92 = vector.extract %slice3A_91[0] : i32 from vector<1xi32>
      %add3A_93 = vector.broadcast %squeeze3A_92 : i32 to vector<16xi32>
      %add3A_94 = arith.addi %add3A_93, %iota3A : vector<16xi32>
      %gather3A_95 = tpu.vector_load_idx %arg5[%add3A_94] : memref<10752xi32, #tpu.memory_space<vmem>>[vector<16xi32>], vector<16xi32>,
      %bitcast3A_96 = vector.bitcast %gather3A_95 : vector<16xi32> to vector<32xbf16>
      %unpack3A_97 = tpu.unpack_subelements %bitcast3A_96, 0 {pack_format = #tpu.pack_format<interleaved>} : vector<32xbf16> -> vector<16xf32>
      %unpack3A_98 = tpu.unpack_subelements %bitcast3A_96, 1 {pack_format = #tpu.pack_format<interleaved>} : vector<32xbf16> -> vector<16xf32>
      %add3A_99 = arith.addf %add3A_81, %unpack3A_97 : vector<16xf32>
      %add3A_100 = arith.addf %add3A_82, %unpack3A_98 : vector<16xf32>
      %add3A_101 = vector.broadcast %squeeze3A_92 : i32 to vector<16xi32>
      %add3A_102 = arith.addi %add3A_101, %add3A_5 : vector<16xi32>
      %gather3A_103 = tpu.vector_load_idx %arg5[%add3A_102] : memref<10752xi32, #tpu.memory_space<vmem>>[vector<16xi32>], vector<16xi32>,
      %bitcast3A_104 = vector.bitcast %gather3A_103 : vector<16xi32> to vector<32xbf16>
      %unpack3A_105 = tpu.unpack_subelements %bitcast3A_104, 0 {pack_format = #tpu.pack_format<interleaved>} : vector<32xbf16> -> vector<16xf32>
      %unpack3A_106 = tpu.unpack_subelements %bitcast3A_104, 1 {pack_format = #tpu.pack_format<interleaved>} : vector<32xbf16> -> vector<16xf32>
      %add3A_107 = arith.addf %add3A_89, %unpack3A_105 : vector<16xf32>
      %add3A_108 = arith.addf %add3A_90, %unpack3A_106 : vector<16xf32>
      %slice3A_109 = vector.extract_strided_slice %get3A_23 {offsets = [5], sizes = [1], strides = [1]} : vector<16xi32> to vector<1xi32>
      %squeeze3A_110 = vector.extract %slice3A_109[0] : i32 from vector<1xi32>
      %add3A_111 = vector.broadcast %squeeze3A_110 : i32 to vector<16xi32>
      %add3A_112 = arith.addi %add3A_111, %iota3A : vector<16xi32>
      %gather3A_113 = tpu.vector_load_idx %arg5[%add3A_112] : memref<10752xi32, #tpu.memory_space<vmem>>[vector<16xi32>], vector<16xi32>,
      %bitcast3A_114 = vector.bitcast %gather3A_113 : vector<16xi32> to vector<32xbf16>
      %unpack3A_115 = tpu.unpack_subelements %bitcast3A_114, 0 {pack_format = #tpu.pack_format<interleaved>} : vector<32xbf16> -> vector<16xf32>
      %unpack3A_116 = tpu.unpack_subelements %bitcast3A_114, 1 {pack_format = #tpu.pack_format<interleaved>} : vector<32xbf16> -> vector<16xf32>
      %add3A_117 = arith.addf %add3A_99, %unpack3A_115 : vector<16xf32>
      %add3A_118 = arith.addf %add3A_100, %unpack3A_116 : vector<16xf32>
      %add3A_119 = vector.broadcast %squeeze3A_110 : i32 to vector<16xi32>
      %add3A_120 = arith.addi %add3A_119, %add3A_5 : vector<16xi32>
      %gather3A_121 = tpu.vector_load_idx %arg5[%add3A_120] : memref<10752xi32, #tpu.memory_space<vmem>>[vector<16xi32>], vector<16xi32>,
      %bitcast3A_122 = vector.bitcast %gather3A_121 : vector<16xi32> to vector<32xbf16>
      %unpack3A_123 = tpu.unpack_subelements %bitcast3A_122, 0 {pack_format = #tpu.pack_format<interleaved>} : vector<32xbf16> -> vector<16xf32>
      %unpack3A_124 = tpu.unpack_subelements %bitcast3A_122, 1 {pack_format = #tpu.pack_format<interleaved>} : vector<32xbf16> -> vector<16xf32>
      %add3A_125 = arith.addf %add3A_107, %unpack3A_123 : vector<16xf32>
      %add3A_126 = arith.addf %add3A_108, %unpack3A_124 : vector<16xf32>
      %slice3A_127 = vector.extract_strided_slice %get3A_23 {offsets = [6], sizes = [1], strides = [1]} : vector<16xi32> to vector<1xi32>
      %squeeze3A_128 = vector.extract %slice3A_127[0] : i32 from vector<1xi32>
      %add3A_129 = vector.broadcast %squeeze3A_128 : i32 to vector<16xi32>
      %add3A_130 = arith.addi %add3A_129, %iota3A : vector<16xi32>
      %gather3A_131 = tpu.vector_load_idx %arg5[%add3A_130] : memref<10752xi32, #tpu.memory_space<vmem>>[vector<16xi32>], vector<16xi32>,
      %bitcast3A_132 = vector.bitcast %gather3A_131 : vector<16xi32> to vector<32xbf16>
      %unpack3A_133 = tpu.unpack_subelements %bitcast3A_132, 0 {pack_format = #tpu.pack_format<interleaved>} : vector<32xbf16> -> vector<16xf32>
      %unpack3A_134 = tpu.unpack_subelements %bitcast3A_132, 1 {pack_format = #tpu.pack_format<interleaved>} : vector<32xbf16> -> vector<16xf32>
      %add3A_135 = arith.addf %add3A_117, %unpack3A_133 : vector<16xf32>
      %add3A_136 = arith.addf %add3A_118, %unpack3A_134 : vector<16xf32>
      %add3A_137 = vector.broadcast %squeeze3A_128 : i32 to vector<16xi32>
      %add3A_138 = arith.addi %add3A_137, %add3A_5 : vector<16xi32>
      %gather3A_139 = tpu.vector_load_idx %arg5[%add3A_138] : memref<10752xi32, #tpu.memory_space<vmem>>[vector<16xi32>], vector<16xi32>,
      %bitcast3A_140 = vector.bitcast %gather3A_139 : vector<16xi32> to vector<32xbf16>
      %unpack3A_141 = tpu.unpack_subelements %bitcast3A_140, 0 {pack_format = #tpu.pack_format<interleaved>} : vector<32xbf16> -> vector<16xf32>
      %unpack3A_142 = tpu.unpack_subelements %bitcast3A_140, 1 {pack_format = #tpu.pack_format<interleaved>} : vector<32xbf16> -> vector<16xf32>
      %add3A_143 = arith.addf %add3A_125, %unpack3A_141 : vector<16xf32>
      %add3A_144 = arith.addf %add3A_126, %unpack3A_142 : vector<16xf32>
      %slice3A_145 = vector.extract_strided_slice %get3A_23 {offsets = [7], sizes = [1], strides = [1]} : vector<16xi32> to vector<1xi32>
      %squeeze3A_146 = vector.extract %slice3A_145[0] : i32 from vector<1xi32>
      %add3A_147 = vector.broadcast %squeeze3A_146 : i32 to vector<16xi32>
      %add3A_148 = arith.addi %add3A_147, %iota3A : vector<16xi32>
      %gather3A_149 = tpu.vector_load_idx %arg5[%add3A_148] : memref<10752xi32, #tpu.memory_space<vmem>>[vector<16xi32>], vector<16xi32>,
      %bitcast3A_150 = vector.bitcast %gather3A_149 : vector<16xi32> to vector<32xbf16>
      %unpack3A_151 = tpu.unpack_subelements %bitcast3A_150, 0 {pack_format = #tpu.pack_format<interleaved>} : vector<32xbf16> -> vector<16xf32>
      %unpack3A_152 = tpu.unpack_subelements %bitcast3A_150, 1 {pack_format = #tpu.pack_format<interleaved>} : vector<32xbf16> -> vector<16xf32>
      %add3A_153 = arith.addf %add3A_135, %unpack3A_151 : vector<16xf32>
      %add3A_154 = arith.addf %add3A_136, %unpack3A_152 : vector<16xf32>
      %add3A_155 = vector.broadcast %squeeze3A_146 : i32 to vector<16xi32>
      %add3A_156 = arith.addi %add3A_155, %add3A_5 : vector<16xi32>
      %gather3A_157 = tpu.vector_load_idx %arg5[%add3A_156] : memref<10752xi32, #tpu.memory_space<vmem>>[vector<16xi32>], vector<16xi32>,
      %bitcast3A_158 = vector.bitcast %gather3A_157 : vector<16xi32> to vector<32xbf16>
      %unpack3A_159 = tpu.unpack_subelements %bitcast3A_158, 0 {pack_format = #tpu.pack_format<interleaved>} : vector<32xbf16> -> vector<16xf32>
      %unpack3A_160 = tpu.unpack_subelements %bitcast3A_158, 1 {pack_format = #tpu.pack_format<interleaved>} : vector<32xbf16> -> vector<16xf32>
      %add3A_161 = arith.addf %add3A_143, %unpack3A_159 : vector<16xf32>
      %add3A_162 = arith.addf %add3A_144, %unpack3A_160 : vector<16xf32>
      %slice3A_163 = vector.extract_strided_slice %get3A_23 {offsets = [8], sizes = [1], strides = [1]} : vector<16xi32> to vector<1xi32>
      %squeeze3A_164 = vector.extract %slice3A_163[0] : i32 from vector<1xi32>
      %add3A_165 = vector.broadcast %squeeze3A_164 : i32 to vector<16xi32>
      %add3A_166 = arith.addi %add3A_165, %iota3A : vector<16xi32>
      %gather3A_167 = tpu.vector_load_idx %arg5[%add3A_166] : memref<10752xi32, #tpu.memory_space<vmem>>[vector<16xi32>], vector<16xi32>,
      %bitcast3A_168 = vector.bitcast %gather3A_167 : vector<16xi32> to vector<32xbf16>
      %unpack3A_169 = tpu.unpack_subelements %bitcast3A_168, 0 {pack_format = #tpu.pack_format<interleaved>} : vector<32xbf16> -> vector<16xf32>
      %unpack3A_170 = tpu.unpack_subelements %bitcast3A_168, 1 {pack_format = #tpu.pack_format<interleaved>} : vector<32xbf16> -> vector<16xf32>
      %add3A_171 = arith.addf %add3A_153, %unpack3A_169 : vector<16xf32>
      %add3A_172 = arith.addf %add3A_154, %unpack3A_170 : vector<16xf32>
      %add3A_173 = vector.broadcast %squeeze3A_164 : i32 to vector<16xi32>
      %add3A_174 = arith.addi %add3A_173, %add3A_5 : vector<16xi32>
      %gather3A_175 = tpu.vector_load_idx %arg5[%add3A_174] : memref<10752xi32, #tpu.memory_space<vmem>>[vector<16xi32>], vector<16xi32>,
      %bitcast3A_176 = vector.bitcast %gather3A_175 : vector<16xi32> to vector<32xbf16>
      %unpack3A_177 = tpu.unpack_subelements %bitcast3A_176, 0 {pack_format = #tpu.pack_format<interleaved>} : vector<32xbf16> -> vector<16xf32>
      %unpack3A_178 = tpu.unpack_subelements %bitcast3A_176, 1 {pack_format = #tpu.pack_format<interleaved>} : vector<32xbf16> -> vector<16xf32>
      %add3A_179 = arith.addf %add3A_161, %unpack3A_177 : vector<16xf32>
      %add3A_180 = arith.addf %add3A_162, %unpack3A_178 : vector<16xf32>
      %slice3A_181 = vector.extract_strided_slice %get3A_23 {offsets = [9], sizes = [1], strides = [1]} : vector<16xi32> to vector<1xi32>
      %squeeze3A_182 = vector.extract %slice3A_181[0] : i32 from vector<1xi32>
      %add3A_183 = vector.broadcast %squeeze3A_182 : i32 to vector<16xi32>
      %add3A_184 = arith.addi %add3A_183, %iota3A : vector<16xi32>
      %gather3A_185 = tpu.vector_load_idx %arg5[%add3A_184] : memref<10752xi32, #tpu.memory_space<vmem>>[vector<16xi32>], vector<16xi32>,
      %bitcast3A_186 = vector.bitcast %gather3A_185 : vector<16xi32> to vector<32xbf16>
      %unpack3A_187 = tpu.unpack_subelements %bitcast3A_186, 0 {pack_format = #tpu.pack_format<interleaved>} : vector<32xbf16> -> vector<16xf32>
      %unpack3A_188 = tpu.unpack_subelements %bitcast3A_186, 1 {pack_format = #tpu.pack_format<interleaved>} : vector<32xbf16> -> vector<16xf32>
      %add3A_189 = arith.addf %add3A_171, %unpack3A_187 : vector<16xf32>
      %add3A_190 = arith.addf %add3A_172, %unpack3A_188 : vector<16xf32>
      %add3A_191 = vector.broadcast %squeeze3A_182 : i32 to vector<16xi32>
      %add3A_192 = arith.addi %add3A_191, %add3A_5 : vector<16xi32>
      %gather3A_193 = tpu.vector_load_idx %arg5[%add3A_192] : memref<10752xi32, #tpu.memory_space<vmem>>[vector<16xi32>], vector<16xi32>,
      %bitcast3A_194 = vector.bitcast %gather3A_193 : vector<16xi32> to vector<32xbf16>
      %unpack3A_195 = tpu.unpack_subelements %bitcast3A_194, 0 {pack_format = #tpu.pack_format<interleaved>} : vector<32xbf16> -> vector<16xf32>
      %unpack3A_196 = tpu.unpack_subelements %bitcast3A_194, 1 {pack_format = #tpu.pack_format<interleaved>} : vector<32xbf16> -> vector<16xf32>
      %add3A_197 = arith.addf %add3A_179, %unpack3A_195 : vector<16xf32>
      %add3A_198 = arith.addf %add3A_180, %unpack3A_196 : vector<16xf32>
      %slice3A_199 = vector.extract_strided_slice %get3A_23 {offsets = [10], sizes = [1], strides = [1]} : vector<16xi32> to vector<1xi32>
      %squeeze3A_200 = vector.extract %slice3A_199[0] : i32 from vector<1xi32>
      %add3A_201 = vector.broadcast %squeeze3A_200 : i32 to vector<16xi32>
      %add3A_202 = arith.addi %add3A_201, %iota3A : vector<16xi32>
      %gather3A_203 = tpu.vector_load_idx %arg5[%add3A_202] : memref<10752xi32, #tpu.memory_space<vmem>>[vector<16xi32>], vector<16xi32>,
      %bitcast3A_204 = vector.bitcast %gather3A_203 : vector<16xi32> to vector<32xbf16>
      %unpack3A_205 = tpu.unpack_subelements %bitcast3A_204, 0 {pack_format = #tpu.pack_format<interleaved>} : vector<32xbf16> -> vector<16xf32>
      %unpack3A_206 = tpu.unpack_subelements %bitcast3A_204, 1 {pack_format = #tpu.pack_format<interleaved>} : vector<32xbf16> -> vector<16xf32>
      %add3A_207 = arith.addf %add3A_189, %unpack3A_205 : vector<16xf32>
      %add3A_208 = arith.addf %add3A_190, %unpack3A_206 : vector<16xf32>
      %add3A_209 = vector.broadcast %squeeze3A_200 : i32 to vector<16xi32>
      %add3A_210 = arith.addi %add3A_209, %add3A_5 : vector<16xi32>
      %gather3A_211 = tpu.vector_load_idx %arg5[%add3A_210] : memref<10752xi32, #tpu.memory_space<vmem>>[vector<16xi32>], vector<16xi32>,
      %bitcast3A_212 = vector.bitcast %gather3A_211 : vector<16xi32> to vector<32xbf16>
      %unpack3A_213 = tpu.unpack_subelements %bitcast3A_212, 0 {pack_format = #tpu.pack_format<interleaved>} : vector<32xbf16> -> vector<16xf32>
      %unpack3A_214 = tpu.unpack_subelements %bitcast3A_212, 1 {pack_format = #tpu.pack_format<interleaved>} : vector<32xbf16> -> vector<16xf32>
      %add3A_215 = arith.addf %add3A_197, %unpack3A_213 : vector<16xf32>
      %add3A_216 = arith.addf %add3A_198, %unpack3A_214 : vector<16xf32>
      %slice3A_217 = vector.extract_strided_slice %get3A_23 {offsets = [11], sizes = [1], strides = [1]} : vector<16xi32> to vector<1xi32>
      %squeeze3A_218 = vector.extract %slice3A_217[0] : i32 from vector<1xi32>
      %add3A_219 = vector.broadcast %squeeze3A_218 : i32 to vector<16xi32>
      %add3A_220 = arith.addi %add3A_219, %iota3A : vector<16xi32>
      %gather3A_221 = tpu.vector_load_idx %arg5[%add3A_220] : memref<10752xi32, #tpu.memory_space<vmem>>[vector<16xi32>], vector<16xi32>,
      %bitcast3A_222 = vector.bitcast %gather3A_221 : vector<16xi32> to vector<32xbf16>
      %unpack3A_223 = tpu.unpack_subelements %bitcast3A_222, 0 {pack_format = #tpu.pack_format<interleaved>} : vector<32xbf16> -> vector<16xf32>
      %unpack3A_224 = tpu.unpack_subelements %bitcast3A_222, 1 {pack_format = #tpu.pack_format<interleaved>} : vector<32xbf16> -> vector<16xf32>
      %add3A_225 = arith.addf %add3A_207, %unpack3A_223 : vector<16xf32>
      %add3A_226 = arith.addf %add3A_208, %unpack3A_224 : vector<16xf32>
      %add3A_227 = vector.broadcast %squeeze3A_218 : i32 to vector<16xi32>
      %add3A_228 = arith.addi %add3A_227, %add3A_5 : vector<16xi32>
      %gather3A_229 = tpu.vector_load_idx %arg5[%add3A_228] : memref<10752xi32, #tpu.memory_space<vmem>>[vector<16xi32>], vector<16xi32>,
      %bitcast3A_230 = vector.bitcast %gather3A_229 : vector<16xi32> to vector<32xbf16>
      %unpack3A_231 = tpu.unpack_subelements %bitcast3A_230, 0 {pack_format = #tpu.pack_format<interleaved>} : vector<32xbf16> -> vector<16xf32>
      %unpack3A_232 = tpu.unpack_subelements %bitcast3A_230, 1 {pack_format = #tpu.pack_format<interleaved>} : vector<32xbf16> -> vector<16xf32>
      %add3A_233 = arith.addf %add3A_215, %unpack3A_231 : vector<16xf32>
      %add3A_234 = arith.addf %add3A_216, %unpack3A_232 : vector<16xf32>
      %slice3A_235 = vector.extract_strided_slice %get3A_23 {offsets = [12], sizes = [1], strides = [1]} : vector<16xi32> to vector<1xi32>
      %squeeze3A_236 = vector.extract %slice3A_235[0] : i32 from vector<1xi32>
      %add3A_237 = vector.broadcast %squeeze3A_236 : i32 to vector<16xi32>
      %add3A_238 = arith.addi %add3A_237, %iota3A : vector<16xi32>
      %gather3A_239 = tpu.vector_load_idx %arg5[%add3A_238] : memref<10752xi32, #tpu.memory_space<vmem>>[vector<16xi32>], vector<16xi32>,
      %bitcast3A_240 = vector.bitcast %gather3A_239 : vector<16xi32> to vector<32xbf16>
      %unpack3A_241 = tpu.unpack_subelements %bitcast3A_240, 0 {pack_format = #tpu.pack_format<interleaved>} : vector<32xbf16> -> vector<16xf32>
      %unpack3A_242 = tpu.unpack_subelements %bitcast3A_240, 1 {pack_format = #tpu.pack_format<interleaved>} : vector<32xbf16> -> vector<16xf32>
      %add3A_243 = arith.addf %add3A_225, %unpack3A_241 : vector<16xf32>
      %add3A_244 = arith.addf %add3A_226, %unpack3A_242 : vector<16xf32>
      %add3A_245 = vector.broadcast %squeeze3A_236 : i32 to vector<16xi32>
      %add3A_246 = arith.addi %add3A_245, %add3A_5 : vector<16xi32>
      %gather3A_247 = tpu.vector_load_idx %arg5[%add3A_246] : memref<10752xi32, #tpu.memory_space<vmem>>[vector<16xi32>], vector<16xi32>,
      %bitcast3A_248 = vector.bitcast %gather3A_247 : vector<16xi32> to vector<32xbf16>
      %unpack3A_249 = tpu.unpack_subelements %bitcast3A_248, 0 {pack_format = #tpu.pack_format<interleaved>} : vector<32xbf16> -> vector<16xf32>
      %unpack3A_250 = tpu.unpack_subelements %bitcast3A_248, 1 {pack_format = #tpu.pack_format<interleaved>} : vector<32xbf16> -> vector<16xf32>
      %add3A_251 = arith.addf %add3A_233, %unpack3A_249 : vector<16xf32>
      %add3A_252 = arith.addf %add3A_234, %unpack3A_250 : vector<16xf32>
      %slice3A_253 = vector.extract_strided_slice %get3A_23 {offsets = [13], sizes = [1], strides = [1]} : vector<16xi32> to vector<1xi32>
      %squeeze3A_254 = vector.extract %slice3A_253[0] : i32 from vector<1xi32>
      %add3A_255 = vector.broadcast %squeeze3A_254 : i32 to vector<16xi32>
      %add3A_256 = arith.addi %add3A_255, %iota3A : vector<16xi32>
      %gather3A_257 = tpu.vector_load_idx %arg5[%add3A_256] : memref<10752xi32, #tpu.memory_space<vmem>>[vector<16xi32>], vector<16xi32>,
      %bitcast3A_258 = vector.bitcast %gather3A_257 : vector<16xi32> to vector<32xbf16>
      %unpack3A_259 = tpu.unpack_subelements %bitcast3A_258, 0 {pack_format = #tpu.pack_format<interleaved>} : vector<32xbf16> -> vector<16xf32>
      %unpack3A_260 = tpu.unpack_subelements %bitcast3A_258, 1 {pack_format = #tpu.pack_format<interleaved>} : vector<32xbf16> -> vector<16xf32>
      %add3A_261 = arith.addf %add3A_243, %unpack3A_259 : vector<16xf32>
      %add3A_262 = arith.addf %add3A_244, %unpack3A_260 : vector<16xf32>
      %add3A_263 = vector.broadcast %squeeze3A_254 : i32 to vector<16xi32>
      %add3A_264 = arith.addi %add3A_263, %add3A_5 : vector<16xi32>
      %gather3A_265 = tpu.vector_load_idx %arg5[%add3A_264] : memref<10752xi32, #tpu.memory_space<vmem>>[vector<16xi32>], vector<16xi32>,
      %bitcast3A_266 = vector.bitcast %gather3A_265 : vector<16xi32> to vector<32xbf16>
      %unpack3A_267 = tpu.unpack_subelements %bitcast3A_266, 0 {pack_format = #tpu.pack_format<interleaved>} : vector<32xbf16> -> vector<16xf32>
      %unpack3A_268 = tpu.unpack_subelements %bitcast3A_266, 1 {pack_format = #tpu.pack_format<interleaved>} : vector<32xbf16> -> vector<16xf32>
      %add3A_269 = arith.addf %add3A_251, %unpack3A_267 : vector<16xf32>
      %add3A_270 = arith.addf %add3A_252, %unpack3A_268 : vector<16xf32>
      %slice3A_271 = vector.extract_strided_slice %get3A_23 {offsets = [14], sizes = [1], strides = [1]} : vector<16xi32> to vector<1xi32>
      %squeeze3A_272 = vector.extract %slice3A_271[0] : i32 from vector<1xi32>
      %add3A_273 = vector.broadcast %squeeze3A_272 : i32 to vector<16xi32>
      %add3A_274 = arith.addi %add3A_273, %iota3A : vector<16xi32>
      %gather3A_275 = tpu.vector_load_idx %arg5[%add3A_274] : memref<10752xi32, #tpu.memory_space<vmem>>[vector<16xi32>], vector<16xi32>,
      %bitcast3A_276 = vector.bitcast %gather3A_275 : vector<16xi32> to vector<32xbf16>
      %unpack3A_277 = tpu.unpack_subelements %bitcast3A_276, 0 {pack_format = #tpu.pack_format<interleaved>} : vector<32xbf16> -> vector<16xf32>
      %unpack3A_278 = tpu.unpack_subelements %bitcast3A_276, 1 {pack_format = #tpu.pack_format<interleaved>} : vector<32xbf16> -> vector<16xf32>
      %add3A_279 = arith.addf %add3A_261, %unpack3A_277 : vector<16xf32>
      %add3A_280 = arith.addf %add3A_262, %unpack3A_278 : vector<16xf32>
      %add3A_281 = vector.broadcast %squeeze3A_272 : i32 to vector<16xi32>
      %add3A_282 = arith.addi %add3A_281, %add3A_5 : vector<16xi32>
      %gather3A_283 = tpu.vector_load_idx %arg5[%add3A_282] : memref<10752xi32, #tpu.memory_space<vmem>>[vector<16xi32>], vector<16xi32>,
      %bitcast3A_284 = vector.bitcast %gather3A_283 : vector<16xi32> to vector<32xbf16>
      %unpack3A_285 = tpu.unpack_subelements %bitcast3A_284, 0 {pack_format = #tpu.pack_format<interleaved>} : vector<32xbf16> -> vector<16xf32>
      %unpack3A_286 = tpu.unpack_subelements %bitcast3A_284, 1 {pack_format = #tpu.pack_format<interleaved>} : vector<32xbf16> -> vector<16xf32>
      %add3A_287 = arith.addf %add3A_269, %unpack3A_285 : vector<16xf32>
      %add3A_288 = arith.addf %add3A_270, %unpack3A_286 : vector<16xf32>
      %slice3A_289 = vector.extract_strided_slice %get3A_23 {offsets = [15], sizes = [1], strides = [1]} : vector<16xi32> to vector<1xi32>
      %squeeze3A_290 = vector.extract %slice3A_289[0] : i32 from vector<1xi32>
      %add3A_291 = vector.broadcast %squeeze3A_290 : i32 to vector<16xi32>
      %add3A_292 = arith.addi %add3A_291, %iota3A : vector<16xi32>
      %gather3A_293 = tpu.vector_load_idx %arg5[%add3A_292] : memref<10752xi32, #tpu.memory_space<vmem>>[vector<16xi32>], vector<16xi32>,
      %bitcast3A_294 = vector.bitcast %gather3A_293 : vector<16xi32> to vector<32xbf16>
      %unpack3A_295 = tpu.unpack_subelements %bitcast3A_294, 0 {pack_format = #tpu.pack_format<interleaved>} : vector<32xbf16> -> vector<16xf32>
      %unpack3A_296 = tpu.unpack_subelements %bitcast3A_294, 1 {pack_format = #tpu.pack_format<interleaved>} : vector<32xbf16> -> vector<16xf32>
      %add3A_297 = arith.addf %add3A_279, %unpack3A_295 : vector<16xf32>
      %add3A_298 = arith.addf %add3A_280, %unpack3A_296 : vector<16xf32>
      %add3A_299 = vector.broadcast %squeeze3A_290 : i32 to vector<16xi32>
      %add3A_300 = arith.addi %add3A_299, %add3A_5 : vector<16xi32>
      %gather3A_301 = tpu.vector_load_idx %arg5[%add3A_300] : memref<10752xi32, #tpu.memory_space<vmem>>[vector<16xi32>], vector<16xi32>,
      %bitcast3A_302 = vector.bitcast %gather3A_301 : vector<16xi32> to vector<32xbf16>
      %unpack3A_303 = tpu.unpack_subelements %bitcast3A_302, 0 {pack_format = #tpu.pack_format<interleaved>} : vector<32xbf16> -> vector<16xf32>
      %unpack3A_304 = tpu.unpack_subelements %bitcast3A_302, 1 {pack_format = #tpu.pack_format<interleaved>} : vector<32xbf16> -> vector<16xf32>
      %add3A_305 = arith.addf %add3A_287, %unpack3A_303 : vector<16xf32>
      %add3A_306 = arith.addf %add3A_288, %unpack3A_304 : vector<16xf32>
      %mul3A_307 = arith.constant 6.250000e-02 : f32
      %mul3A_308 = vector.broadcast %mul3A_307 : f32 to vector<16xf32>
      %mul3A_309 = arith.mulf %add3A_297, %mul3A_308 : vector<16xf32>
      %mul3A_310 = arith.constant 64 : i32
      %mul3A_311 = arith.muli %scan3A_13, %mul3A_310 : i32
      %add3A_312 = arith.constant 0 : i32
      %add3A_313 = arith.addi %mul3A_311, %add3A_312 : i32
      %swap3A = arith.index_cast %add3A_313 : i32 to index
      %swap3A_314 = tpu.vector_load %arg7[%swap3A] {strides = array<i32>} : memref<16384xf32, #tpu.memory_space<vmem>>, vector<16xf32>,
      tpu.vector_store %arg7[%swap3A], %mul3A_309 {strides = array<i32>} : memref<16384xf32, #tpu.memory_space<vmem>>, vector<16xf32>,
      %mul3A_315 = arith.constant 6.250000e-02 : f32
      %mul3A_316 = vector.broadcast %mul3A_315 : f32 to vector<16xf32>
      %mul3A_317 = arith.mulf %add3A_298, %mul3A_316 : vector<16xf32>
      %mul3A_318 = arith.constant 64 : i32
      %mul3A_319 = arith.muli %scan3A_13, %mul3A_318 : i32
      %add3A_320 = arith.constant 16 : i32
      %add3A_321 = arith.addi %mul3A_319, %add3A_320 : i32
      %swap3A_322 = arith.index_cast %add3A_321 : i32 to index
      %swap3A_323 = tpu.vector_load %arg7[%swap3A_322] {strides = array<i32>} : memref<16384xf32, #tpu.memory_space<vmem>>, vector<16xf32>,
      tpu.vector_store %arg7[%swap3A_322], %mul3A_317 {strides = array<i32>} : memref<16384xf32, #tpu.memory_space<vmem>>, vector<16xf32>,
      %mul3A_324 = arith.constant 6.250000e-02 : f32
      %mul3A_325 = vector.broadcast %mul3A_324 : f32 to vector<16xf32>
      %mul3A_326 = arith.mulf %add3A_305, %mul3A_325 : vector<16xf32>
      %mul3A_327 = arith.constant 64 : i32
      %mul3A_328 = arith.muli %scan3A_13, %mul3A_327 : i32
      %add3A_329 = arith.constant 32 : i32
      %add3A_330 = arith.addi %mul3A_328, %add3A_329 : i32
      %swap3A_331 = arith.index_cast %add3A_330 : i32 to index
      %swap3A_332 = tpu.vector_load %arg7[%swap3A_331] {strides = array<i32>} : memref<16384xf32, #tpu.memory_space<vmem>>, vector<16xf32>,
      tpu.vector_store %arg7[%swap3A_331], %mul3A_326 {strides = array<i32>} : memref<16384xf32, #tpu.memory_space<vmem>>, vector<16xf32>,
      %mul3A_333 = arith.constant 6.250000e-02 : f32
      %mul3A_334 = vector.broadcast %mul3A_333 : f32 to vector<16xf32>
      %mul3A_335 = arith.mulf %add3A_306, %mul3A_334 : vector<16xf32>
      %mul3A_336 = arith.constant 64 : i32
      %mul3A_337 = arith.muli %scan3A_13, %mul3A_336 : i32
      %add3A_338 = arith.constant 48 : i32
      %add3A_339 = arith.addi %mul3A_337, %add3A_338 : i32
      %swap3A_340 = arith.index_cast %add3A_339 : i32 to index
      %swap3A_341 = tpu.vector_load %arg7[%swap3A_340] {strides = array<i32>} : memref<16384xf32, #tpu.memory_space<vmem>>, vector<16xf32>,
      tpu.vector_store %arg7[%swap3A_340], %mul3A_335 {strides = array<i32>} : memref<16384xf32, #tpu.memory_space<vmem>>, vector<16xf32>,
    }
    %scan3A_10 = arith.constant 256 : i32
    %mul3A_11 = arith.constant 16384 : i32
    %mul3A_12 = arith.muli %add3A, %mul3A_11 : i32
    "tpu.region"() ({
      %run_scoped3A = tpu.sem_alloc : memref<!tpu.dma_semaphore, #tpu.memory_space<semaphore_mem>>
      %dma_start3A = tpu.memref_slice %arg4[%mul3A_12] : memref<524288xf32, #tpu.memory_space<hbm>> -> memref<16384xf32, #tpu.memory_space<hbm>>
      %dma_start3A_13 = tpu.memref_slice %arg4[%mul3A_12] : memref<524288xf32, #tpu.memory_space<hbm>> -> memref<16384xf32, #tpu.memory_space<hbm>>
      tpu.enqueue_dma source(%arg7 : memref<16384xf32, #tpu.memory_space<vmem>>) target(%dma_start3A_13 : memref<16384xf32, #tpu.memory_space<hbm>>) target_semaphore(%run_scoped3A : memref<!tpu.dma_semaphore, #tpu.memory_space<semaphore_mem>>)
      %dma_wait3A = tpu.memref_slice %arg4[%mul3A_12] : memref<524288xf32, #tpu.memory_space<hbm>> -> memref<16384xf32, #tpu.memory_space<hbm>>
      %dma_wait3A_14 = tpu.memref_slice %arg4[%mul3A_12] : memref<524288xf32, #tpu.memory_space<hbm>> -> memref<16384xf32, #tpu.memory_space<hbm>>
      tpu.wait_dma2 semaphore(%run_scoped3A : memref<!tpu.dma_semaphore, #tpu.memory_space<semaphore_mem>>) src(%arg7 : memref<16384xf32, #tpu.memory_space<vmem>>) dst(%dma_wait3A_14 : memref<16384xf32, #tpu.memory_space<hbm>>)
      tpu.yield
    }) : () -> ()
    return
  }
}

#map = affine_map<(d0, d1) -> (0)>
module attributes {stable_mosaic.version = 14 : i64} {
  func.func @bag(%arg0: i32, %arg1: i32, %arg2: memref<10752xi32, #tpu.memory_space<hbm>>, %arg3: memref<131072xi32, #tpu.memory_space<hbm>>, %arg4: memref<524288xf32, #tpu.memory_space<hbm>>, %arg5: memref<10752xi32, #tpu.memory_space<vmem>>, %arg6: memref<4096xi32, #tpu.memory_space<vmem>>, %arg7: memref<16384xf32, #tpu.memory_space<vmem>>) attributes {dimension_semantics = [#tpu.dimension_semantics<core_parallel>, #tpu.dimension_semantics<subcore_parallel>], iteration_bounds = array<i64: 2, 16>, scalar_prefetch = 0 : i64, scratch_operands = 3 : i64, tpu.core_type = #tpu.core_type<sc_vector_subcore>, window_params = [{transform_indices = #map}, {transform_indices = #map}, {transform_indices = #map}]} {
    %mul3A = arith.constant 2 : i32
    %mul3A_0 = arith.muli %arg1, %mul3A : i32
    %add3A = arith.addi %mul3A_0, %arg0 : i32
    "tpu.region"() ({
      %run_scoped3A = tpu.sem_alloc : memref<!tpu.dma_semaphore, #tpu.memory_space<semaphore_mem>>
      tpu.enqueue_dma source(%arg2 : memref<10752xi32, #tpu.memory_space<hbm>>) target(%arg5 : memref<10752xi32, #tpu.memory_space<vmem>>) target_semaphore(%run_scoped3A : memref<!tpu.dma_semaphore, #tpu.memory_space<semaphore_mem>>)
      tpu.wait_dma2 semaphore(%run_scoped3A : memref<!tpu.dma_semaphore, #tpu.memory_space<semaphore_mem>>) src(%arg2 : memref<10752xi32, #tpu.memory_space<hbm>>) dst(%arg5 : memref<10752xi32, #tpu.memory_space<vmem>>)
      tpu.yield
    }) : () -> ()
    %mul3A_1 = arith.constant 4096 : i32
    %mul3A_2 = arith.muli %add3A, %mul3A_1 : i32
    "tpu.region"() ({
      %run_scoped3A = tpu.sem_alloc : memref<!tpu.dma_semaphore, #tpu.memory_space<semaphore_mem>>
      %dma_start3A = tpu.memref_slice %arg3[%mul3A_2] : memref<131072xi32, #tpu.memory_space<hbm>> -> memref<4096xi32, #tpu.memory_space<hbm>>
      %dma_start3A_13 = tpu.memref_slice %arg3[%mul3A_2] : memref<131072xi32, #tpu.memory_space<hbm>> -> memref<4096xi32, #tpu.memory_space<hbm>>
      tpu.enqueue_dma source(%dma_start3A_13 : memref<4096xi32, #tpu.memory_space<hbm>>) target(%arg6 : memref<4096xi32, #tpu.memory_space<vmem>>) target_semaphore(%run_scoped3A : memref<!tpu.dma_semaphore, #tpu.memory_space<semaphore_mem>>)
      %dma_wait3A = tpu.memref_slice %arg3[%mul3A_2] : memref<131072xi32, #tpu.memory_space<hbm>> -> memref<4096xi32, #tpu.memory_space<hbm>>
      %dma_wait3A_14 = tpu.memref_slice %arg3[%mul3A_2] : memref<131072xi32, #tpu.memory_space<hbm>> -> memref<4096xi32, #tpu.memory_space<hbm>>
      tpu.wait_dma2 semaphore(%run_scoped3A : memref<!tpu.dma_semaphore, #tpu.memory_space<semaphore_mem>>) src(%dma_wait3A_14 : memref<4096xi32, #tpu.memory_space<hbm>>) dst(%arg6 : memref<4096xi32, #tpu.memory_space<vmem>>)
      tpu.yield
    }) : () -> ()
    %iota3A = tpu.iota {dimensions = array<i32: 0>} : vector<16xi32>
    %add3A_3 = arith.constant 16 : i32
    %add3A_4 = vector.broadcast %add3A_3 : i32 to vector<16xi32>
    %add3A_5 = arith.addi %iota3A, %add3A_4 : vector<16xi32>
    %scan3A = arith.constant 0 : i32
    %scan3A_6 = arith.constant 0 : i32
    %scan3A_7 = arith.constant 256 : i32
    %scan3A_8 = arith.addi %scan3A_6, %scan3A_7 : i32
    %scan3A_9 = arith.constant 1 : i32
    scf.for %scan3A_13 = %scan3A_6 to %scan3A_8 step %scan3A_9  : i32 {
      %broadcast_in_dim3A = arith.constant 0.000000e+00 : f32
      %broadcast_in_dim3A_14 = vector.broadcast %broadcast_in_dim3A : f32 to vector<16xf32>
      %broadcast_in_dim3A_15 = arith.constant 0.000000e+00 : f32
      %broadcast_in_dim3A_16 = vector.broadcast %broadcast_in_dim3A_15 : f32 to vector<16xf32>
      %broadcast_in_dim3A_17 = arith.constant 0.000000e+00 : f32
      %broadcast_in_dim3A_18 = vector.broadcast %broadcast_in_dim3A_17 : f32 to vector<16xf32>
      %broadcast_in_dim3A_19 = arith.constant 0.000000e+00 : f32
      %broadcast_in_dim3A_20 = vector.broadcast %broadcast_in_dim3A_19 : f32 to vector<16xf32>
      %mul3A_21 = arith.constant 16 : i32
      %mul3A_22 = arith.muli %scan3A_13, %mul3A_21 : i32
      %get3A = arith.index_cast %mul3A_22 : i32 to index
      %get3A_23 = tpu.vector_load %arg6[%get3A] {strides = array<i32>} : memref<4096xi32, #tpu.memory_space<vmem>>, vector<16xi32>,
      %slice3A = vector.extract_strided_slice %get3A_23 {offsets = [0], sizes = [1], strides = [1]} : vector<16xi32> to vector<1xi32>
      %squeeze3A = vector.extract %slice3A[0] : i32 from vector<1xi32>
      %add3A_24 = vector.broadcast %squeeze3A : i32 to vector<16xi32>
      %add3A_25 = arith.addi %add3A_24, %iota3A : vector<16xi32>
      %gather3A = tpu.vector_load_idx %arg5[%add3A_25] : memref<10752xi32, #tpu.memory_space<vmem>>[vector<16xi32>], vector<16xi32>,
      %bitcast3A = vector.bitcast %gather3A : vector<16xi32> to vector<32xbf16>
      %unpack3A = tpu.unpack_subelements %bitcast3A, 0 {pack_format = #tpu.pack_format<interleaved>} : vector<32xbf16> -> vector<16xf32>
      %unpack3A_26 = tpu.unpack_subelements %bitcast3A, 1 {pack_format = #tpu.pack_format<interleaved>} : vector<32xbf16> -> vector<16xf32>
      %add3A_27 = arith.addf %broadcast_in_dim3A_14, %unpack3A : vector<16xf32>
      %add3A_28 = arith.addf %broadcast_in_dim3A_16, %unpack3A_26 : vector<16xf32>
      %add3A_29 = vector.broadcast %squeeze3A : i32 to vector<16xi32>
      %add3A_30 = arith.addi %add3A_29, %add3A_5 : vector<16xi32>
      %gather3A_31 = tpu.vector_load_idx %arg5[%add3A_30] : memref<10752xi32, #tpu.memory_space<vmem>>[vector<16xi32>], vector<16xi32>,
      %bitcast3A_32 = vector.bitcast %gather3A_31 : vector<16xi32> to vector<32xbf16>
      %unpack3A_33 = tpu.unpack_subelements %bitcast3A_32, 0 {pack_format = #tpu.pack_format<interleaved>} : vector<32xbf16> -> vector<16xf32>
      %unpack3A_34 = tpu.unpack_subelements %bitcast3A_32, 1 {pack_format = #tpu.pack_format<interleaved>} : vector<32xbf16> -> vector<16xf32>
      %add3A_35 = arith.addf %broadcast_in_dim3A_18, %unpack3A_33 : vector<16xf32>
      %add3A_36 = arith.addf %broadcast_in_dim3A_20, %unpack3A_34 : vector<16xf32>
      %slice3A_37 = vector.extract_strided_slice %get3A_23 {offsets = [1], sizes = [1], strides = [1]} : vector<16xi32> to vector<1xi32>
      %squeeze3A_38 = vector.extract %slice3A_37[0] : i32 from vector<1xi32>
      %add3A_39 = vector.broadcast %squeeze3A_38 : i32 to vector<16xi32>
      %add3A_40 = arith.addi %add3A_39, %iota3A : vector<16xi32>
      %gather3A_41 = tpu.vector_load_idx %arg5[%add3A_40] : memref<10752xi32, #tpu.memory_space<vmem>>[vector<16xi32>], vector<16xi32>,
      %bitcast3A_42 = vector.bitcast %gather3A_41 : vector<16xi32> to vector<32xbf16>
      %unpack3A_43 = tpu.unpack_subelements %bitcast3A_42, 0 {pack_format = #tpu.pack_format<interleaved>} : vector<32xbf16> -> vector<16xf32>
      %unpack3A_44 = tpu.unpack_subelements %bitcast3A_42, 1 {pack_format = #tpu.pack_format<interleaved>} : vector<32xbf16> -> vector<16xf32>
      %add3A_45 = arith.addf %add3A_27, %unpack3A_43 : vector<16xf32>
      %add3A_46 = arith.addf %add3A_28, %unpack3A_44 : vector<16xf32>
      %add3A_47 = vector.broadcast %squeeze3A_38 : i32 to vector<16xi32>
      %add3A_48 = arith.addi %add3A_47, %add3A_5 : vector<16xi32>
      %gather3A_49 = tpu.vector_load_idx %arg5[%add3A_48] : memref<10752xi32, #tpu.memory_space<vmem>>[vector<16xi32>], vector<16xi32>,
      %bitcast3A_50 = vector.bitcast %gather3A_49 : vector<16xi32> to vector<32xbf16>
      %unpack3A_51 = tpu.unpack_subelements %bitcast3A_50, 0 {pack_format = #tpu.pack_format<interleaved>} : vector<32xbf16> -> vector<16xf32>
      %unpack3A_52 = tpu.unpack_subelements %bitcast3A_50, 1 {pack_format = #tpu.pack_format<interleaved>} : vector<32xbf16> -> vector<16xf32>
      %add3A_53 = arith.addf %add3A_35, %unpack3A_51 : vector<16xf32>
      %add3A_54 = arith.addf %add3A_36, %unpack3A_52 : vector<16xf32>
      %slice3A_55 = vector.extract_strided_slice %get3A_23 {offsets = [2], sizes = [1], strides = [1]} : vector<16xi32> to vector<1xi32>
      %squeeze3A_56 = vector.extract %slice3A_55[0] : i32 from vector<1xi32>
      %add3A_57 = vector.broadcast %squeeze3A_56 : i32 to vector<16xi32>
      %add3A_58 = arith.addi %add3A_57, %iota3A : vector<16xi32>
      %gather3A_59 = tpu.vector_load_idx %arg5[%add3A_58] : memref<10752xi32, #tpu.memory_space<vmem>>[vector<16xi32>], vector<16xi32>,
      %bitcast3A_60 = vector.bitcast %gather3A_59 : vector<16xi32> to vector<32xbf16>
      %unpack3A_61 = tpu.unpack_subelements %bitcast3A_60, 0 {pack_format = #tpu.pack_format<interleaved>} : vector<32xbf16> -> vector<16xf32>
      %unpack3A_62 = tpu.unpack_subelements %bitcast3A_60, 1 {pack_format = #tpu.pack_format<interleaved>} : vector<32xbf16> -> vector<16xf32>
      %add3A_63 = arith.addf %add3A_45, %unpack3A_61 : vector<16xf32>
      %add3A_64 = arith.addf %add3A_46, %unpack3A_62 : vector<16xf32>
      %add3A_65 = vector.broadcast %squeeze3A_56 : i32 to vector<16xi32>
      %add3A_66 = arith.addi %add3A_65, %add3A_5 : vector<16xi32>
      %gather3A_67 = tpu.vector_load_idx %arg5[%add3A_66] : memref<10752xi32, #tpu.memory_space<vmem>>[vector<16xi32>], vector<16xi32>,
      %bitcast3A_68 = vector.bitcast %gather3A_67 : vector<16xi32> to vector<32xbf16>
      %unpack3A_69 = tpu.unpack_subelements %bitcast3A_68, 0 {pack_format = #tpu.pack_format<interleaved>} : vector<32xbf16> -> vector<16xf32>
      %unpack3A_70 = tpu.unpack_subelements %bitcast3A_68, 1 {pack_format = #tpu.pack_format<interleaved>} : vector<32xbf16> -> vector<16xf32>
      %add3A_71 = arith.addf %add3A_53, %unpack3A_69 : vector<16xf32>
      %add3A_72 = arith.addf %add3A_54, %unpack3A_70 : vector<16xf32>
      %slice3A_73 = vector.extract_strided_slice %get3A_23 {offsets = [3], sizes = [1], strides = [1]} : vector<16xi32> to vector<1xi32>
      %squeeze3A_74 = vector.extract %slice3A_73[0] : i32 from vector<1xi32>
      %add3A_75 = vector.broadcast %squeeze3A_74 : i32 to vector<16xi32>
      %add3A_76 = arith.addi %add3A_75, %iota3A : vector<16xi32>
      %gather3A_77 = tpu.vector_load_idx %arg5[%add3A_76] : memref<10752xi32, #tpu.memory_space<vmem>>[vector<16xi32>], vector<16xi32>,
      %bitcast3A_78 = vector.bitcast %gather3A_77 : vector<16xi32> to vector<32xbf16>
      %unpack3A_79 = tpu.unpack_subelements %bitcast3A_78, 0 {pack_format = #tpu.pack_format<interleaved>} : vector<32xbf16> -> vector<16xf32>
      %unpack3A_80 = tpu.unpack_subelements %bitcast3A_78, 1 {pack_format = #tpu.pack_format<interleaved>} : vector<32xbf16> -> vector<16xf32>
      %add3A_81 = arith.addf %add3A_63, %unpack3A_79 : vector<16xf32>
      %add3A_82 = arith.addf %add3A_64, %unpack3A_80 : vector<16xf32>
      %add3A_83 = vector.broadcast %squeeze3A_74 : i32 to vector<16xi32>
      %add3A_84 = arith.addi %add3A_83, %add3A_5 : vector<16xi32>
      %gather3A_85 = tpu.vector_load_idx %arg5[%add3A_84] : memref<10752xi32, #tpu.memory_space<vmem>>[vector<16xi32>], vector<16xi32>,
      %bitcast3A_86 = vector.bitcast %gather3A_85 : vector<16xi32> to vector<32xbf16>
      %unpack3A_87 = tpu.unpack_subelements %bitcast3A_86, 0 {pack_format = #tpu.pack_format<interleaved>} : vector<32xbf16> -> vector<16xf32>
      %unpack3A_88 = tpu.unpack_subelements %bitcast3A_86, 1 {pack_format = #tpu.pack_format<interleaved>} : vector<32xbf16> -> vector<16xf32>
      %add3A_89 = arith.addf %add3A_71, %unpack3A_87 : vector<16xf32>
      %add3A_90 = arith.addf %add3A_72, %unpack3A_88 : vector<16xf32>
      %slice3A_91 = vector.extract_strided_slice %get3A_23 {offsets = [4], sizes = [1], strides = [1]} : vector<16xi32> to vector<1xi32>
      %squeeze3A_92 = vector.extract %slice3A_91[0] : i32 from vector<1xi32>
      %add3A_93 = vector.broadcast %squeeze3A_92 : i32 to vector<16xi32>
      %add3A_94 = arith.addi %add3A_93, %iota3A : vector<16xi32>
      %gather3A_95 = tpu.vector_load_idx %arg5[%add3A_94] : memref<10752xi32, #tpu.memory_space<vmem>>[vector<16xi32>], vector<16xi32>,
      %bitcast3A_96 = vector.bitcast %gather3A_95 : vector<16xi32> to vector<32xbf16>
      %unpack3A_97 = tpu.unpack_subelements %bitcast3A_96, 0 {pack_format = #tpu.pack_format<interleaved>} : vector<32xbf16> -> vector<16xf32>
      %unpack3A_98 = tpu.unpack_subelements %bitcast3A_96, 1 {pack_format = #tpu.pack_format<interleaved>} : vector<32xbf16> -> vector<16xf32>
      %add3A_99 = arith.addf %add3A_81, %unpack3A_97 : vector<16xf32>
      %add3A_100 = arith.addf %add3A_82, %unpack3A_98 : vector<16xf32>
      %add3A_101 = vector.broadcast %squeeze3A_92 : i32 to vector<16xi32>
      %add3A_102 = arith.addi %add3A_101, %add3A_5 : vector<16xi32>
      %gather3A_103 = tpu.vector_load_idx %arg5[%add3A_102] : memref<10752xi32, #tpu.memory_space<vmem>>[vector<16xi32>], vector<16xi32>,
      %bitcast3A_104 = vector.bitcast %gather3A_103 : vector<16xi32> to vector<32xbf16>
      %unpack3A_105 = tpu.unpack_subelements %bitcast3A_104, 0 {pack_format = #tpu.pack_format<interleaved>} : vector<32xbf16> -> vector<16xf32>
      %unpack3A_106 = tpu.unpack_subelements %bitcast3A_104, 1 {pack_format = #tpu.pack_format<interleaved>} : vector<32xbf16> -> vector<16xf32>
      %add3A_107 = arith.addf %add3A_89, %unpack3A_105 : vector<16xf32>
      %add3A_108 = arith.addf %add3A_90, %unpack3A_106 : vector<16xf32>
      %slice3A_109 = vector.extract_strided_slice %get3A_23 {offsets = [5], sizes = [1], strides = [1]} : vector<16xi32> to vector<1xi32>
      %squeeze3A_110 = vector.extract %slice3A_109[0] : i32 from vector<1xi32>
      %add3A_111 = vector.broadcast %squeeze3A_110 : i32 to vector<16xi32>
      %add3A_112 = arith.addi %add3A_111, %iota3A : vector<16xi32>
      %gather3A_113 = tpu.vector_load_idx %arg5[%add3A_112] : memref<10752xi32, #tpu.memory_space<vmem>>[vector<16xi32>], vector<16xi32>,
      %bitcast3A_114 = vector.bitcast %gather3A_113 : vector<16xi32> to vector<32xbf16>
      %unpack3A_115 = tpu.unpack_subelements %bitcast3A_114, 0 {pack_format = #tpu.pack_format<interleaved>} : vector<32xbf16> -> vector<16xf32>
      %unpack3A_116 = tpu.unpack_subelements %bitcast3A_114, 1 {pack_format = #tpu.pack_format<interleaved>} : vector<32xbf16> -> vector<16xf32>
      %add3A_117 = arith.addf %add3A_99, %unpack3A_115 : vector<16xf32>
      %add3A_118 = arith.addf %add3A_100, %unpack3A_116 : vector<16xf32>
      %add3A_119 = vector.broadcast %squeeze3A_110 : i32 to vector<16xi32>
      %add3A_120 = arith.addi %add3A_119, %add3A_5 : vector<16xi32>
      %gather3A_121 = tpu.vector_load_idx %arg5[%add3A_120] : memref<10752xi32, #tpu.memory_space<vmem>>[vector<16xi32>], vector<16xi32>,
      %bitcast3A_122 = vector.bitcast %gather3A_121 : vector<16xi32> to vector<32xbf16>
      %unpack3A_123 = tpu.unpack_subelements %bitcast3A_122, 0 {pack_format = #tpu.pack_format<interleaved>} : vector<32xbf16> -> vector<16xf32>
      %unpack3A_124 = tpu.unpack_subelements %bitcast3A_122, 1 {pack_format = #tpu.pack_format<interleaved>} : vector<32xbf16> -> vector<16xf32>
      %add3A_125 = arith.addf %add3A_107, %unpack3A_123 : vector<16xf32>
      %add3A_126 = arith.addf %add3A_108, %unpack3A_124 : vector<16xf32>
      %slice3A_127 = vector.extract_strided_slice %get3A_23 {offsets = [6], sizes = [1], strides = [1]} : vector<16xi32> to vector<1xi32>
      %squeeze3A_128 = vector.extract %slice3A_127[0] : i32 from vector<1xi32>
      %add3A_129 = vector.broadcast %squeeze3A_128 : i32 to vector<16xi32>
      %add3A_130 = arith.addi %add3A_129, %iota3A : vector<16xi32>
      %gather3A_131 = tpu.vector_load_idx %arg5[%add3A_130] : memref<10752xi32, #tpu.memory_space<vmem>>[vector<16xi32>], vector<16xi32>,
      %bitcast3A_132 = vector.bitcast %gather3A_131 : vector<16xi32> to vector<32xbf16>
      %unpack3A_133 = tpu.unpack_subelements %bitcast3A_132, 0 {pack_format = #tpu.pack_format<interleaved>} : vector<32xbf16> -> vector<16xf32>
      %unpack3A_134 = tpu.unpack_subelements %bitcast3A_132, 1 {pack_format = #tpu.pack_format<interleaved>} : vector<32xbf16> -> vector<16xf32>
      %add3A_135 = arith.addf %add3A_117, %unpack3A_133 : vector<16xf32>
      %add3A_136 = arith.addf %add3A_118, %unpack3A_134 : vector<16xf32>
      %add3A_137 = vector.broadcast %squeeze3A_128 : i32 to vector<16xi32>
      %add3A_138 = arith.addi %add3A_137, %add3A_5 : vector<16xi32>
      %gather3A_139 = tpu.vector_load_idx %arg5[%add3A_138] : memref<10752xi32, #tpu.memory_space<vmem>>[vector<16xi32>], vector<16xi32>,
      %bitcast3A_140 = vector.bitcast %gather3A_139 : vector<16xi32> to vector<32xbf16>
      %unpack3A_141 = tpu.unpack_subelements %bitcast3A_140, 0 {pack_format = #tpu.pack_format<interleaved>} : vector<32xbf16> -> vector<16xf32>
      %unpack3A_142 = tpu.unpack_subelements %bitcast3A_140, 1 {pack_format = #tpu.pack_format<interleaved>} : vector<32xbf16> -> vector<16xf32>
      %add3A_143 = arith.addf %add3A_125, %unpack3A_141 : vector<16xf32>
      %add3A_144 = arith.addf %add3A_126, %unpack3A_142 : vector<16xf32>
      %slice3A_145 = vector.extract_strided_slice %get3A_23 {offsets = [7], sizes = [1], strides = [1]} : vector<16xi32> to vector<1xi32>
      %squeeze3A_146 = vector.extract %slice3A_145[0] : i32 from vector<1xi32>
      %add3A_147 = vector.broadcast %squeeze3A_146 : i32 to vector<16xi32>
      %add3A_148 = arith.addi %add3A_147, %iota3A : vector<16xi32>
      %gather3A_149 = tpu.vector_load_idx %arg5[%add3A_148] : memref<10752xi32, #tpu.memory_space<vmem>>[vector<16xi32>], vector<16xi32>,
      %bitcast3A_150 = vector.bitcast %gather3A_149 : vector<16xi32> to vector<32xbf16>
      %unpack3A_151 = tpu.unpack_subelements %bitcast3A_150, 0 {pack_format = #tpu.pack_format<interleaved>} : vector<32xbf16> -> vector<16xf32>
      %unpack3A_152 = tpu.unpack_subelements %bitcast3A_150, 1 {pack_format = #tpu.pack_format<interleaved>} : vector<32xbf16> -> vector<16xf32>
      %add3A_153 = arith.addf %add3A_135, %unpack3A_151 : vector<16xf32>
      %add3A_154 = arith.addf %add3A_136, %unpack3A_152 : vector<16xf32>
      %add3A_155 = vector.broadcast %squeeze3A_146 : i32 to vector<16xi32>
      %add3A_156 = arith.addi %add3A_155, %add3A_5 : vector<16xi32>
      %gather3A_157 = tpu.vector_load_idx %arg5[%add3A_156] : memref<10752xi32, #tpu.memory_space<vmem>>[vector<16xi32>], vector<16xi32>,
      %bitcast3A_158 = vector.bitcast %gather3A_157 : vector<16xi32> to vector<32xbf16>
      %unpack3A_159 = tpu.unpack_subelements %bitcast3A_158, 0 {pack_format = #tpu.pack_format<interleaved>} : vector<32xbf16> -> vector<16xf32>
      %unpack3A_160 = tpu.unpack_subelements %bitcast3A_158, 1 {pack_format = #tpu.pack_format<interleaved>} : vector<32xbf16> -> vector<16xf32>
      %add3A_161 = arith.addf %add3A_143, %unpack3A_159 : vector<16xf32>
      %add3A_162 = arith.addf %add3A_144, %unpack3A_160 : vector<16xf32>
      %slice3A_163 = vector.extract_strided_slice %get3A_23 {offsets = [8], sizes = [1], strides = [1]} : vector<16xi32> to vector<1xi32>
      %squeeze3A_164 = vector.extract %slice3A_163[0] : i32 from vector<1xi32>
      %add3A_165 = vector.broadcast %squeeze3A_164 : i32 to vector<16xi32>
      %add3A_166 = arith.addi %add3A_165, %iota3A : vector<16xi32>
      %gather3A_167 = tpu.vector_load_idx %arg5[%add3A_166] : memref<10752xi32, #tpu.memory_space<vmem>>[vector<16xi32>], vector<16xi32>,
      %bitcast3A_168 = vector.bitcast %gather3A_167 : vector<16xi32> to vector<32xbf16>
      %unpack3A_169 = tpu.unpack_subelements %bitcast3A_168, 0 {pack_format = #tpu.pack_format<interleaved>} : vector<32xbf16> -> vector<16xf32>
      %unpack3A_170 = tpu.unpack_subelements %bitcast3A_168, 1 {pack_format = #tpu.pack_format<interleaved>} : vector<32xbf16> -> vector<16xf32>
      %add3A_171 = arith.addf %add3A_153, %unpack3A_169 : vector<16xf32>
      %add3A_172 = arith.addf %add3A_154, %unpack3A_170 : vector<16xf32>
      %add3A_173 = vector.broadcast %squeeze3A_164 : i32 to vector<16xi32>
      %add3A_174 = arith.addi %add3A_173, %add3A_5 : vector<16xi32>
      %gather3A_175 = tpu.vector_load_idx %arg5[%add3A_174] : memref<10752xi32, #tpu.memory_space<vmem>>[vector<16xi32>], vector<16xi32>,
      %bitcast3A_176 = vector.bitcast %gather3A_175 : vector<16xi32> to vector<32xbf16>
      %unpack3A_177 = tpu.unpack_subelements %bitcast3A_176, 0 {pack_format = #tpu.pack_format<interleaved>} : vector<32xbf16> -> vector<16xf32>
      %unpack3A_178 = tpu.unpack_subelements %bitcast3A_176, 1 {pack_format = #tpu.pack_format<interleaved>} : vector<32xbf16> -> vector<16xf32>
      %add3A_179 = arith.addf %add3A_161, %unpack3A_177 : vector<16xf32>
      %add3A_180 = arith.addf %add3A_162, %unpack3A_178 : vector<16xf32>
      %slice3A_181 = vector.extract_strided_slice %get3A_23 {offsets = [9], sizes = [1], strides = [1]} : vector<16xi32> to vector<1xi32>
      %squeeze3A_182 = vector.extract %slice3A_181[0] : i32 from vector<1xi32>
      %add3A_183 = vector.broadcast %squeeze3A_182 : i32 to vector<16xi32>
      %add3A_184 = arith.addi %add3A_183, %iota3A : vector<16xi32>
      %gather3A_185 = tpu.vector_load_idx %arg5[%add3A_184] : memref<10752xi32, #tpu.memory_space<vmem>>[vector<16xi32>], vector<16xi32>,
      %bitcast3A_186 = vector.bitcast %gather3A_185 : vector<16xi32> to vector<32xbf16>
      %unpack3A_187 = tpu.unpack_subelements %bitcast3A_186, 0 {pack_format = #tpu.pack_format<interleaved>} : vector<32xbf16> -> vector<16xf32>
      %unpack3A_188 = tpu.unpack_subelements %bitcast3A_186, 1 {pack_format = #tpu.pack_format<interleaved>} : vector<32xbf16> -> vector<16xf32>
      %add3A_189 = arith.addf %add3A_171, %unpack3A_187 : vector<16xf32>
      %add3A_190 = arith.addf %add3A_172, %unpack3A_188 : vector<16xf32>
      %add3A_191 = vector.broadcast %squeeze3A_182 : i32 to vector<16xi32>
      %add3A_192 = arith.addi %add3A_191, %add3A_5 : vector<16xi32>
      %gather3A_193 = tpu.vector_load_idx %arg5[%add3A_192] : memref<10752xi32, #tpu.memory_space<vmem>>[vector<16xi32>], vector<16xi32>,
      %bitcast3A_194 = vector.bitcast %gather3A_193 : vector<16xi32> to vector<32xbf16>
      %unpack3A_195 = tpu.unpack_subelements %bitcast3A_194, 0 {pack_format = #tpu.pack_format<interleaved>} : vector<32xbf16> -> vector<16xf32>
      %unpack3A_196 = tpu.unpack_subelements %bitcast3A_194, 1 {pack_format = #tpu.pack_format<interleaved>} : vector<32xbf16> -> vector<16xf32>
      %add3A_197 = arith.addf %add3A_179, %unpack3A_195 : vector<16xf32>
      %add3A_198 = arith.addf %add3A_180, %unpack3A_196 : vector<16xf32>
      %slice3A_199 = vector.extract_strided_slice %get3A_23 {offsets = [10], sizes = [1], strides = [1]} : vector<16xi32> to vector<1xi32>
      %squeeze3A_200 = vector.extract %slice3A_199[0] : i32 from vector<1xi32>
      %add3A_201 = vector.broadcast %squeeze3A_200 : i32 to vector<16xi32>
      %add3A_202 = arith.addi %add3A_201, %iota3A : vector<16xi32>
      %gather3A_203 = tpu.vector_load_idx %arg5[%add3A_202] : memref<10752xi32, #tpu.memory_space<vmem>>[vector<16xi32>], vector<16xi32>,
      %bitcast3A_204 = vector.bitcast %gather3A_203 : vector<16xi32> to vector<32xbf16>
      %unpack3A_205 = tpu.unpack_subelements %bitcast3A_204, 0 {pack_format = #tpu.pack_format<interleaved>} : vector<32xbf16> -> vector<16xf32>
      %unpack3A_206 = tpu.unpack_subelements %bitcast3A_204, 1 {pack_format = #tpu.pack_format<interleaved>} : vector<32xbf16> -> vector<16xf32>
      %add3A_207 = arith.addf %add3A_189, %unpack3A_205 : vector<16xf32>
      %add3A_208 = arith.addf %add3A_190, %unpack3A_206 : vector<16xf32>
      %add3A_209 = vector.broadcast %squeeze3A_200 : i32 to vector<16xi32>
      %add3A_210 = arith.addi %add3A_209, %add3A_5 : vector<16xi32>
      %gather3A_211 = tpu.vector_load_idx %arg5[%add3A_210] : memref<10752xi32, #tpu.memory_space<vmem>>[vector<16xi32>], vector<16xi32>,
      %bitcast3A_212 = vector.bitcast %gather3A_211 : vector<16xi32> to vector<32xbf16>
      %unpack3A_213 = tpu.unpack_subelements %bitcast3A_212, 0 {pack_format = #tpu.pack_format<interleaved>} : vector<32xbf16> -> vector<16xf32>
      %unpack3A_214 = tpu.unpack_subelements %bitcast3A_212, 1 {pack_format = #tpu.pack_format<interleaved>} : vector<32xbf16> -> vector<16xf32>
      %add3A_215 = arith.addf %add3A_197, %unpack3A_213 : vector<16xf32>
      %add3A_216 = arith.addf %add3A_198, %unpack3A_214 : vector<16xf32>
      %slice3A_217 = vector.extract_strided_slice %get3A_23 {offsets = [11], sizes = [1], strides = [1]} : vector<16xi32> to vector<1xi32>
      %squeeze3A_218 = vector.extract %slice3A_217[0] : i32 from vector<1xi32>
      %add3A_219 = vector.broadcast %squeeze3A_218 : i32 to vector<16xi32>
      %add3A_220 = arith.addi %add3A_219, %iota3A : vector<16xi32>
      %gather3A_221 = tpu.vector_load_idx %arg5[%add3A_220] : memref<10752xi32, #tpu.memory_space<vmem>>[vector<16xi32>], vector<16xi32>,
      %bitcast3A_222 = vector.bitcast %gather3A_221 : vector<16xi32> to vector<32xbf16>
      %unpack3A_223 = tpu.unpack_subelements %bitcast3A_222, 0 {pack_format = #tpu.pack_format<interleaved>} : vector<32xbf16> -> vector<16xf32>
      %unpack3A_224 = tpu.unpack_subelements %bitcast3A_222, 1 {pack_format = #tpu.pack_format<interleaved>} : vector<32xbf16> -> vector<16xf32>
      %add3A_225 = arith.addf %add3A_207, %unpack3A_223 : vector<16xf32>
      %add3A_226 = arith.addf %add3A_208, %unpack3A_224 : vector<16xf32>
      %add3A_227 = vector.broadcast %squeeze3A_218 : i32 to vector<16xi32>
      %add3A_228 = arith.addi %add3A_227, %add3A_5 : vector<16xi32>
      %gather3A_229 = tpu.vector_load_idx %arg5[%add3A_228] : memref<10752xi32, #tpu.memory_space<vmem>>[vector<16xi32>], vector<16xi32>,
      %bitcast3A_230 = vector.bitcast %gather3A_229 : vector<16xi32> to vector<32xbf16>
      %unpack3A_231 = tpu.unpack_subelements %bitcast3A_230, 0 {pack_format = #tpu.pack_format<interleaved>} : vector<32xbf16> -> vector<16xf32>
      %unpack3A_232 = tpu.unpack_subelements %bitcast3A_230, 1 {pack_format = #tpu.pack_format<interleaved>} : vector<32xbf16> -> vector<16xf32>
      %add3A_233 = arith.addf %add3A_215, %unpack3A_231 : vector<16xf32>
      %add3A_234 = arith.addf %add3A_216, %unpack3A_232 : vector<16xf32>
      %slice3A_235 = vector.extract_strided_slice %get3A_23 {offsets = [12], sizes = [1], strides = [1]} : vector<16xi32> to vector<1xi32>
      %squeeze3A_236 = vector.extract %slice3A_235[0] : i32 from vector<1xi32>
      %add3A_237 = vector.broadcast %squeeze3A_236 : i32 to vector<16xi32>
      %add3A_238 = arith.addi %add3A_237, %iota3A : vector<16xi32>
      %gather3A_239 = tpu.vector_load_idx %arg5[%add3A_238] : memref<10752xi32, #tpu.memory_space<vmem>>[vector<16xi32>], vector<16xi32>,
      %bitcast3A_240 = vector.bitcast %gather3A_239 : vector<16xi32> to vector<32xbf16>
      %unpack3A_241 = tpu.unpack_subelements %bitcast3A_240, 0 {pack_format = #tpu.pack_format<interleaved>} : vector<32xbf16> -> vector<16xf32>
      %unpack3A_242 = tpu.unpack_subelements %bitcast3A_240, 1 {pack_format = #tpu.pack_format<interleaved>} : vector<32xbf16> -> vector<16xf32>
      %add3A_243 = arith.addf %add3A_225, %unpack3A_241 : vector<16xf32>
      %add3A_244 = arith.addf %add3A_226, %unpack3A_242 : vector<16xf32>
      %add3A_245 = vector.broadcast %squeeze3A_236 : i32 to vector<16xi32>
      %add3A_246 = arith.addi %add3A_245, %add3A_5 : vector<16xi32>
      %gather3A_247 = tpu.vector_load_idx %arg5[%add3A_246] : memref<10752xi32, #tpu.memory_space<vmem>>[vector<16xi32>], vector<16xi32>,
      %bitcast3A_248 = vector.bitcast %gather3A_247 : vector<16xi32> to vector<32xbf16>
      %unpack3A_249 = tpu.unpack_subelements %bitcast3A_248, 0 {pack_format = #tpu.pack_format<interleaved>} : vector<32xbf16> -> vector<16xf32>
      %unpack3A_250 = tpu.unpack_subelements %bitcast3A_248, 1 {pack_format = #tpu.pack_format<interleaved>} : vector<32xbf16> -> vector<16xf32>
      %add3A_251 = arith.addf %add3A_233, %unpack3A_249 : vector<16xf32>
      %add3A_252 = arith.addf %add3A_234, %unpack3A_250 : vector<16xf32>
      %slice3A_253 = vector.extract_strided_slice %get3A_23 {offsets = [13], sizes = [1], strides = [1]} : vector<16xi32> to vector<1xi32>
      %squeeze3A_254 = vector.extract %slice3A_253[0] : i32 from vector<1xi32>
      %add3A_255 = vector.broadcast %squeeze3A_254 : i32 to vector<16xi32>
      %add3A_256 = arith.addi %add3A_255, %iota3A : vector<16xi32>
      %gather3A_257 = tpu.vector_load_idx %arg5[%add3A_256] : memref<10752xi32, #tpu.memory_space<vmem>>[vector<16xi32>], vector<16xi32>,
      %bitcast3A_258 = vector.bitcast %gather3A_257 : vector<16xi32> to vector<32xbf16>
      %unpack3A_259 = tpu.unpack_subelements %bitcast3A_258, 0 {pack_format = #tpu.pack_format<interleaved>} : vector<32xbf16> -> vector<16xf32>
      %unpack3A_260 = tpu.unpack_subelements %bitcast3A_258, 1 {pack_format = #tpu.pack_format<interleaved>} : vector<32xbf16> -> vector<16xf32>
      %add3A_261 = arith.addf %add3A_243, %unpack3A_259 : vector<16xf32>
      %add3A_262 = arith.addf %add3A_244, %unpack3A_260 : vector<16xf32>
      %add3A_263 = vector.broadcast %squeeze3A_254 : i32 to vector<16xi32>
      %add3A_264 = arith.addi %add3A_263, %add3A_5 : vector<16xi32>
      %gather3A_265 = tpu.vector_load_idx %arg5[%add3A_264] : memref<10752xi32, #tpu.memory_space<vmem>>[vector<16xi32>], vector<16xi32>,
      %bitcast3A_266 = vector.bitcast %gather3A_265 : vector<16xi32> to vector<32xbf16>
      %unpack3A_267 = tpu.unpack_subelements %bitcast3A_266, 0 {pack_format = #tpu.pack_format<interleaved>} : vector<32xbf16> -> vector<16xf32>
      %unpack3A_268 = tpu.unpack_subelements %bitcast3A_266, 1 {pack_format = #tpu.pack_format<interleaved>} : vector<32xbf16> -> vector<16xf32>
      %add3A_269 = arith.addf %add3A_251, %unpack3A_267 : vector<16xf32>
      %add3A_270 = arith.addf %add3A_252, %unpack3A_268 : vector<16xf32>
      %slice3A_271 = vector.extract_strided_slice %get3A_23 {offsets = [14], sizes = [1], strides = [1]} : vector<16xi32> to vector<1xi32>
      %squeeze3A_272 = vector.extract %slice3A_271[0] : i32 from vector<1xi32>
      %add3A_273 = vector.broadcast %squeeze3A_272 : i32 to vector<16xi32>
      %add3A_274 = arith.addi %add3A_273, %iota3A : vector<16xi32>
      %gather3A_275 = tpu.vector_load_idx %arg5[%add3A_274] : memref<10752xi32, #tpu.memory_space<vmem>>[vector<16xi32>], vector<16xi32>,
      %bitcast3A_276 = vector.bitcast %gather3A_275 : vector<16xi32> to vector<32xbf16>
      %unpack3A_277 = tpu.unpack_subelements %bitcast3A_276, 0 {pack_format = #tpu.pack_format<interleaved>} : vector<32xbf16> -> vector<16xf32>
      %unpack3A_278 = tpu.unpack_subelements %bitcast3A_276, 1 {pack_format = #tpu.pack_format<interleaved>} : vector<32xbf16> -> vector<16xf32>
      %add3A_279 = arith.addf %add3A_261, %unpack3A_277 : vector<16xf32>
      %add3A_280 = arith.addf %add3A_262, %unpack3A_278 : vector<16xf32>
      %add3A_281 = vector.broadcast %squeeze3A_272 : i32 to vector<16xi32>
      %add3A_282 = arith.addi %add3A_281, %add3A_5 : vector<16xi32>
      %gather3A_283 = tpu.vector_load_idx %arg5[%add3A_282] : memref<10752xi32, #tpu.memory_space<vmem>>[vector<16xi32>], vector<16xi32>,
      %bitcast3A_284 = vector.bitcast %gather3A_283 : vector<16xi32> to vector<32xbf16>
      %unpack3A_285 = tpu.unpack_subelements %bitcast3A_284, 0 {pack_format = #tpu.pack_format<interleaved>} : vector<32xbf16> -> vector<16xf32>
      %unpack3A_286 = tpu.unpack_subelements %bitcast3A_284, 1 {pack_format = #tpu.pack_format<interleaved>} : vector<32xbf16> -> vector<16xf32>
      %add3A_287 = arith.addf %add3A_269, %unpack3A_285 : vector<16xf32>
      %add3A_288 = arith.addf %add3A_270, %unpack3A_286 : vector<16xf32>
      %slice3A_289 = vector.extract_strided_slice %get3A_23 {offsets = [15], sizes = [1], strides = [1]} : vector<16xi32> to vector<1xi32>
      %squeeze3A_290 = vector.extract %slice3A_289[0] : i32 from vector<1xi32>
      %add3A_291 = vector.broadcast %squeeze3A_290 : i32 to vector<16xi32>
      %add3A_292 = arith.addi %add3A_291, %iota3A : vector<16xi32>
      %gather3A_293 = tpu.vector_load_idx %arg5[%add3A_292] : memref<10752xi32, #tpu.memory_space<vmem>>[vector<16xi32>], vector<16xi32>,
      %bitcast3A_294 = vector.bitcast %gather3A_293 : vector<16xi32> to vector<32xbf16>
      %unpack3A_295 = tpu.unpack_subelements %bitcast3A_294, 0 {pack_format = #tpu.pack_format<interleaved>} : vector<32xbf16> -> vector<16xf32>
      %unpack3A_296 = tpu.unpack_subelements %bitcast3A_294, 1 {pack_format = #tpu.pack_format<interleaved>} : vector<32xbf16> -> vector<16xf32>
      %add3A_297 = arith.addf %add3A_279, %unpack3A_295 : vector<16xf32>
      %add3A_298 = arith.addf %add3A_280, %unpack3A_296 : vector<16xf32>
      %add3A_299 = vector.broadcast %squeeze3A_290 : i32 to vector<16xi32>
      %add3A_300 = arith.addi %add3A_299, %add3A_5 : vector<16xi32>
      %gather3A_301 = tpu.vector_load_idx %arg5[%add3A_300] : memref<10752xi32, #tpu.memory_space<vmem>>[vector<16xi32>], vector<16xi32>,
      %bitcast3A_302 = vector.bitcast %gather3A_301 : vector<16xi32> to vector<32xbf16>
      %unpack3A_303 = tpu.unpack_subelements %bitcast3A_302, 0 {pack_format = #tpu.pack_format<interleaved>} : vector<32xbf16> -> vector<16xf32>
      %unpack3A_304 = tpu.unpack_subelements %bitcast3A_302, 1 {pack_format = #tpu.pack_format<interleaved>} : vector<32xbf16> -> vector<16xf32>
      %add3A_305 = arith.addf %add3A_287, %unpack3A_303 : vector<16xf32>
      %add3A_306 = arith.addf %add3A_288, %unpack3A_304 : vector<16xf32>
      %mul3A_307 = arith.constant 6.250000e-02 : f32
      %mul3A_308 = vector.broadcast %mul3A_307 : f32 to vector<16xf32>
      %mul3A_309 = arith.mulf %add3A_297, %mul3A_308 : vector<16xf32>
      %mul3A_310 = arith.constant 64 : i32
      %mul3A_311 = arith.muli %scan3A_13, %mul3A_310 : i32
      %add3A_312 = arith.constant 0 : i32
      %add3A_313 = arith.addi %mul3A_311, %add3A_312 : i32
      %swap3A = arith.index_cast %add3A_313 : i32 to index
      %swap3A_314 = tpu.vector_load %arg7[%swap3A] {strides = array<i32>} : memref<16384xf32, #tpu.memory_space<vmem>>, vector<16xf32>,
      tpu.vector_store %arg7[%swap3A], %mul3A_309 {strides = array<i32>} : memref<16384xf32, #tpu.memory_space<vmem>>, vector<16xf32>,
      %mul3A_315 = arith.constant 6.250000e-02 : f32
      %mul3A_316 = vector.broadcast %mul3A_315 : f32 to vector<16xf32>
      %mul3A_317 = arith.mulf %add3A_298, %mul3A_316 : vector<16xf32>
      %mul3A_318 = arith.constant 64 : i32
      %mul3A_319 = arith.muli %scan3A_13, %mul3A_318 : i32
      %add3A_320 = arith.constant 16 : i32
      %add3A_321 = arith.addi %mul3A_319, %add3A_320 : i32
      %swap3A_322 = arith.index_cast %add3A_321 : i32 to index
      %swap3A_323 = tpu.vector_load %arg7[%swap3A_322] {strides = array<i32>} : memref<16384xf32, #tpu.memory_space<vmem>>, vector<16xf32>,
      tpu.vector_store %arg7[%swap3A_322], %mul3A_317 {strides = array<i32>} : memref<16384xf32, #tpu.memory_space<vmem>>, vector<16xf32>,
      %mul3A_324 = arith.constant 6.250000e-02 : f32
      %mul3A_325 = vector.broadcast %mul3A_324 : f32 to vector<16xf32>
      %mul3A_326 = arith.mulf %add3A_305, %mul3A_325 : vector<16xf32>
      %mul3A_327 = arith.constant 64 : i32
      %mul3A_328 = arith.muli %scan3A_13, %mul3A_327 : i32
      %add3A_329 = arith.constant 32 : i32
      %add3A_330 = arith.addi %mul3A_328, %add3A_329 : i32
      %swap3A_331 = arith.index_cast %add3A_330 : i32 to index
      %swap3A_332 = tpu.vector_load %arg7[%swap3A_331] {strides = array<i32>} : memref<16384xf32, #tpu.memory_space<vmem>>, vector<16xf32>,
      tpu.vector_store %arg7[%swap3A_331], %mul3A_326 {strides = array<i32>} : memref<16384xf32, #tpu.memory_space<vmem>>, vector<16xf32>,
      %mul3A_333 = arith.constant 6.250000e-02 : f32
      %mul3A_334 = vector.broadcast %mul3A_333 : f32 to vector<16xf32>
      %mul3A_335 = arith.mulf %add3A_306, %mul3A_334 : vector<16xf32>
      %mul3A_336 = arith.constant 64 : i32
      %mul3A_337 = arith.muli %scan3A_13, %mul3A_336 : i32
      %add3A_338 = arith.constant 48 : i32
      %add3A_339 = arith.addi %mul3A_337, %add3A_338 : i32
      %swap3A_340 = arith.index_cast %add3A_339 : i32 to index
      %swap3A_341 = tpu.vector_load %arg7[%swap3A_340] {strides = array<i32>} : memref<16384xf32, #tpu.memory_space<vmem>>, vector<16xf32>,
      tpu.vector_store %arg7[%swap3A_340], %mul3A_335 {strides = array<i32>} : memref<16384xf32, #tpu.memory_space<vmem>>, vector<16xf32>,
    }
    %scan3A_10 = arith.constant 256 : i32
    %mul3A_11 = arith.constant 16384 : i32
    %mul3A_12 = arith.muli %add3A, %mul3A_11 : i32
    "tpu.region"() ({
      %run_scoped3A = tpu.sem_alloc : memref<!tpu.dma_semaphore, #tpu.memory_space<semaphore_mem>>
      %dma_start3A = tpu.memref_slice %arg4[%mul3A_12] : memref<524288xf32, #tpu.memory_space<hbm>> -> memref<16384xf32, #tpu.memory_space<hbm>>
      %dma_start3A_13 = tpu.memref_slice %arg4[%mul3A_12] : memref<524288xf32, #tpu.memory_space<hbm>> -> memref<16384xf32, #tpu.memory_space<hbm>>
      tpu.enqueue_dma source(%arg7 : memref<16384xf32, #tpu.memory_space<vmem>>) target(%dma_start3A_13 : memref<16384xf32, #tpu.memory_space<hbm>>) target_semaphore(%run_scoped3A : memref<!tpu.dma_semaphore, #tpu.memory_space<semaphore_mem>>)
      %dma_wait3A = tpu.memref_slice %arg4[%mul3A_12] : memref<524288xf32, #tpu.memory_space<hbm>> -> memref<16384xf32, #tpu.memory_space<hbm>>
      %dma_wait3A_14 = tpu.memref_slice %arg4[%mul3A_12] : memref<524288xf32, #tpu.memory_space<hbm>> -> memref<16384xf32, #tpu.memory_space<hbm>>
      tpu.wait_dma2 semaphore(%run_scoped3A : memref<!tpu.dma_semaphore, #tpu.memory_space<semaphore_mem>>) src(%arg7 : memref<16384xf32, #tpu.memory_space<vmem>>) dst(%dma_wait3A_14 : memref<16384xf32, #tpu.memory_space<hbm>>)
      tpu.yield
    }) : () -> ()
    return
  }
}

#map = affine_map<(d0, d1) -> (0)>
module attributes {stable_mosaic.version = 14 : i64} {
  func.func @bag(%arg0: i32, %arg1: i32, %arg2: memref<10752xi32, #tpu.memory_space<hbm>>, %arg3: memref<131072xi32, #tpu.memory_space<hbm>>, %arg4: memref<524288xf32, #tpu.memory_space<hbm>>, %arg5: memref<10752xi32, #tpu.memory_space<vmem>>, %arg6: memref<4096xi32, #tpu.memory_space<vmem>>, %arg7: memref<16384xf32, #tpu.memory_space<vmem>>) attributes {dimension_semantics = [#tpu.dimension_semantics<core_parallel>, #tpu.dimension_semantics<subcore_parallel>], iteration_bounds = array<i64: 2, 16>, scalar_prefetch = 0 : i64, scratch_operands = 3 : i64, tpu.core_type = #tpu.core_type<sc_vector_subcore>, window_params = [{transform_indices = #map}, {transform_indices = #map}, {transform_indices = #map}]} {
    %mul3A = arith.constant 2 : i32
    %mul3A_0 = arith.muli %arg1, %mul3A : i32
    %add3A = arith.addi %mul3A_0, %arg0 : i32
    "tpu.region"() ({
      %run_scoped3A = tpu.sem_alloc : memref<!tpu.dma_semaphore, #tpu.memory_space<semaphore_mem>>
      tpu.enqueue_dma source(%arg2 : memref<10752xi32, #tpu.memory_space<hbm>>) target(%arg5 : memref<10752xi32, #tpu.memory_space<vmem>>) target_semaphore(%run_scoped3A : memref<!tpu.dma_semaphore, #tpu.memory_space<semaphore_mem>>)
      tpu.wait_dma2 semaphore(%run_scoped3A : memref<!tpu.dma_semaphore, #tpu.memory_space<semaphore_mem>>) src(%arg2 : memref<10752xi32, #tpu.memory_space<hbm>>) dst(%arg5 : memref<10752xi32, #tpu.memory_space<vmem>>)
      tpu.yield
    }) : () -> ()
    %mul3A_1 = arith.constant 4096 : i32
    %mul3A_2 = arith.muli %add3A, %mul3A_1 : i32
    "tpu.region"() ({
      %run_scoped3A = tpu.sem_alloc : memref<!tpu.dma_semaphore, #tpu.memory_space<semaphore_mem>>
      %dma_start3A = tpu.memref_slice %arg3[%mul3A_2] : memref<131072xi32, #tpu.memory_space<hbm>> -> memref<4096xi32, #tpu.memory_space<hbm>>
      %dma_start3A_13 = tpu.memref_slice %arg3[%mul3A_2] : memref<131072xi32, #tpu.memory_space<hbm>> -> memref<4096xi32, #tpu.memory_space<hbm>>
      tpu.enqueue_dma source(%dma_start3A_13 : memref<4096xi32, #tpu.memory_space<hbm>>) target(%arg6 : memref<4096xi32, #tpu.memory_space<vmem>>) target_semaphore(%run_scoped3A : memref<!tpu.dma_semaphore, #tpu.memory_space<semaphore_mem>>)
      %dma_wait3A = tpu.memref_slice %arg3[%mul3A_2] : memref<131072xi32, #tpu.memory_space<hbm>> -> memref<4096xi32, #tpu.memory_space<hbm>>
      %dma_wait3A_14 = tpu.memref_slice %arg3[%mul3A_2] : memref<131072xi32, #tpu.memory_space<hbm>> -> memref<4096xi32, #tpu.memory_space<hbm>>
      tpu.wait_dma2 semaphore(%run_scoped3A : memref<!tpu.dma_semaphore, #tpu.memory_space<semaphore_mem>>) src(%dma_wait3A_14 : memref<4096xi32, #tpu.memory_space<hbm>>) dst(%arg6 : memref<4096xi32, #tpu.memory_space<vmem>>)
      tpu.yield
    }) : () -> ()
    %iota3A = tpu.iota {dimensions = array<i32: 0>} : vector<16xi32>
    %add3A_3 = arith.constant 16 : i32
    %add3A_4 = vector.broadcast %add3A_3 : i32 to vector<16xi32>
    %add3A_5 = arith.addi %iota3A, %add3A_4 : vector<16xi32>
    %scan3A = arith.constant 0 : i32
    %scan3A_6 = arith.constant 0 : i32
    %scan3A_7 = arith.constant 256 : i32
    %scan3A_8 = arith.addi %scan3A_6, %scan3A_7 : i32
    %scan3A_9 = arith.constant 1 : i32
    scf.for %scan3A_13 = %scan3A_6 to %scan3A_8 step %scan3A_9  : i32 {
      %broadcast_in_dim3A = arith.constant 0.000000e+00 : f32
      %broadcast_in_dim3A_14 = vector.broadcast %broadcast_in_dim3A : f32 to vector<16xf32>
      %broadcast_in_dim3A_15 = arith.constant 0.000000e+00 : f32
      %broadcast_in_dim3A_16 = vector.broadcast %broadcast_in_dim3A_15 : f32 to vector<16xf32>
      %broadcast_in_dim3A_17 = arith.constant 0.000000e+00 : f32
      %broadcast_in_dim3A_18 = vector.broadcast %broadcast_in_dim3A_17 : f32 to vector<16xf32>
      %broadcast_in_dim3A_19 = arith.constant 0.000000e+00 : f32
      %broadcast_in_dim3A_20 = vector.broadcast %broadcast_in_dim3A_19 : f32 to vector<16xf32>
      %mul3A_21 = arith.constant 16 : i32
      %mul3A_22 = arith.muli %scan3A_13, %mul3A_21 : i32
      %get3A = arith.index_cast %mul3A_22 : i32 to index
      %get3A_23 = tpu.vector_load %arg6[%get3A] {strides = array<i32>} : memref<4096xi32, #tpu.memory_space<vmem>>, vector<16xi32>,
      %slice3A = vector.extract_strided_slice %get3A_23 {offsets = [0], sizes = [1], strides = [1]} : vector<16xi32> to vector<1xi32>
      %squeeze3A = vector.extract %slice3A[0] : i32 from vector<1xi32>
      %add3A_24 = vector.broadcast %squeeze3A : i32 to vector<16xi32>
      %add3A_25 = arith.addi %add3A_24, %iota3A : vector<16xi32>
      %gather3A = tpu.vector_load_idx %arg5[%add3A_25] : memref<10752xi32, #tpu.memory_space<vmem>>[vector<16xi32>], vector<16xi32>,
      %bitcast3A = vector.bitcast %gather3A : vector<16xi32> to vector<32xbf16>
      %unpack3A = tpu.unpack_subelements %bitcast3A, 0 {pack_format = #tpu.pack_format<interleaved>} : vector<32xbf16> -> vector<16xf32>
      %unpack3A_26 = tpu.unpack_subelements %bitcast3A, 1 {pack_format = #tpu.pack_format<interleaved>} : vector<32xbf16> -> vector<16xf32>
      %add3A_27 = arith.addf %broadcast_in_dim3A_14, %unpack3A : vector<16xf32>
      %add3A_28 = arith.addf %broadcast_in_dim3A_16, %unpack3A_26 : vector<16xf32>
      %add3A_29 = vector.broadcast %squeeze3A : i32 to vector<16xi32>
      %add3A_30 = arith.addi %add3A_29, %add3A_5 : vector<16xi32>
      %gather3A_31 = tpu.vector_load_idx %arg5[%add3A_30] : memref<10752xi32, #tpu.memory_space<vmem>>[vector<16xi32>], vector<16xi32>,
      %bitcast3A_32 = vector.bitcast %gather3A_31 : vector<16xi32> to vector<32xbf16>
      %unpack3A_33 = tpu.unpack_subelements %bitcast3A_32, 0 {pack_format = #tpu.pack_format<interleaved>} : vector<32xbf16> -> vector<16xf32>
      %unpack3A_34 = tpu.unpack_subelements %bitcast3A_32, 1 {pack_format = #tpu.pack_format<interleaved>} : vector<32xbf16> -> vector<16xf32>
      %add3A_35 = arith.addf %broadcast_in_dim3A_18, %unpack3A_33 : vector<16xf32>
      %add3A_36 = arith.addf %broadcast_in_dim3A_20, %unpack3A_34 : vector<16xf32>
      %slice3A_37 = vector.extract_strided_slice %get3A_23 {offsets = [1], sizes = [1], strides = [1]} : vector<16xi32> to vector<1xi32>
      %squeeze3A_38 = vector.extract %slice3A_37[0] : i32 from vector<1xi32>
      %add3A_39 = vector.broadcast %squeeze3A_38 : i32 to vector<16xi32>
      %add3A_40 = arith.addi %add3A_39, %iota3A : vector<16xi32>
      %gather3A_41 = tpu.vector_load_idx %arg5[%add3A_40] : memref<10752xi32, #tpu.memory_space<vmem>>[vector<16xi32>], vector<16xi32>,
      %bitcast3A_42 = vector.bitcast %gather3A_41 : vector<16xi32> to vector<32xbf16>
      %unpack3A_43 = tpu.unpack_subelements %bitcast3A_42, 0 {pack_format = #tpu.pack_format<interleaved>} : vector<32xbf16> -> vector<16xf32>
      %unpack3A_44 = tpu.unpack_subelements %bitcast3A_42, 1 {pack_format = #tpu.pack_format<interleaved>} : vector<32xbf16> -> vector<16xf32>
      %add3A_45 = arith.addf %add3A_27, %unpack3A_43 : vector<16xf32>
      %add3A_46 = arith.addf %add3A_28, %unpack3A_44 : vector<16xf32>
      %add3A_47 = vector.broadcast %squeeze3A_38 : i32 to vector<16xi32>
      %add3A_48 = arith.addi %add3A_47, %add3A_5 : vector<16xi32>
      %gather3A_49 = tpu.vector_load_idx %arg5[%add3A_48] : memref<10752xi32, #tpu.memory_space<vmem>>[vector<16xi32>], vector<16xi32>,
      %bitcast3A_50 = vector.bitcast %gather3A_49 : vector<16xi32> to vector<32xbf16>
      %unpack3A_51 = tpu.unpack_subelements %bitcast3A_50, 0 {pack_format = #tpu.pack_format<interleaved>} : vector<32xbf16> -> vector<16xf32>
      %unpack3A_52 = tpu.unpack_subelements %bitcast3A_50, 1 {pack_format = #tpu.pack_format<interleaved>} : vector<32xbf16> -> vector<16xf32>
      %add3A_53 = arith.addf %add3A_35, %unpack3A_51 : vector<16xf32>
      %add3A_54 = arith.addf %add3A_36, %unpack3A_52 : vector<16xf32>
      %slice3A_55 = vector.extract_strided_slice %get3A_23 {offsets = [2], sizes = [1], strides = [1]} : vector<16xi32> to vector<1xi32>
      %squeeze3A_56 = vector.extract %slice3A_55[0] : i32 from vector<1xi32>
      %add3A_57 = vector.broadcast %squeeze3A_56 : i32 to vector<16xi32>
      %add3A_58 = arith.addi %add3A_57, %iota3A : vector<16xi32>
      %gather3A_59 = tpu.vector_load_idx %arg5[%add3A_58] : memref<10752xi32, #tpu.memory_space<vmem>>[vector<16xi32>], vector<16xi32>,
      %bitcast3A_60 = vector.bitcast %gather3A_59 : vector<16xi32> to vector<32xbf16>
      %unpack3A_61 = tpu.unpack_subelements %bitcast3A_60, 0 {pack_format = #tpu.pack_format<interleaved>} : vector<32xbf16> -> vector<16xf32>
      %unpack3A_62 = tpu.unpack_subelements %bitcast3A_60, 1 {pack_format = #tpu.pack_format<interleaved>} : vector<32xbf16> -> vector<16xf32>
      %add3A_63 = arith.addf %add3A_45, %unpack3A_61 : vector<16xf32>
      %add3A_64 = arith.addf %add3A_46, %unpack3A_62 : vector<16xf32>
      %add3A_65 = vector.broadcast %squeeze3A_56 : i32 to vector<16xi32>
      %add3A_66 = arith.addi %add3A_65, %add3A_5 : vector<16xi32>
      %gather3A_67 = tpu.vector_load_idx %arg5[%add3A_66] : memref<10752xi32, #tpu.memory_space<vmem>>[vector<16xi32>], vector<16xi32>,
      %bitcast3A_68 = vector.bitcast %gather3A_67 : vector<16xi32> to vector<32xbf16>
      %unpack3A_69 = tpu.unpack_subelements %bitcast3A_68, 0 {pack_format = #tpu.pack_format<interleaved>} : vector<32xbf16> -> vector<16xf32>
      %unpack3A_70 = tpu.unpack_subelements %bitcast3A_68, 1 {pack_format = #tpu.pack_format<interleaved>} : vector<32xbf16> -> vector<16xf32>
      %add3A_71 = arith.addf %add3A_53, %unpack3A_69 : vector<16xf32>
      %add3A_72 = arith.addf %add3A_54, %unpack3A_70 : vector<16xf32>
      %slice3A_73 = vector.extract_strided_slice %get3A_23 {offsets = [3], sizes = [1], strides = [1]} : vector<16xi32> to vector<1xi32>
      %squeeze3A_74 = vector.extract %slice3A_73[0] : i32 from vector<1xi32>
      %add3A_75 = vector.broadcast %squeeze3A_74 : i32 to vector<16xi32>
      %add3A_76 = arith.addi %add3A_75, %iota3A : vector<16xi32>
      %gather3A_77 = tpu.vector_load_idx %arg5[%add3A_76] : memref<10752xi32, #tpu.memory_space<vmem>>[vector<16xi32>], vector<16xi32>,
      %bitcast3A_78 = vector.bitcast %gather3A_77 : vector<16xi32> to vector<32xbf16>
      %unpack3A_79 = tpu.unpack_subelements %bitcast3A_78, 0 {pack_format = #tpu.pack_format<interleaved>} : vector<32xbf16> -> vector<16xf32>
      %unpack3A_80 = tpu.unpack_subelements %bitcast3A_78, 1 {pack_format = #tpu.pack_format<interleaved>} : vector<32xbf16> -> vector<16xf32>
      %add3A_81 = arith.addf %add3A_63, %unpack3A_79 : vector<16xf32>
      %add3A_82 = arith.addf %add3A_64, %unpack3A_80 : vector<16xf32>
      %add3A_83 = vector.broadcast %squeeze3A_74 : i32 to vector<16xi32>
      %add3A_84 = arith.addi %add3A_83, %add3A_5 : vector<16xi32>
      %gather3A_85 = tpu.vector_load_idx %arg5[%add3A_84] : memref<10752xi32, #tpu.memory_space<vmem>>[vector<16xi32>], vector<16xi32>,
      %bitcast3A_86 = vector.bitcast %gather3A_85 : vector<16xi32> to vector<32xbf16>
      %unpack3A_87 = tpu.unpack_subelements %bitcast3A_86, 0 {pack_format = #tpu.pack_format<interleaved>} : vector<32xbf16> -> vector<16xf32>
      %unpack3A_88 = tpu.unpack_subelements %bitcast3A_86, 1 {pack_format = #tpu.pack_format<interleaved>} : vector<32xbf16> -> vector<16xf32>
      %add3A_89 = arith.addf %add3A_71, %unpack3A_87 : vector<16xf32>
      %add3A_90 = arith.addf %add3A_72, %unpack3A_88 : vector<16xf32>
      %slice3A_91 = vector.extract_strided_slice %get3A_23 {offsets = [4], sizes = [1], strides = [1]} : vector<16xi32> to vector<1xi32>
      %squeeze3A_92 = vector.extract %slice3A_91[0] : i32 from vector<1xi32>
      %add3A_93 = vector.broadcast %squeeze3A_92 : i32 to vector<16xi32>
      %add3A_94 = arith.addi %add3A_93, %iota3A : vector<16xi32>
      %gather3A_95 = tpu.vector_load_idx %arg5[%add3A_94] : memref<10752xi32, #tpu.memory_space<vmem>>[vector<16xi32>], vector<16xi32>,
      %bitcast3A_96 = vector.bitcast %gather3A_95 : vector<16xi32> to vector<32xbf16>
      %unpack3A_97 = tpu.unpack_subelements %bitcast3A_96, 0 {pack_format = #tpu.pack_format<interleaved>} : vector<32xbf16> -> vector<16xf32>
      %unpack3A_98 = tpu.unpack_subelements %bitcast3A_96, 1 {pack_format = #tpu.pack_format<interleaved>} : vector<32xbf16> -> vector<16xf32>
      %add3A_99 = arith.addf %add3A_81, %unpack3A_97 : vector<16xf32>
      %add3A_100 = arith.addf %add3A_82, %unpack3A_98 : vector<16xf32>
      %add3A_101 = vector.broadcast %squeeze3A_92 : i32 to vector<16xi32>
      %add3A_102 = arith.addi %add3A_101, %add3A_5 : vector<16xi32>
      %gather3A_103 = tpu.vector_load_idx %arg5[%add3A_102] : memref<10752xi32, #tpu.memory_space<vmem>>[vector<16xi32>], vector<16xi32>,
      %bitcast3A_104 = vector.bitcast %gather3A_103 : vector<16xi32> to vector<32xbf16>
      %unpack3A_105 = tpu.unpack_subelements %bitcast3A_104, 0 {pack_format = #tpu.pack_format<interleaved>} : vector<32xbf16> -> vector<16xf32>
      %unpack3A_106 = tpu.unpack_subelements %bitcast3A_104, 1 {pack_format = #tpu.pack_format<interleaved>} : vector<32xbf16> -> vector<16xf32>
      %add3A_107 = arith.addf %add3A_89, %unpack3A_105 : vector<16xf32>
      %add3A_108 = arith.addf %add3A_90, %unpack3A_106 : vector<16xf32>
      %slice3A_109 = vector.extract_strided_slice %get3A_23 {offsets = [5], sizes = [1], strides = [1]} : vector<16xi32> to vector<1xi32>
      %squeeze3A_110 = vector.extract %slice3A_109[0] : i32 from vector<1xi32>
      %add3A_111 = vector.broadcast %squeeze3A_110 : i32 to vector<16xi32>
      %add3A_112 = arith.addi %add3A_111, %iota3A : vector<16xi32>
      %gather3A_113 = tpu.vector_load_idx %arg5[%add3A_112] : memref<10752xi32, #tpu.memory_space<vmem>>[vector<16xi32>], vector<16xi32>,
      %bitcast3A_114 = vector.bitcast %gather3A_113 : vector<16xi32> to vector<32xbf16>
      %unpack3A_115 = tpu.unpack_subelements %bitcast3A_114, 0 {pack_format = #tpu.pack_format<interleaved>} : vector<32xbf16> -> vector<16xf32>
      %unpack3A_116 = tpu.unpack_subelements %bitcast3A_114, 1 {pack_format = #tpu.pack_format<interleaved>} : vector<32xbf16> -> vector<16xf32>
      %add3A_117 = arith.addf %add3A_99, %unpack3A_115 : vector<16xf32>
      %add3A_118 = arith.addf %add3A_100, %unpack3A_116 : vector<16xf32>
      %add3A_119 = vector.broadcast %squeeze3A_110 : i32 to vector<16xi32>
      %add3A_120 = arith.addi %add3A_119, %add3A_5 : vector<16xi32>
      %gather3A_121 = tpu.vector_load_idx %arg5[%add3A_120] : memref<10752xi32, #tpu.memory_space<vmem>>[vector<16xi32>], vector<16xi32>,
      %bitcast3A_122 = vector.bitcast %gather3A_121 : vector<16xi32> to vector<32xbf16>
      %unpack3A_123 = tpu.unpack_subelements %bitcast3A_122, 0 {pack_format = #tpu.pack_format<interleaved>} : vector<32xbf16> -> vector<16xf32>
      %unpack3A_124 = tpu.unpack_subelements %bitcast3A_122, 1 {pack_format = #tpu.pack_format<interleaved>} : vector<32xbf16> -> vector<16xf32>
      %add3A_125 = arith.addf %add3A_107, %unpack3A_123 : vector<16xf32>
      %add3A_126 = arith.addf %add3A_108, %unpack3A_124 : vector<16xf32>
      %slice3A_127 = vector.extract_strided_slice %get3A_23 {offsets = [6], sizes = [1], strides = [1]} : vector<16xi32> to vector<1xi32>
      %squeeze3A_128 = vector.extract %slice3A_127[0] : i32 from vector<1xi32>
      %add3A_129 = vector.broadcast %squeeze3A_128 : i32 to vector<16xi32>
      %add3A_130 = arith.addi %add3A_129, %iota3A : vector<16xi32>
      %gather3A_131 = tpu.vector_load_idx %arg5[%add3A_130] : memref<10752xi32, #tpu.memory_space<vmem>>[vector<16xi32>], vector<16xi32>,
      %bitcast3A_132 = vector.bitcast %gather3A_131 : vector<16xi32> to vector<32xbf16>
      %unpack3A_133 = tpu.unpack_subelements %bitcast3A_132, 0 {pack_format = #tpu.pack_format<interleaved>} : vector<32xbf16> -> vector<16xf32>
      %unpack3A_134 = tpu.unpack_subelements %bitcast3A_132, 1 {pack_format = #tpu.pack_format<interleaved>} : vector<32xbf16> -> vector<16xf32>
      %add3A_135 = arith.addf %add3A_117, %unpack3A_133 : vector<16xf32>
      %add3A_136 = arith.addf %add3A_118, %unpack3A_134 : vector<16xf32>
      %add3A_137 = vector.broadcast %squeeze3A_128 : i32 to vector<16xi32>
      %add3A_138 = arith.addi %add3A_137, %add3A_5 : vector<16xi32>
      %gather3A_139 = tpu.vector_load_idx %arg5[%add3A_138] : memref<10752xi32, #tpu.memory_space<vmem>>[vector<16xi32>], vector<16xi32>,
      %bitcast3A_140 = vector.bitcast %gather3A_139 : vector<16xi32> to vector<32xbf16>
      %unpack3A_141 = tpu.unpack_subelements %bitcast3A_140, 0 {pack_format = #tpu.pack_format<interleaved>} : vector<32xbf16> -> vector<16xf32>
      %unpack3A_142 = tpu.unpack_subelements %bitcast3A_140, 1 {pack_format = #tpu.pack_format<interleaved>} : vector<32xbf16> -> vector<16xf32>
      %add3A_143 = arith.addf %add3A_125, %unpack3A_141 : vector<16xf32>
      %add3A_144 = arith.addf %add3A_126, %unpack3A_142 : vector<16xf32>
      %slice3A_145 = vector.extract_strided_slice %get3A_23 {offsets = [7], sizes = [1], strides = [1]} : vector<16xi32> to vector<1xi32>
      %squeeze3A_146 = vector.extract %slice3A_145[0] : i32 from vector<1xi32>
      %add3A_147 = vector.broadcast %squeeze3A_146 : i32 to vector<16xi32>
      %add3A_148 = arith.addi %add3A_147, %iota3A : vector<16xi32>
      %gather3A_149 = tpu.vector_load_idx %arg5[%add3A_148] : memref<10752xi32, #tpu.memory_space<vmem>>[vector<16xi32>], vector<16xi32>,
      %bitcast3A_150 = vector.bitcast %gather3A_149 : vector<16xi32> to vector<32xbf16>
      %unpack3A_151 = tpu.unpack_subelements %bitcast3A_150, 0 {pack_format = #tpu.pack_format<interleaved>} : vector<32xbf16> -> vector<16xf32>
      %unpack3A_152 = tpu.unpack_subelements %bitcast3A_150, 1 {pack_format = #tpu.pack_format<interleaved>} : vector<32xbf16> -> vector<16xf32>
      %add3A_153 = arith.addf %add3A_135, %unpack3A_151 : vector<16xf32>
      %add3A_154 = arith.addf %add3A_136, %unpack3A_152 : vector<16xf32>
      %add3A_155 = vector.broadcast %squeeze3A_146 : i32 to vector<16xi32>
      %add3A_156 = arith.addi %add3A_155, %add3A_5 : vector<16xi32>
      %gather3A_157 = tpu.vector_load_idx %arg5[%add3A_156] : memref<10752xi32, #tpu.memory_space<vmem>>[vector<16xi32>], vector<16xi32>,
      %bitcast3A_158 = vector.bitcast %gather3A_157 : vector<16xi32> to vector<32xbf16>
      %unpack3A_159 = tpu.unpack_subelements %bitcast3A_158, 0 {pack_format = #tpu.pack_format<interleaved>} : vector<32xbf16> -> vector<16xf32>
      %unpack3A_160 = tpu.unpack_subelements %bitcast3A_158, 1 {pack_format = #tpu.pack_format<interleaved>} : vector<32xbf16> -> vector<16xf32>
      %add3A_161 = arith.addf %add3A_143, %unpack3A_159 : vector<16xf32>
      %add3A_162 = arith.addf %add3A_144, %unpack3A_160 : vector<16xf32>
      %slice3A_163 = vector.extract_strided_slice %get3A_23 {offsets = [8], sizes = [1], strides = [1]} : vector<16xi32> to vector<1xi32>
      %squeeze3A_164 = vector.extract %slice3A_163[0] : i32 from vector<1xi32>
      %add3A_165 = vector.broadcast %squeeze3A_164 : i32 to vector<16xi32>
      %add3A_166 = arith.addi %add3A_165, %iota3A : vector<16xi32>
      %gather3A_167 = tpu.vector_load_idx %arg5[%add3A_166] : memref<10752xi32, #tpu.memory_space<vmem>>[vector<16xi32>], vector<16xi32>,
      %bitcast3A_168 = vector.bitcast %gather3A_167 : vector<16xi32> to vector<32xbf16>
      %unpack3A_169 = tpu.unpack_subelements %bitcast3A_168, 0 {pack_format = #tpu.pack_format<interleaved>} : vector<32xbf16> -> vector<16xf32>
      %unpack3A_170 = tpu.unpack_subelements %bitcast3A_168, 1 {pack_format = #tpu.pack_format<interleaved>} : vector<32xbf16> -> vector<16xf32>
      %add3A_171 = arith.addf %add3A_153, %unpack3A_169 : vector<16xf32>
      %add3A_172 = arith.addf %add3A_154, %unpack3A_170 : vector<16xf32>
      %add3A_173 = vector.broadcast %squeeze3A_164 : i32 to vector<16xi32>
      %add3A_174 = arith.addi %add3A_173, %add3A_5 : vector<16xi32>
      %gather3A_175 = tpu.vector_load_idx %arg5[%add3A_174] : memref<10752xi32, #tpu.memory_space<vmem>>[vector<16xi32>], vector<16xi32>,
      %bitcast3A_176 = vector.bitcast %gather3A_175 : vector<16xi32> to vector<32xbf16>
      %unpack3A_177 = tpu.unpack_subelements %bitcast3A_176, 0 {pack_format = #tpu.pack_format<interleaved>} : vector<32xbf16> -> vector<16xf32>
      %unpack3A_178 = tpu.unpack_subelements %bitcast3A_176, 1 {pack_format = #tpu.pack_format<interleaved>} : vector<32xbf16> -> vector<16xf32>
      %add3A_179 = arith.addf %add3A_161, %unpack3A_177 : vector<16xf32>
      %add3A_180 = arith.addf %add3A_162, %unpack3A_178 : vector<16xf32>
      %slice3A_181 = vector.extract_strided_slice %get3A_23 {offsets = [9], sizes = [1], strides = [1]} : vector<16xi32> to vector<1xi32>
      %squeeze3A_182 = vector.extract %slice3A_181[0] : i32 from vector<1xi32>
      %add3A_183 = vector.broadcast %squeeze3A_182 : i32 to vector<16xi32>
      %add3A_184 = arith.addi %add3A_183, %iota3A : vector<16xi32>
      %gather3A_185 = tpu.vector_load_idx %arg5[%add3A_184] : memref<10752xi32, #tpu.memory_space<vmem>>[vector<16xi32>], vector<16xi32>,
      %bitcast3A_186 = vector.bitcast %gather3A_185 : vector<16xi32> to vector<32xbf16>
      %unpack3A_187 = tpu.unpack_subelements %bitcast3A_186, 0 {pack_format = #tpu.pack_format<interleaved>} : vector<32xbf16> -> vector<16xf32>
      %unpack3A_188 = tpu.unpack_subelements %bitcast3A_186, 1 {pack_format = #tpu.pack_format<interleaved>} : vector<32xbf16> -> vector<16xf32>
      %add3A_189 = arith.addf %add3A_171, %unpack3A_187 : vector<16xf32>
      %add3A_190 = arith.addf %add3A_172, %unpack3A_188 : vector<16xf32>
      %add3A_191 = vector.broadcast %squeeze3A_182 : i32 to vector<16xi32>
      %add3A_192 = arith.addi %add3A_191, %add3A_5 : vector<16xi32>
      %gather3A_193 = tpu.vector_load_idx %arg5[%add3A_192] : memref<10752xi32, #tpu.memory_space<vmem>>[vector<16xi32>], vector<16xi32>,
      %bitcast3A_194 = vector.bitcast %gather3A_193 : vector<16xi32> to vector<32xbf16>
      %unpack3A_195 = tpu.unpack_subelements %bitcast3A_194, 0 {pack_format = #tpu.pack_format<interleaved>} : vector<32xbf16> -> vector<16xf32>
      %unpack3A_196 = tpu.unpack_subelements %bitcast3A_194, 1 {pack_format = #tpu.pack_format<interleaved>} : vector<32xbf16> -> vector<16xf32>
      %add3A_197 = arith.addf %add3A_179, %unpack3A_195 : vector<16xf32>
      %add3A_198 = arith.addf %add3A_180, %unpack3A_196 : vector<16xf32>
      %slice3A_199 = vector.extract_strided_slice %get3A_23 {offsets = [10], sizes = [1], strides = [1]} : vector<16xi32> to vector<1xi32>
      %squeeze3A_200 = vector.extract %slice3A_199[0] : i32 from vector<1xi32>
      %add3A_201 = vector.broadcast %squeeze3A_200 : i32 to vector<16xi32>
      %add3A_202 = arith.addi %add3A_201, %iota3A : vector<16xi32>
      %gather3A_203 = tpu.vector_load_idx %arg5[%add3A_202] : memref<10752xi32, #tpu.memory_space<vmem>>[vector<16xi32>], vector<16xi32>,
      %bitcast3A_204 = vector.bitcast %gather3A_203 : vector<16xi32> to vector<32xbf16>
      %unpack3A_205 = tpu.unpack_subelements %bitcast3A_204, 0 {pack_format = #tpu.pack_format<interleaved>} : vector<32xbf16> -> vector<16xf32>
      %unpack3A_206 = tpu.unpack_subelements %bitcast3A_204, 1 {pack_format = #tpu.pack_format<interleaved>} : vector<32xbf16> -> vector<16xf32>
      %add3A_207 = arith.addf %add3A_189, %unpack3A_205 : vector<16xf32>
      %add3A_208 = arith.addf %add3A_190, %unpack3A_206 : vector<16xf32>
      %add3A_209 = vector.broadcast %squeeze3A_200 : i32 to vector<16xi32>
      %add3A_210 = arith.addi %add3A_209, %add3A_5 : vector<16xi32>
      %gather3A_211 = tpu.vector_load_idx %arg5[%add3A_210] : memref<10752xi32, #tpu.memory_space<vmem>>[vector<16xi32>], vector<16xi32>,
      %bitcast3A_212 = vector.bitcast %gather3A_211 : vector<16xi32> to vector<32xbf16>
      %unpack3A_213 = tpu.unpack_subelements %bitcast3A_212, 0 {pack_format = #tpu.pack_format<interleaved>} : vector<32xbf16> -> vector<16xf32>
      %unpack3A_214 = tpu.unpack_subelements %bitcast3A_212, 1 {pack_format = #tpu.pack_format<interleaved>} : vector<32xbf16> -> vector<16xf32>
      %add3A_215 = arith.addf %add3A_197, %unpack3A_213 : vector<16xf32>
      %add3A_216 = arith.addf %add3A_198, %unpack3A_214 : vector<16xf32>
      %slice3A_217 = vector.extract_strided_slice %get3A_23 {offsets = [11], sizes = [1], strides = [1]} : vector<16xi32> to vector<1xi32>
      %squeeze3A_218 = vector.extract %slice3A_217[0] : i32 from vector<1xi32>
      %add3A_219 = vector.broadcast %squeeze3A_218 : i32 to vector<16xi32>
      %add3A_220 = arith.addi %add3A_219, %iota3A : vector<16xi32>
      %gather3A_221 = tpu.vector_load_idx %arg5[%add3A_220] : memref<10752xi32, #tpu.memory_space<vmem>>[vector<16xi32>], vector<16xi32>,
      %bitcast3A_222 = vector.bitcast %gather3A_221 : vector<16xi32> to vector<32xbf16>
      %unpack3A_223 = tpu.unpack_subelements %bitcast3A_222, 0 {pack_format = #tpu.pack_format<interleaved>} : vector<32xbf16> -> vector<16xf32>
      %unpack3A_224 = tpu.unpack_subelements %bitcast3A_222, 1 {pack_format = #tpu.pack_format<interleaved>} : vector<32xbf16> -> vector<16xf32>
      %add3A_225 = arith.addf %add3A_207, %unpack3A_223 : vector<16xf32>
      %add3A_226 = arith.addf %add3A_208, %unpack3A_224 : vector<16xf32>
      %add3A_227 = vector.broadcast %squeeze3A_218 : i32 to vector<16xi32>
      %add3A_228 = arith.addi %add3A_227, %add3A_5 : vector<16xi32>
      %gather3A_229 = tpu.vector_load_idx %arg5[%add3A_228] : memref<10752xi32, #tpu.memory_space<vmem>>[vector<16xi32>], vector<16xi32>,
      %bitcast3A_230 = vector.bitcast %gather3A_229 : vector<16xi32> to vector<32xbf16>
      %unpack3A_231 = tpu.unpack_subelements %bitcast3A_230, 0 {pack_format = #tpu.pack_format<interleaved>} : vector<32xbf16> -> vector<16xf32>
      %unpack3A_232 = tpu.unpack_subelements %bitcast3A_230, 1 {pack_format = #tpu.pack_format<interleaved>} : vector<32xbf16> -> vector<16xf32>
      %add3A_233 = arith.addf %add3A_215, %unpack3A_231 : vector<16xf32>
      %add3A_234 = arith.addf %add3A_216, %unpack3A_232 : vector<16xf32>
      %slice3A_235 = vector.extract_strided_slice %get3A_23 {offsets = [12], sizes = [1], strides = [1]} : vector<16xi32> to vector<1xi32>
      %squeeze3A_236 = vector.extract %slice3A_235[0] : i32 from vector<1xi32>
      %add3A_237 = vector.broadcast %squeeze3A_236 : i32 to vector<16xi32>
      %add3A_238 = arith.addi %add3A_237, %iota3A : vector<16xi32>
      %gather3A_239 = tpu.vector_load_idx %arg5[%add3A_238] : memref<10752xi32, #tpu.memory_space<vmem>>[vector<16xi32>], vector<16xi32>,
      %bitcast3A_240 = vector.bitcast %gather3A_239 : vector<16xi32> to vector<32xbf16>
      %unpack3A_241 = tpu.unpack_subelements %bitcast3A_240, 0 {pack_format = #tpu.pack_format<interleaved>} : vector<32xbf16> -> vector<16xf32>
      %unpack3A_242 = tpu.unpack_subelements %bitcast3A_240, 1 {pack_format = #tpu.pack_format<interleaved>} : vector<32xbf16> -> vector<16xf32>
      %add3A_243 = arith.addf %add3A_225, %unpack3A_241 : vector<16xf32>
      %add3A_244 = arith.addf %add3A_226, %unpack3A_242 : vector<16xf32>
      %add3A_245 = vector.broadcast %squeeze3A_236 : i32 to vector<16xi32>
      %add3A_246 = arith.addi %add3A_245, %add3A_5 : vector<16xi32>
      %gather3A_247 = tpu.vector_load_idx %arg5[%add3A_246] : memref<10752xi32, #tpu.memory_space<vmem>>[vector<16xi32>], vector<16xi32>,
      %bitcast3A_248 = vector.bitcast %gather3A_247 : vector<16xi32> to vector<32xbf16>
      %unpack3A_249 = tpu.unpack_subelements %bitcast3A_248, 0 {pack_format = #tpu.pack_format<interleaved>} : vector<32xbf16> -> vector<16xf32>
      %unpack3A_250 = tpu.unpack_subelements %bitcast3A_248, 1 {pack_format = #tpu.pack_format<interleaved>} : vector<32xbf16> -> vector<16xf32>
      %add3A_251 = arith.addf %add3A_233, %unpack3A_249 : vector<16xf32>
      %add3A_252 = arith.addf %add3A_234, %unpack3A_250 : vector<16xf32>
      %slice3A_253 = vector.extract_strided_slice %get3A_23 {offsets = [13], sizes = [1], strides = [1]} : vector<16xi32> to vector<1xi32>
      %squeeze3A_254 = vector.extract %slice3A_253[0] : i32 from vector<1xi32>
      %add3A_255 = vector.broadcast %squeeze3A_254 : i32 to vector<16xi32>
      %add3A_256 = arith.addi %add3A_255, %iota3A : vector<16xi32>
      %gather3A_257 = tpu.vector_load_idx %arg5[%add3A_256] : memref<10752xi32, #tpu.memory_space<vmem>>[vector<16xi32>], vector<16xi32>,
      %bitcast3A_258 = vector.bitcast %gather3A_257 : vector<16xi32> to vector<32xbf16>
      %unpack3A_259 = tpu.unpack_subelements %bitcast3A_258, 0 {pack_format = #tpu.pack_format<interleaved>} : vector<32xbf16> -> vector<16xf32>
      %unpack3A_260 = tpu.unpack_subelements %bitcast3A_258, 1 {pack_format = #tpu.pack_format<interleaved>} : vector<32xbf16> -> vector<16xf32>
      %add3A_261 = arith.addf %add3A_243, %unpack3A_259 : vector<16xf32>
      %add3A_262 = arith.addf %add3A_244, %unpack3A_260 : vector<16xf32>
      %add3A_263 = vector.broadcast %squeeze3A_254 : i32 to vector<16xi32>
      %add3A_264 = arith.addi %add3A_263, %add3A_5 : vector<16xi32>
      %gather3A_265 = tpu.vector_load_idx %arg5[%add3A_264] : memref<10752xi32, #tpu.memory_space<vmem>>[vector<16xi32>], vector<16xi32>,
      %bitcast3A_266 = vector.bitcast %gather3A_265 : vector<16xi32> to vector<32xbf16>
      %unpack3A_267 = tpu.unpack_subelements %bitcast3A_266, 0 {pack_format = #tpu.pack_format<interleaved>} : vector<32xbf16> -> vector<16xf32>
      %unpack3A_268 = tpu.unpack_subelements %bitcast3A_266, 1 {pack_format = #tpu.pack_format<interleaved>} : vector<32xbf16> -> vector<16xf32>
      %add3A_269 = arith.addf %add3A_251, %unpack3A_267 : vector<16xf32>
      %add3A_270 = arith.addf %add3A_252, %unpack3A_268 : vector<16xf32>
      %slice3A_271 = vector.extract_strided_slice %get3A_23 {offsets = [14], sizes = [1], strides = [1]} : vector<16xi32> to vector<1xi32>
      %squeeze3A_272 = vector.extract %slice3A_271[0] : i32 from vector<1xi32>
      %add3A_273 = vector.broadcast %squeeze3A_272 : i32 to vector<16xi32>
      %add3A_274 = arith.addi %add3A_273, %iota3A : vector<16xi32>
      %gather3A_275 = tpu.vector_load_idx %arg5[%add3A_274] : memref<10752xi32, #tpu.memory_space<vmem>>[vector<16xi32>], vector<16xi32>,
      %bitcast3A_276 = vector.bitcast %gather3A_275 : vector<16xi32> to vector<32xbf16>
      %unpack3A_277 = tpu.unpack_subelements %bitcast3A_276, 0 {pack_format = #tpu.pack_format<interleaved>} : vector<32xbf16> -> vector<16xf32>
      %unpack3A_278 = tpu.unpack_subelements %bitcast3A_276, 1 {pack_format = #tpu.pack_format<interleaved>} : vector<32xbf16> -> vector<16xf32>
      %add3A_279 = arith.addf %add3A_261, %unpack3A_277 : vector<16xf32>
      %add3A_280 = arith.addf %add3A_262, %unpack3A_278 : vector<16xf32>
      %add3A_281 = vector.broadcast %squeeze3A_272 : i32 to vector<16xi32>
      %add3A_282 = arith.addi %add3A_281, %add3A_5 : vector<16xi32>
      %gather3A_283 = tpu.vector_load_idx %arg5[%add3A_282] : memref<10752xi32, #tpu.memory_space<vmem>>[vector<16xi32>], vector<16xi32>,
      %bitcast3A_284 = vector.bitcast %gather3A_283 : vector<16xi32> to vector<32xbf16>
      %unpack3A_285 = tpu.unpack_subelements %bitcast3A_284, 0 {pack_format = #tpu.pack_format<interleaved>} : vector<32xbf16> -> vector<16xf32>
      %unpack3A_286 = tpu.unpack_subelements %bitcast3A_284, 1 {pack_format = #tpu.pack_format<interleaved>} : vector<32xbf16> -> vector<16xf32>
      %add3A_287 = arith.addf %add3A_269, %unpack3A_285 : vector<16xf32>
      %add3A_288 = arith.addf %add3A_270, %unpack3A_286 : vector<16xf32>
      %slice3A_289 = vector.extract_strided_slice %get3A_23 {offsets = [15], sizes = [1], strides = [1]} : vector<16xi32> to vector<1xi32>
      %squeeze3A_290 = vector.extract %slice3A_289[0] : i32 from vector<1xi32>
      %add3A_291 = vector.broadcast %squeeze3A_290 : i32 to vector<16xi32>
      %add3A_292 = arith.addi %add3A_291, %iota3A : vector<16xi32>
      %gather3A_293 = tpu.vector_load_idx %arg5[%add3A_292] : memref<10752xi32, #tpu.memory_space<vmem>>[vector<16xi32>], vector<16xi32>,
      %bitcast3A_294 = vector.bitcast %gather3A_293 : vector<16xi32> to vector<32xbf16>
      %unpack3A_295 = tpu.unpack_subelements %bitcast3A_294, 0 {pack_format = #tpu.pack_format<interleaved>} : vector<32xbf16> -> vector<16xf32>
      %unpack3A_296 = tpu.unpack_subelements %bitcast3A_294, 1 {pack_format = #tpu.pack_format<interleaved>} : vector<32xbf16> -> vector<16xf32>
      %add3A_297 = arith.addf %add3A_279, %unpack3A_295 : vector<16xf32>
      %add3A_298 = arith.addf %add3A_280, %unpack3A_296 : vector<16xf32>
      %add3A_299 = vector.broadcast %squeeze3A_290 : i32 to vector<16xi32>
      %add3A_300 = arith.addi %add3A_299, %add3A_5 : vector<16xi32>
      %gather3A_301 = tpu.vector_load_idx %arg5[%add3A_300] : memref<10752xi32, #tpu.memory_space<vmem>>[vector<16xi32>], vector<16xi32>,
      %bitcast3A_302 = vector.bitcast %gather3A_301 : vector<16xi32> to vector<32xbf16>
      %unpack3A_303 = tpu.unpack_subelements %bitcast3A_302, 0 {pack_format = #tpu.pack_format<interleaved>} : vector<32xbf16> -> vector<16xf32>
      %unpack3A_304 = tpu.unpack_subelements %bitcast3A_302, 1 {pack_format = #tpu.pack_format<interleaved>} : vector<32xbf16> -> vector<16xf32>
      %add3A_305 = arith.addf %add3A_287, %unpack3A_303 : vector<16xf32>
      %add3A_306 = arith.addf %add3A_288, %unpack3A_304 : vector<16xf32>
      %mul3A_307 = arith.constant 6.250000e-02 : f32
      %mul3A_308 = vector.broadcast %mul3A_307 : f32 to vector<16xf32>
      %mul3A_309 = arith.mulf %add3A_297, %mul3A_308 : vector<16xf32>
      %mul3A_310 = arith.constant 64 : i32
      %mul3A_311 = arith.muli %scan3A_13, %mul3A_310 : i32
      %add3A_312 = arith.constant 0 : i32
      %add3A_313 = arith.addi %mul3A_311, %add3A_312 : i32
      %swap3A = arith.index_cast %add3A_313 : i32 to index
      %swap3A_314 = tpu.vector_load %arg7[%swap3A] {strides = array<i32>} : memref<16384xf32, #tpu.memory_space<vmem>>, vector<16xf32>,
      tpu.vector_store %arg7[%swap3A], %mul3A_309 {strides = array<i32>} : memref<16384xf32, #tpu.memory_space<vmem>>, vector<16xf32>,
      %mul3A_315 = arith.constant 6.250000e-02 : f32
      %mul3A_316 = vector.broadcast %mul3A_315 : f32 to vector<16xf32>
      %mul3A_317 = arith.mulf %add3A_298, %mul3A_316 : vector<16xf32>
      %mul3A_318 = arith.constant 64 : i32
      %mul3A_319 = arith.muli %scan3A_13, %mul3A_318 : i32
      %add3A_320 = arith.constant 16 : i32
      %add3A_321 = arith.addi %mul3A_319, %add3A_320 : i32
      %swap3A_322 = arith.index_cast %add3A_321 : i32 to index
      %swap3A_323 = tpu.vector_load %arg7[%swap3A_322] {strides = array<i32>} : memref<16384xf32, #tpu.memory_space<vmem>>, vector<16xf32>,
      tpu.vector_store %arg7[%swap3A_322], %mul3A_317 {strides = array<i32>} : memref<16384xf32, #tpu.memory_space<vmem>>, vector<16xf32>,
      %mul3A_324 = arith.constant 6.250000e-02 : f32
      %mul3A_325 = vector.broadcast %mul3A_324 : f32 to vector<16xf32>
      %mul3A_326 = arith.mulf %add3A_305, %mul3A_325 : vector<16xf32>
      %mul3A_327 = arith.constant 64 : i32
      %mul3A_328 = arith.muli %scan3A_13, %mul3A_327 : i32
      %add3A_329 = arith.constant 32 : i32
      %add3A_330 = arith.addi %mul3A_328, %add3A_329 : i32
      %swap3A_331 = arith.index_cast %add3A_330 : i32 to index
      %swap3A_332 = tpu.vector_load %arg7[%swap3A_331] {strides = array<i32>} : memref<16384xf32, #tpu.memory_space<vmem>>, vector<16xf32>,
      tpu.vector_store %arg7[%swap3A_331], %mul3A_326 {strides = array<i32>} : memref<16384xf32, #tpu.memory_space<vmem>>, vector<16xf32>,
      %mul3A_333 = arith.constant 6.250000e-02 : f32
      %mul3A_334 = vector.broadcast %mul3A_333 : f32 to vector<16xf32>
      %mul3A_335 = arith.mulf %add3A_306, %mul3A_334 : vector<16xf32>
      %mul3A_336 = arith.constant 64 : i32
      %mul3A_337 = arith.muli %scan3A_13, %mul3A_336 : i32
      %add3A_338 = arith.constant 48 : i32
      %add3A_339 = arith.addi %mul3A_337, %add3A_338 : i32
      %swap3A_340 = arith.index_cast %add3A_339 : i32 to index
      %swap3A_341 = tpu.vector_load %arg7[%swap3A_340] {strides = array<i32>} : memref<16384xf32, #tpu.memory_space<vmem>>, vector<16xf32>,
      tpu.vector_store %arg7[%swap3A_340], %mul3A_335 {strides = array<i32>} : memref<16384xf32, #tpu.memory_space<vmem>>, vector<16xf32>,
    }
    %scan3A_10 = arith.constant 256 : i32
    %mul3A_11 = arith.constant 16384 : i32
    %mul3A_12 = arith.muli %add3A, %mul3A_11 : i32
    "tpu.region"() ({
      %run_scoped3A = tpu.sem_alloc : memref<!tpu.dma_semaphore, #tpu.memory_space<semaphore_mem>>
      %dma_start3A = tpu.memref_slice %arg4[%mul3A_12] : memref<524288xf32, #tpu.memory_space<hbm>> -> memref<16384xf32, #tpu.memory_space<hbm>>
      %dma_start3A_13 = tpu.memref_slice %arg4[%mul3A_12] : memref<524288xf32, #tpu.memory_space<hbm>> -> memref<16384xf32, #tpu.memory_space<hbm>>
      tpu.enqueue_dma source(%arg7 : memref<16384xf32, #tpu.memory_space<vmem>>) target(%dma_start3A_13 : memref<16384xf32, #tpu.memory_space<hbm>>) target_semaphore(%run_scoped3A : memref<!tpu.dma_semaphore, #tpu.memory_space<semaphore_mem>>)
      %dma_wait3A = tpu.memref_slice %arg4[%mul3A_12] : memref<524288xf32, #tpu.memory_space<hbm>> -> memref<16384xf32, #tpu.memory_space<hbm>>
      %dma_wait3A_14 = tpu.memref_slice %arg4[%mul3A_12] : memref<524288xf32, #tpu.memory_space<hbm>> -> memref<16384xf32, #tpu.memory_space<hbm>>
      tpu.wait_dma2 semaphore(%run_scoped3A : memref<!tpu.dma_semaphore, #tpu.memory_space<semaphore_mem>>) src(%arg7 : memref<16384xf32, #tpu.memory_space<vmem>>) dst(%dma_wait3A_14 : memref<16384xf32, #tpu.memory_space<hbm>>)
      tpu.yield
    }) : () -> ()
    return
  }
}

#map = affine_map<(d0, d1) -> (0)>
module attributes {stable_mosaic.version = 14 : i64} {
  func.func @bag(%arg0: i32, %arg1: i32, %arg2: memref<10752xi32, #tpu.memory_space<hbm>>, %arg3: memref<131072xi32, #tpu.memory_space<hbm>>, %arg4: memref<524288xf32, #tpu.memory_space<hbm>>, %arg5: memref<10752xi32, #tpu.memory_space<vmem>>, %arg6: memref<4096xi32, #tpu.memory_space<vmem>>, %arg7: memref<16384xf32, #tpu.memory_space<vmem>>) attributes {dimension_semantics = [#tpu.dimension_semantics<core_parallel>, #tpu.dimension_semantics<subcore_parallel>], iteration_bounds = array<i64: 2, 16>, scalar_prefetch = 0 : i64, scratch_operands = 3 : i64, tpu.core_type = #tpu.core_type<sc_vector_subcore>, window_params = [{transform_indices = #map}, {transform_indices = #map}, {transform_indices = #map}]} {
    %mul3A = arith.constant 2 : i32
    %mul3A_0 = arith.muli %arg1, %mul3A : i32
    %add3A = arith.addi %mul3A_0, %arg0 : i32
    "tpu.region"() ({
      %run_scoped3A = tpu.sem_alloc : memref<!tpu.dma_semaphore, #tpu.memory_space<semaphore_mem>>
      tpu.enqueue_dma source(%arg2 : memref<10752xi32, #tpu.memory_space<hbm>>) target(%arg5 : memref<10752xi32, #tpu.memory_space<vmem>>) target_semaphore(%run_scoped3A : memref<!tpu.dma_semaphore, #tpu.memory_space<semaphore_mem>>)
      tpu.wait_dma2 semaphore(%run_scoped3A : memref<!tpu.dma_semaphore, #tpu.memory_space<semaphore_mem>>) src(%arg2 : memref<10752xi32, #tpu.memory_space<hbm>>) dst(%arg5 : memref<10752xi32, #tpu.memory_space<vmem>>)
      tpu.yield
    }) : () -> ()
    %mul3A_1 = arith.constant 4096 : i32
    %mul3A_2 = arith.muli %add3A, %mul3A_1 : i32
    "tpu.region"() ({
      %run_scoped3A = tpu.sem_alloc : memref<!tpu.dma_semaphore, #tpu.memory_space<semaphore_mem>>
      %dma_start3A = tpu.memref_slice %arg3[%mul3A_2] : memref<131072xi32, #tpu.memory_space<hbm>> -> memref<4096xi32, #tpu.memory_space<hbm>>
      %dma_start3A_13 = tpu.memref_slice %arg3[%mul3A_2] : memref<131072xi32, #tpu.memory_space<hbm>> -> memref<4096xi32, #tpu.memory_space<hbm>>
      tpu.enqueue_dma source(%dma_start3A_13 : memref<4096xi32, #tpu.memory_space<hbm>>) target(%arg6 : memref<4096xi32, #tpu.memory_space<vmem>>) target_semaphore(%run_scoped3A : memref<!tpu.dma_semaphore, #tpu.memory_space<semaphore_mem>>)
      %dma_wait3A = tpu.memref_slice %arg3[%mul3A_2] : memref<131072xi32, #tpu.memory_space<hbm>> -> memref<4096xi32, #tpu.memory_space<hbm>>
      %dma_wait3A_14 = tpu.memref_slice %arg3[%mul3A_2] : memref<131072xi32, #tpu.memory_space<hbm>> -> memref<4096xi32, #tpu.memory_space<hbm>>
      tpu.wait_dma2 semaphore(%run_scoped3A : memref<!tpu.dma_semaphore, #tpu.memory_space<semaphore_mem>>) src(%dma_wait3A_14 : memref<4096xi32, #tpu.memory_space<hbm>>) dst(%arg6 : memref<4096xi32, #tpu.memory_space<vmem>>)
      tpu.yield
    }) : () -> ()
    %iota3A = tpu.iota {dimensions = array<i32: 0>} : vector<16xi32>
    %add3A_3 = arith.constant 16 : i32
    %add3A_4 = vector.broadcast %add3A_3 : i32 to vector<16xi32>
    %add3A_5 = arith.addi %iota3A, %add3A_4 : vector<16xi32>
    %scan3A = arith.constant 0 : i32
    %scan3A_6 = arith.constant 0 : i32
    %scan3A_7 = arith.constant 256 : i32
    %scan3A_8 = arith.addi %scan3A_6, %scan3A_7 : i32
    %scan3A_9 = arith.constant 1 : i32
    scf.for %scan3A_13 = %scan3A_6 to %scan3A_8 step %scan3A_9  : i32 {
      %broadcast_in_dim3A = arith.constant 0.000000e+00 : f32
      %broadcast_in_dim3A_14 = vector.broadcast %broadcast_in_dim3A : f32 to vector<16xf32>
      %broadcast_in_dim3A_15 = arith.constant 0.000000e+00 : f32
      %broadcast_in_dim3A_16 = vector.broadcast %broadcast_in_dim3A_15 : f32 to vector<16xf32>
      %broadcast_in_dim3A_17 = arith.constant 0.000000e+00 : f32
      %broadcast_in_dim3A_18 = vector.broadcast %broadcast_in_dim3A_17 : f32 to vector<16xf32>
      %broadcast_in_dim3A_19 = arith.constant 0.000000e+00 : f32
      %broadcast_in_dim3A_20 = vector.broadcast %broadcast_in_dim3A_19 : f32 to vector<16xf32>
      %mul3A_21 = arith.constant 16 : i32
      %mul3A_22 = arith.muli %scan3A_13, %mul3A_21 : i32
      %get3A = arith.index_cast %mul3A_22 : i32 to index
      %get3A_23 = tpu.vector_load %arg6[%get3A] {strides = array<i32>} : memref<4096xi32, #tpu.memory_space<vmem>>, vector<16xi32>,
      %slice3A = vector.extract_strided_slice %get3A_23 {offsets = [0], sizes = [1], strides = [1]} : vector<16xi32> to vector<1xi32>
      %squeeze3A = vector.extract %slice3A[0] : i32 from vector<1xi32>
      %add3A_24 = vector.broadcast %squeeze3A : i32 to vector<16xi32>
      %add3A_25 = arith.addi %add3A_24, %iota3A : vector<16xi32>
      %gather3A = tpu.vector_load_idx %arg5[%add3A_25] : memref<10752xi32, #tpu.memory_space<vmem>>[vector<16xi32>], vector<16xi32>,
      %bitcast3A = vector.bitcast %gather3A : vector<16xi32> to vector<32xbf16>
      %unpack3A = tpu.unpack_subelements %bitcast3A, 0 {pack_format = #tpu.pack_format<interleaved>} : vector<32xbf16> -> vector<16xf32>
      %unpack3A_26 = tpu.unpack_subelements %bitcast3A, 1 {pack_format = #tpu.pack_format<interleaved>} : vector<32xbf16> -> vector<16xf32>
      %add3A_27 = arith.addf %broadcast_in_dim3A_14, %unpack3A : vector<16xf32>
      %add3A_28 = arith.addf %broadcast_in_dim3A_16, %unpack3A_26 : vector<16xf32>
      %add3A_29 = vector.broadcast %squeeze3A : i32 to vector<16xi32>
      %add3A_30 = arith.addi %add3A_29, %add3A_5 : vector<16xi32>
      %gather3A_31 = tpu.vector_load_idx %arg5[%add3A_30] : memref<10752xi32, #tpu.memory_space<vmem>>[vector<16xi32>], vector<16xi32>,
      %bitcast3A_32 = vector.bitcast %gather3A_31 : vector<16xi32> to vector<32xbf16>
      %unpack3A_33 = tpu.unpack_subelements %bitcast3A_32, 0 {pack_format = #tpu.pack_format<interleaved>} : vector<32xbf16> -> vector<16xf32>
      %unpack3A_34 = tpu.unpack_subelements %bitcast3A_32, 1 {pack_format = #tpu.pack_format<interleaved>} : vector<32xbf16> -> vector<16xf32>
      %add3A_35 = arith.addf %broadcast_in_dim3A_18, %unpack3A_33 : vector<16xf32>
      %add3A_36 = arith.addf %broadcast_in_dim3A_20, %unpack3A_34 : vector<16xf32>
      %slice3A_37 = vector.extract_strided_slice %get3A_23 {offsets = [1], sizes = [1], strides = [1]} : vector<16xi32> to vector<1xi32>
      %squeeze3A_38 = vector.extract %slice3A_37[0] : i32 from vector<1xi32>
      %add3A_39 = vector.broadcast %squeeze3A_38 : i32 to vector<16xi32>
      %add3A_40 = arith.addi %add3A_39, %iota3A : vector<16xi32>
      %gather3A_41 = tpu.vector_load_idx %arg5[%add3A_40] : memref<10752xi32, #tpu.memory_space<vmem>>[vector<16xi32>], vector<16xi32>,
      %bitcast3A_42 = vector.bitcast %gather3A_41 : vector<16xi32> to vector<32xbf16>
      %unpack3A_43 = tpu.unpack_subelements %bitcast3A_42, 0 {pack_format = #tpu.pack_format<interleaved>} : vector<32xbf16> -> vector<16xf32>
      %unpack3A_44 = tpu.unpack_subelements %bitcast3A_42, 1 {pack_format = #tpu.pack_format<interleaved>} : vector<32xbf16> -> vector<16xf32>
      %add3A_45 = arith.addf %add3A_27, %unpack3A_43 : vector<16xf32>
      %add3A_46 = arith.addf %add3A_28, %unpack3A_44 : vector<16xf32>
      %add3A_47 = vector.broadcast %squeeze3A_38 : i32 to vector<16xi32>
      %add3A_48 = arith.addi %add3A_47, %add3A_5 : vector<16xi32>
      %gather3A_49 = tpu.vector_load_idx %arg5[%add3A_48] : memref<10752xi32, #tpu.memory_space<vmem>>[vector<16xi32>], vector<16xi32>,
      %bitcast3A_50 = vector.bitcast %gather3A_49 : vector<16xi32> to vector<32xbf16>
      %unpack3A_51 = tpu.unpack_subelements %bitcast3A_50, 0 {pack_format = #tpu.pack_format<interleaved>} : vector<32xbf16> -> vector<16xf32>
      %unpack3A_52 = tpu.unpack_subelements %bitcast3A_50, 1 {pack_format = #tpu.pack_format<interleaved>} : vector<32xbf16> -> vector<16xf32>
      %add3A_53 = arith.addf %add3A_35, %unpack3A_51 : vector<16xf32>
      %add3A_54 = arith.addf %add3A_36, %unpack3A_52 : vector<16xf32>
      %slice3A_55 = vector.extract_strided_slice %get3A_23 {offsets = [2], sizes = [1], strides = [1]} : vector<16xi32> to vector<1xi32>
      %squeeze3A_56 = vector.extract %slice3A_55[0] : i32 from vector<1xi32>
      %add3A_57 = vector.broadcast %squeeze3A_56 : i32 to vector<16xi32>
      %add3A_58 = arith.addi %add3A_57, %iota3A : vector<16xi32>
      %gather3A_59 = tpu.vector_load_idx %arg5[%add3A_58] : memref<10752xi32, #tpu.memory_space<vmem>>[vector<16xi32>], vector<16xi32>,
      %bitcast3A_60 = vector.bitcast %gather3A_59 : vector<16xi32> to vector<32xbf16>
      %unpack3A_61 = tpu.unpack_subelements %bitcast3A_60, 0 {pack_format = #tpu.pack_format<interleaved>} : vector<32xbf16> -> vector<16xf32>
      %unpack3A_62 = tpu.unpack_subelements %bitcast3A_60, 1 {pack_format = #tpu.pack_format<interleaved>} : vector<32xbf16> -> vector<16xf32>
      %add3A_63 = arith.addf %add3A_45, %unpack3A_61 : vector<16xf32>
      %add3A_64 = arith.addf %add3A_46, %unpack3A_62 : vector<16xf32>
      %add3A_65 = vector.broadcast %squeeze3A_56 : i32 to vector<16xi32>
      %add3A_66 = arith.addi %add3A_65, %add3A_5 : vector<16xi32>
      %gather3A_67 = tpu.vector_load_idx %arg5[%add3A_66] : memref<10752xi32, #tpu.memory_space<vmem>>[vector<16xi32>], vector<16xi32>,
      %bitcast3A_68 = vector.bitcast %gather3A_67 : vector<16xi32> to vector<32xbf16>
      %unpack3A_69 = tpu.unpack_subelements %bitcast3A_68, 0 {pack_format = #tpu.pack_format<interleaved>} : vector<32xbf16> -> vector<16xf32>
      %unpack3A_70 = tpu.unpack_subelements %bitcast3A_68, 1 {pack_format = #tpu.pack_format<interleaved>} : vector<32xbf16> -> vector<16xf32>
      %add3A_71 = arith.addf %add3A_53, %unpack3A_69 : vector<16xf32>
      %add3A_72 = arith.addf %add3A_54, %unpack3A_70 : vector<16xf32>
      %slice3A_73 = vector.extract_strided_slice %get3A_23 {offsets = [3], sizes = [1], strides = [1]} : vector<16xi32> to vector<1xi32>
      %squeeze3A_74 = vector.extract %slice3A_73[0] : i32 from vector<1xi32>
      %add3A_75 = vector.broadcast %squeeze3A_74 : i32 to vector<16xi32>
      %add3A_76 = arith.addi %add3A_75, %iota3A : vector<16xi32>
      %gather3A_77 = tpu.vector_load_idx %arg5[%add3A_76] : memref<10752xi32, #tpu.memory_space<vmem>>[vector<16xi32>], vector<16xi32>,
      %bitcast3A_78 = vector.bitcast %gather3A_77 : vector<16xi32> to vector<32xbf16>
      %unpack3A_79 = tpu.unpack_subelements %bitcast3A_78, 0 {pack_format = #tpu.pack_format<interleaved>} : vector<32xbf16> -> vector<16xf32>
      %unpack3A_80 = tpu.unpack_subelements %bitcast3A_78, 1 {pack_format = #tpu.pack_format<interleaved>} : vector<32xbf16> -> vector<16xf32>
      %add3A_81 = arith.addf %add3A_63, %unpack3A_79 : vector<16xf32>
      %add3A_82 = arith.addf %add3A_64, %unpack3A_80 : vector<16xf32>
      %add3A_83 = vector.broadcast %squeeze3A_74 : i32 to vector<16xi32>
      %add3A_84 = arith.addi %add3A_83, %add3A_5 : vector<16xi32>
      %gather3A_85 = tpu.vector_load_idx %arg5[%add3A_84] : memref<10752xi32, #tpu.memory_space<vmem>>[vector<16xi32>], vector<16xi32>,
      %bitcast3A_86 = vector.bitcast %gather3A_85 : vector<16xi32> to vector<32xbf16>
      %unpack3A_87 = tpu.unpack_subelements %bitcast3A_86, 0 {pack_format = #tpu.pack_format<interleaved>} : vector<32xbf16> -> vector<16xf32>
      %unpack3A_88 = tpu.unpack_subelements %bitcast3A_86, 1 {pack_format = #tpu.pack_format<interleaved>} : vector<32xbf16> -> vector<16xf32>
      %add3A_89 = arith.addf %add3A_71, %unpack3A_87 : vector<16xf32>
      %add3A_90 = arith.addf %add3A_72, %unpack3A_88 : vector<16xf32>
      %slice3A_91 = vector.extract_strided_slice %get3A_23 {offsets = [4], sizes = [1], strides = [1]} : vector<16xi32> to vector<1xi32>
      %squeeze3A_92 = vector.extract %slice3A_91[0] : i32 from vector<1xi32>
      %add3A_93 = vector.broadcast %squeeze3A_92 : i32 to vector<16xi32>
      %add3A_94 = arith.addi %add3A_93, %iota3A : vector<16xi32>
      %gather3A_95 = tpu.vector_load_idx %arg5[%add3A_94] : memref<10752xi32, #tpu.memory_space<vmem>>[vector<16xi32>], vector<16xi32>,
      %bitcast3A_96 = vector.bitcast %gather3A_95 : vector<16xi32> to vector<32xbf16>
      %unpack3A_97 = tpu.unpack_subelements %bitcast3A_96, 0 {pack_format = #tpu.pack_format<interleaved>} : vector<32xbf16> -> vector<16xf32>
      %unpack3A_98 = tpu.unpack_subelements %bitcast3A_96, 1 {pack_format = #tpu.pack_format<interleaved>} : vector<32xbf16> -> vector<16xf32>
      %add3A_99 = arith.addf %add3A_81, %unpack3A_97 : vector<16xf32>
      %add3A_100 = arith.addf %add3A_82, %unpack3A_98 : vector<16xf32>
      %add3A_101 = vector.broadcast %squeeze3A_92 : i32 to vector<16xi32>
      %add3A_102 = arith.addi %add3A_101, %add3A_5 : vector<16xi32>
      %gather3A_103 = tpu.vector_load_idx %arg5[%add3A_102] : memref<10752xi32, #tpu.memory_space<vmem>>[vector<16xi32>], vector<16xi32>,
      %bitcast3A_104 = vector.bitcast %gather3A_103 : vector<16xi32> to vector<32xbf16>
      %unpack3A_105 = tpu.unpack_subelements %bitcast3A_104, 0 {pack_format = #tpu.pack_format<interleaved>} : vector<32xbf16> -> vector<16xf32>
      %unpack3A_106 = tpu.unpack_subelements %bitcast3A_104, 1 {pack_format = #tpu.pack_format<interleaved>} : vector<32xbf16> -> vector<16xf32>
      %add3A_107 = arith.addf %add3A_89, %unpack3A_105 : vector<16xf32>
      %add3A_108 = arith.addf %add3A_90, %unpack3A_106 : vector<16xf32>
      %slice3A_109 = vector.extract_strided_slice %get3A_23 {offsets = [5], sizes = [1], strides = [1]} : vector<16xi32> to vector<1xi32>
      %squeeze3A_110 = vector.extract %slice3A_109[0] : i32 from vector<1xi32>
      %add3A_111 = vector.broadcast %squeeze3A_110 : i32 to vector<16xi32>
      %add3A_112 = arith.addi %add3A_111, %iota3A : vector<16xi32>
      %gather3A_113 = tpu.vector_load_idx %arg5[%add3A_112] : memref<10752xi32, #tpu.memory_space<vmem>>[vector<16xi32>], vector<16xi32>,
      %bitcast3A_114 = vector.bitcast %gather3A_113 : vector<16xi32> to vector<32xbf16>
      %unpack3A_115 = tpu.unpack_subelements %bitcast3A_114, 0 {pack_format = #tpu.pack_format<interleaved>} : vector<32xbf16> -> vector<16xf32>
      %unpack3A_116 = tpu.unpack_subelements %bitcast3A_114, 1 {pack_format = #tpu.pack_format<interleaved>} : vector<32xbf16> -> vector<16xf32>
      %add3A_117 = arith.addf %add3A_99, %unpack3A_115 : vector<16xf32>
      %add3A_118 = arith.addf %add3A_100, %unpack3A_116 : vector<16xf32>
      %add3A_119 = vector.broadcast %squeeze3A_110 : i32 to vector<16xi32>
      %add3A_120 = arith.addi %add3A_119, %add3A_5 : vector<16xi32>
      %gather3A_121 = tpu.vector_load_idx %arg5[%add3A_120] : memref<10752xi32, #tpu.memory_space<vmem>>[vector<16xi32>], vector<16xi32>,
      %bitcast3A_122 = vector.bitcast %gather3A_121 : vector<16xi32> to vector<32xbf16>
      %unpack3A_123 = tpu.unpack_subelements %bitcast3A_122, 0 {pack_format = #tpu.pack_format<interleaved>} : vector<32xbf16> -> vector<16xf32>
      %unpack3A_124 = tpu.unpack_subelements %bitcast3A_122, 1 {pack_format = #tpu.pack_format<interleaved>} : vector<32xbf16> -> vector<16xf32>
      %add3A_125 = arith.addf %add3A_107, %unpack3A_123 : vector<16xf32>
      %add3A_126 = arith.addf %add3A_108, %unpack3A_124 : vector<16xf32>
      %slice3A_127 = vector.extract_strided_slice %get3A_23 {offsets = [6], sizes = [1], strides = [1]} : vector<16xi32> to vector<1xi32>
      %squeeze3A_128 = vector.extract %slice3A_127[0] : i32 from vector<1xi32>
      %add3A_129 = vector.broadcast %squeeze3A_128 : i32 to vector<16xi32>
      %add3A_130 = arith.addi %add3A_129, %iota3A : vector<16xi32>
      %gather3A_131 = tpu.vector_load_idx %arg5[%add3A_130] : memref<10752xi32, #tpu.memory_space<vmem>>[vector<16xi32>], vector<16xi32>,
      %bitcast3A_132 = vector.bitcast %gather3A_131 : vector<16xi32> to vector<32xbf16>
      %unpack3A_133 = tpu.unpack_subelements %bitcast3A_132, 0 {pack_format = #tpu.pack_format<interleaved>} : vector<32xbf16> -> vector<16xf32>
      %unpack3A_134 = tpu.unpack_subelements %bitcast3A_132, 1 {pack_format = #tpu.pack_format<interleaved>} : vector<32xbf16> -> vector<16xf32>
      %add3A_135 = arith.addf %add3A_117, %unpack3A_133 : vector<16xf32>
      %add3A_136 = arith.addf %add3A_118, %unpack3A_134 : vector<16xf32>
      %add3A_137 = vector.broadcast %squeeze3A_128 : i32 to vector<16xi32>
      %add3A_138 = arith.addi %add3A_137, %add3A_5 : vector<16xi32>
      %gather3A_139 = tpu.vector_load_idx %arg5[%add3A_138] : memref<10752xi32, #tpu.memory_space<vmem>>[vector<16xi32>], vector<16xi32>,
      %bitcast3A_140 = vector.bitcast %gather3A_139 : vector<16xi32> to vector<32xbf16>
      %unpack3A_141 = tpu.unpack_subelements %bitcast3A_140, 0 {pack_format = #tpu.pack_format<interleaved>} : vector<32xbf16> -> vector<16xf32>
      %unpack3A_142 = tpu.unpack_subelements %bitcast3A_140, 1 {pack_format = #tpu.pack_format<interleaved>} : vector<32xbf16> -> vector<16xf32>
      %add3A_143 = arith.addf %add3A_125, %unpack3A_141 : vector<16xf32>
      %add3A_144 = arith.addf %add3A_126, %unpack3A_142 : vector<16xf32>
      %slice3A_145 = vector.extract_strided_slice %get3A_23 {offsets = [7], sizes = [1], strides = [1]} : vector<16xi32> to vector<1xi32>
      %squeeze3A_146 = vector.extract %slice3A_145[0] : i32 from vector<1xi32>
      %add3A_147 = vector.broadcast %squeeze3A_146 : i32 to vector<16xi32>
      %add3A_148 = arith.addi %add3A_147, %iota3A : vector<16xi32>
      %gather3A_149 = tpu.vector_load_idx %arg5[%add3A_148] : memref<10752xi32, #tpu.memory_space<vmem>>[vector<16xi32>], vector<16xi32>,
      %bitcast3A_150 = vector.bitcast %gather3A_149 : vector<16xi32> to vector<32xbf16>
      %unpack3A_151 = tpu.unpack_subelements %bitcast3A_150, 0 {pack_format = #tpu.pack_format<interleaved>} : vector<32xbf16> -> vector<16xf32>
      %unpack3A_152 = tpu.unpack_subelements %bitcast3A_150, 1 {pack_format = #tpu.pack_format<interleaved>} : vector<32xbf16> -> vector<16xf32>
      %add3A_153 = arith.addf %add3A_135, %unpack3A_151 : vector<16xf32>
      %add3A_154 = arith.addf %add3A_136, %unpack3A_152 : vector<16xf32>
      %add3A_155 = vector.broadcast %squeeze3A_146 : i32 to vector<16xi32>
      %add3A_156 = arith.addi %add3A_155, %add3A_5 : vector<16xi32>
      %gather3A_157 = tpu.vector_load_idx %arg5[%add3A_156] : memref<10752xi32, #tpu.memory_space<vmem>>[vector<16xi32>], vector<16xi32>,
      %bitcast3A_158 = vector.bitcast %gather3A_157 : vector<16xi32> to vector<32xbf16>
      %unpack3A_159 = tpu.unpack_subelements %bitcast3A_158, 0 {pack_format = #tpu.pack_format<interleaved>} : vector<32xbf16> -> vector<16xf32>
      %unpack3A_160 = tpu.unpack_subelements %bitcast3A_158, 1 {pack_format = #tpu.pack_format<interleaved>} : vector<32xbf16> -> vector<16xf32>
      %add3A_161 = arith.addf %add3A_143, %unpack3A_159 : vector<16xf32>
      %add3A_162 = arith.addf %add3A_144, %unpack3A_160 : vector<16xf32>
      %slice3A_163 = vector.extract_strided_slice %get3A_23 {offsets = [8], sizes = [1], strides = [1]} : vector<16xi32> to vector<1xi32>
      %squeeze3A_164 = vector.extract %slice3A_163[0] : i32 from vector<1xi32>
      %add3A_165 = vector.broadcast %squeeze3A_164 : i32 to vector<16xi32>
      %add3A_166 = arith.addi %add3A_165, %iota3A : vector<16xi32>
      %gather3A_167 = tpu.vector_load_idx %arg5[%add3A_166] : memref<10752xi32, #tpu.memory_space<vmem>>[vector<16xi32>], vector<16xi32>,
      %bitcast3A_168 = vector.bitcast %gather3A_167 : vector<16xi32> to vector<32xbf16>
      %unpack3A_169 = tpu.unpack_subelements %bitcast3A_168, 0 {pack_format = #tpu.pack_format<interleaved>} : vector<32xbf16> -> vector<16xf32>
      %unpack3A_170 = tpu.unpack_subelements %bitcast3A_168, 1 {pack_format = #tpu.pack_format<interleaved>} : vector<32xbf16> -> vector<16xf32>
      %add3A_171 = arith.addf %add3A_153, %unpack3A_169 : vector<16xf32>
      %add3A_172 = arith.addf %add3A_154, %unpack3A_170 : vector<16xf32>
      %add3A_173 = vector.broadcast %squeeze3A_164 : i32 to vector<16xi32>
      %add3A_174 = arith.addi %add3A_173, %add3A_5 : vector<16xi32>
      %gather3A_175 = tpu.vector_load_idx %arg5[%add3A_174] : memref<10752xi32, #tpu.memory_space<vmem>>[vector<16xi32>], vector<16xi32>,
      %bitcast3A_176 = vector.bitcast %gather3A_175 : vector<16xi32> to vector<32xbf16>
      %unpack3A_177 = tpu.unpack_subelements %bitcast3A_176, 0 {pack_format = #tpu.pack_format<interleaved>} : vector<32xbf16> -> vector<16xf32>
      %unpack3A_178 = tpu.unpack_subelements %bitcast3A_176, 1 {pack_format = #tpu.pack_format<interleaved>} : vector<32xbf16> -> vector<16xf32>
      %add3A_179 = arith.addf %add3A_161, %unpack3A_177 : vector<16xf32>
      %add3A_180 = arith.addf %add3A_162, %unpack3A_178 : vector<16xf32>
      %slice3A_181 = vector.extract_strided_slice %get3A_23 {offsets = [9], sizes = [1], strides = [1]} : vector<16xi32> to vector<1xi32>
      %squeeze3A_182 = vector.extract %slice3A_181[0] : i32 from vector<1xi32>
      %add3A_183 = vector.broadcast %squeeze3A_182 : i32 to vector<16xi32>
      %add3A_184 = arith.addi %add3A_183, %iota3A : vector<16xi32>
      %gather3A_185 = tpu.vector_load_idx %arg5[%add3A_184] : memref<10752xi32, #tpu.memory_space<vmem>>[vector<16xi32>], vector<16xi32>,
      %bitcast3A_186 = vector.bitcast %gather3A_185 : vector<16xi32> to vector<32xbf16>
      %unpack3A_187 = tpu.unpack_subelements %bitcast3A_186, 0 {pack_format = #tpu.pack_format<interleaved>} : vector<32xbf16> -> vector<16xf32>
      %unpack3A_188 = tpu.unpack_subelements %bitcast3A_186, 1 {pack_format = #tpu.pack_format<interleaved>} : vector<32xbf16> -> vector<16xf32>
      %add3A_189 = arith.addf %add3A_171, %unpack3A_187 : vector<16xf32>
      %add3A_190 = arith.addf %add3A_172, %unpack3A_188 : vector<16xf32>
      %add3A_191 = vector.broadcast %squeeze3A_182 : i32 to vector<16xi32>
      %add3A_192 = arith.addi %add3A_191, %add3A_5 : vector<16xi32>
      %gather3A_193 = tpu.vector_load_idx %arg5[%add3A_192] : memref<10752xi32, #tpu.memory_space<vmem>>[vector<16xi32>], vector<16xi32>,
      %bitcast3A_194 = vector.bitcast %gather3A_193 : vector<16xi32> to vector<32xbf16>
      %unpack3A_195 = tpu.unpack_subelements %bitcast3A_194, 0 {pack_format = #tpu.pack_format<interleaved>} : vector<32xbf16> -> vector<16xf32>
      %unpack3A_196 = tpu.unpack_subelements %bitcast3A_194, 1 {pack_format = #tpu.pack_format<interleaved>} : vector<32xbf16> -> vector<16xf32>
      %add3A_197 = arith.addf %add3A_179, %unpack3A_195 : vector<16xf32>
      %add3A_198 = arith.addf %add3A_180, %unpack3A_196 : vector<16xf32>
      %slice3A_199 = vector.extract_strided_slice %get3A_23 {offsets = [10], sizes = [1], strides = [1]} : vector<16xi32> to vector<1xi32>
      %squeeze3A_200 = vector.extract %slice3A_199[0] : i32 from vector<1xi32>
      %add3A_201 = vector.broadcast %squeeze3A_200 : i32 to vector<16xi32>
      %add3A_202 = arith.addi %add3A_201, %iota3A : vector<16xi32>
      %gather3A_203 = tpu.vector_load_idx %arg5[%add3A_202] : memref<10752xi32, #tpu.memory_space<vmem>>[vector<16xi32>], vector<16xi32>,
      %bitcast3A_204 = vector.bitcast %gather3A_203 : vector<16xi32> to vector<32xbf16>
      %unpack3A_205 = tpu.unpack_subelements %bitcast3A_204, 0 {pack_format = #tpu.pack_format<interleaved>} : vector<32xbf16> -> vector<16xf32>
      %unpack3A_206 = tpu.unpack_subelements %bitcast3A_204, 1 {pack_format = #tpu.pack_format<interleaved>} : vector<32xbf16> -> vector<16xf32>
      %add3A_207 = arith.addf %add3A_189, %unpack3A_205 : vector<16xf32>
      %add3A_208 = arith.addf %add3A_190, %unpack3A_206 : vector<16xf32>
      %add3A_209 = vector.broadcast %squeeze3A_200 : i32 to vector<16xi32>
      %add3A_210 = arith.addi %add3A_209, %add3A_5 : vector<16xi32>
      %gather3A_211 = tpu.vector_load_idx %arg5[%add3A_210] : memref<10752xi32, #tpu.memory_space<vmem>>[vector<16xi32>], vector<16xi32>,
      %bitcast3A_212 = vector.bitcast %gather3A_211 : vector<16xi32> to vector<32xbf16>
      %unpack3A_213 = tpu.unpack_subelements %bitcast3A_212, 0 {pack_format = #tpu.pack_format<interleaved>} : vector<32xbf16> -> vector<16xf32>
      %unpack3A_214 = tpu.unpack_subelements %bitcast3A_212, 1 {pack_format = #tpu.pack_format<interleaved>} : vector<32xbf16> -> vector<16xf32>
      %add3A_215 = arith.addf %add3A_197, %unpack3A_213 : vector<16xf32>
      %add3A_216 = arith.addf %add3A_198, %unpack3A_214 : vector<16xf32>
      %slice3A_217 = vector.extract_strided_slice %get3A_23 {offsets = [11], sizes = [1], strides = [1]} : vector<16xi32> to vector<1xi32>
      %squeeze3A_218 = vector.extract %slice3A_217[0] : i32 from vector<1xi32>
      %add3A_219 = vector.broadcast %squeeze3A_218 : i32 to vector<16xi32>
      %add3A_220 = arith.addi %add3A_219, %iota3A : vector<16xi32>
      %gather3A_221 = tpu.vector_load_idx %arg5[%add3A_220] : memref<10752xi32, #tpu.memory_space<vmem>>[vector<16xi32>], vector<16xi32>,
      %bitcast3A_222 = vector.bitcast %gather3A_221 : vector<16xi32> to vector<32xbf16>
      %unpack3A_223 = tpu.unpack_subelements %bitcast3A_222, 0 {pack_format = #tpu.pack_format<interleaved>} : vector<32xbf16> -> vector<16xf32>
      %unpack3A_224 = tpu.unpack_subelements %bitcast3A_222, 1 {pack_format = #tpu.pack_format<interleaved>} : vector<32xbf16> -> vector<16xf32>
      %add3A_225 = arith.addf %add3A_207, %unpack3A_223 : vector<16xf32>
      %add3A_226 = arith.addf %add3A_208, %unpack3A_224 : vector<16xf32>
      %add3A_227 = vector.broadcast %squeeze3A_218 : i32 to vector<16xi32>
      %add3A_228 = arith.addi %add3A_227, %add3A_5 : vector<16xi32>
      %gather3A_229 = tpu.vector_load_idx %arg5[%add3A_228] : memref<10752xi32, #tpu.memory_space<vmem>>[vector<16xi32>], vector<16xi32>,
      %bitcast3A_230 = vector.bitcast %gather3A_229 : vector<16xi32> to vector<32xbf16>
      %unpack3A_231 = tpu.unpack_subelements %bitcast3A_230, 0 {pack_format = #tpu.pack_format<interleaved>} : vector<32xbf16> -> vector<16xf32>
      %unpack3A_232 = tpu.unpack_subelements %bitcast3A_230, 1 {pack_format = #tpu.pack_format<interleaved>} : vector<32xbf16> -> vector<16xf32>
      %add3A_233 = arith.addf %add3A_215, %unpack3A_231 : vector<16xf32>
      %add3A_234 = arith.addf %add3A_216, %unpack3A_232 : vector<16xf32>
      %slice3A_235 = vector.extract_strided_slice %get3A_23 {offsets = [12], sizes = [1], strides = [1]} : vector<16xi32> to vector<1xi32>
      %squeeze3A_236 = vector.extract %slice3A_235[0] : i32 from vector<1xi32>
      %add3A_237 = vector.broadcast %squeeze3A_236 : i32 to vector<16xi32>
      %add3A_238 = arith.addi %add3A_237, %iota3A : vector<16xi32>
      %gather3A_239 = tpu.vector_load_idx %arg5[%add3A_238] : memref<10752xi32, #tpu.memory_space<vmem>>[vector<16xi32>], vector<16xi32>,
      %bitcast3A_240 = vector.bitcast %gather3A_239 : vector<16xi32> to vector<32xbf16>
      %unpack3A_241 = tpu.unpack_subelements %bitcast3A_240, 0 {pack_format = #tpu.pack_format<interleaved>} : vector<32xbf16> -> vector<16xf32>
      %unpack3A_242 = tpu.unpack_subelements %bitcast3A_240, 1 {pack_format = #tpu.pack_format<interleaved>} : vector<32xbf16> -> vector<16xf32>
      %add3A_243 = arith.addf %add3A_225, %unpack3A_241 : vector<16xf32>
      %add3A_244 = arith.addf %add3A_226, %unpack3A_242 : vector<16xf32>
      %add3A_245 = vector.broadcast %squeeze3A_236 : i32 to vector<16xi32>
      %add3A_246 = arith.addi %add3A_245, %add3A_5 : vector<16xi32>
      %gather3A_247 = tpu.vector_load_idx %arg5[%add3A_246] : memref<10752xi32, #tpu.memory_space<vmem>>[vector<16xi32>], vector<16xi32>,
      %bitcast3A_248 = vector.bitcast %gather3A_247 : vector<16xi32> to vector<32xbf16>
      %unpack3A_249 = tpu.unpack_subelements %bitcast3A_248, 0 {pack_format = #tpu.pack_format<interleaved>} : vector<32xbf16> -> vector<16xf32>
      %unpack3A_250 = tpu.unpack_subelements %bitcast3A_248, 1 {pack_format = #tpu.pack_format<interleaved>} : vector<32xbf16> -> vector<16xf32>
      %add3A_251 = arith.addf %add3A_233, %unpack3A_249 : vector<16xf32>
      %add3A_252 = arith.addf %add3A_234, %unpack3A_250 : vector<16xf32>
      %slice3A_253 = vector.extract_strided_slice %get3A_23 {offsets = [13], sizes = [1], strides = [1]} : vector<16xi32> to vector<1xi32>
      %squeeze3A_254 = vector.extract %slice3A_253[0] : i32 from vector<1xi32>
      %add3A_255 = vector.broadcast %squeeze3A_254 : i32 to vector<16xi32>
      %add3A_256 = arith.addi %add3A_255, %iota3A : vector<16xi32>
      %gather3A_257 = tpu.vector_load_idx %arg5[%add3A_256] : memref<10752xi32, #tpu.memory_space<vmem>>[vector<16xi32>], vector<16xi32>,
      %bitcast3A_258 = vector.bitcast %gather3A_257 : vector<16xi32> to vector<32xbf16>
      %unpack3A_259 = tpu.unpack_subelements %bitcast3A_258, 0 {pack_format = #tpu.pack_format<interleaved>} : vector<32xbf16> -> vector<16xf32>
      %unpack3A_260 = tpu.unpack_subelements %bitcast3A_258, 1 {pack_format = #tpu.pack_format<interleaved>} : vector<32xbf16> -> vector<16xf32>
      %add3A_261 = arith.addf %add3A_243, %unpack3A_259 : vector<16xf32>
      %add3A_262 = arith.addf %add3A_244, %unpack3A_260 : vector<16xf32>
      %add3A_263 = vector.broadcast %squeeze3A_254 : i32 to vector<16xi32>
      %add3A_264 = arith.addi %add3A_263, %add3A_5 : vector<16xi32>
      %gather3A_265 = tpu.vector_load_idx %arg5[%add3A_264] : memref<10752xi32, #tpu.memory_space<vmem>>[vector<16xi32>], vector<16xi32>,
      %bitcast3A_266 = vector.bitcast %gather3A_265 : vector<16xi32> to vector<32xbf16>
      %unpack3A_267 = tpu.unpack_subelements %bitcast3A_266, 0 {pack_format = #tpu.pack_format<interleaved>} : vector<32xbf16> -> vector<16xf32>
      %unpack3A_268 = tpu.unpack_subelements %bitcast3A_266, 1 {pack_format = #tpu.pack_format<interleaved>} : vector<32xbf16> -> vector<16xf32>
      %add3A_269 = arith.addf %add3A_251, %unpack3A_267 : vector<16xf32>
      %add3A_270 = arith.addf %add3A_252, %unpack3A_268 : vector<16xf32>
      %slice3A_271 = vector.extract_strided_slice %get3A_23 {offsets = [14], sizes = [1], strides = [1]} : vector<16xi32> to vector<1xi32>
      %squeeze3A_272 = vector.extract %slice3A_271[0] : i32 from vector<1xi32>
      %add3A_273 = vector.broadcast %squeeze3A_272 : i32 to vector<16xi32>
      %add3A_274 = arith.addi %add3A_273, %iota3A : vector<16xi32>
      %gather3A_275 = tpu.vector_load_idx %arg5[%add3A_274] : memref<10752xi32, #tpu.memory_space<vmem>>[vector<16xi32>], vector<16xi32>,
      %bitcast3A_276 = vector.bitcast %gather3A_275 : vector<16xi32> to vector<32xbf16>
      %unpack3A_277 = tpu.unpack_subelements %bitcast3A_276, 0 {pack_format = #tpu.pack_format<interleaved>} : vector<32xbf16> -> vector<16xf32>
      %unpack3A_278 = tpu.unpack_subelements %bitcast3A_276, 1 {pack_format = #tpu.pack_format<interleaved>} : vector<32xbf16> -> vector<16xf32>
      %add3A_279 = arith.addf %add3A_261, %unpack3A_277 : vector<16xf32>
      %add3A_280 = arith.addf %add3A_262, %unpack3A_278 : vector<16xf32>
      %add3A_281 = vector.broadcast %squeeze3A_272 : i32 to vector<16xi32>
      %add3A_282 = arith.addi %add3A_281, %add3A_5 : vector<16xi32>
      %gather3A_283 = tpu.vector_load_idx %arg5[%add3A_282] : memref<10752xi32, #tpu.memory_space<vmem>>[vector<16xi32>], vector<16xi32>,
      %bitcast3A_284 = vector.bitcast %gather3A_283 : vector<16xi32> to vector<32xbf16>
      %unpack3A_285 = tpu.unpack_subelements %bitcast3A_284, 0 {pack_format = #tpu.pack_format<interleaved>} : vector<32xbf16> -> vector<16xf32>
      %unpack3A_286 = tpu.unpack_subelements %bitcast3A_284, 1 {pack_format = #tpu.pack_format<interleaved>} : vector<32xbf16> -> vector<16xf32>
      %add3A_287 = arith.addf %add3A_269, %unpack3A_285 : vector<16xf32>
      %add3A_288 = arith.addf %add3A_270, %unpack3A_286 : vector<16xf32>
      %slice3A_289 = vector.extract_strided_slice %get3A_23 {offsets = [15], sizes = [1], strides = [1]} : vector<16xi32> to vector<1xi32>
      %squeeze3A_290 = vector.extract %slice3A_289[0] : i32 from vector<1xi32>
      %add3A_291 = vector.broadcast %squeeze3A_290 : i32 to vector<16xi32>
      %add3A_292 = arith.addi %add3A_291, %iota3A : vector<16xi32>
      %gather3A_293 = tpu.vector_load_idx %arg5[%add3A_292] : memref<10752xi32, #tpu.memory_space<vmem>>[vector<16xi32>], vector<16xi32>,
      %bitcast3A_294 = vector.bitcast %gather3A_293 : vector<16xi32> to vector<32xbf16>
      %unpack3A_295 = tpu.unpack_subelements %bitcast3A_294, 0 {pack_format = #tpu.pack_format<interleaved>} : vector<32xbf16> -> vector<16xf32>
      %unpack3A_296 = tpu.unpack_subelements %bitcast3A_294, 1 {pack_format = #tpu.pack_format<interleaved>} : vector<32xbf16> -> vector<16xf32>
      %add3A_297 = arith.addf %add3A_279, %unpack3A_295 : vector<16xf32>
      %add3A_298 = arith.addf %add3A_280, %unpack3A_296 : vector<16xf32>
      %add3A_299 = vector.broadcast %squeeze3A_290 : i32 to vector<16xi32>
      %add3A_300 = arith.addi %add3A_299, %add3A_5 : vector<16xi32>
      %gather3A_301 = tpu.vector_load_idx %arg5[%add3A_300] : memref<10752xi32, #tpu.memory_space<vmem>>[vector<16xi32>], vector<16xi32>,
      %bitcast3A_302 = vector.bitcast %gather3A_301 : vector<16xi32> to vector<32xbf16>
      %unpack3A_303 = tpu.unpack_subelements %bitcast3A_302, 0 {pack_format = #tpu.pack_format<interleaved>} : vector<32xbf16> -> vector<16xf32>
      %unpack3A_304 = tpu.unpack_subelements %bitcast3A_302, 1 {pack_format = #tpu.pack_format<interleaved>} : vector<32xbf16> -> vector<16xf32>
      %add3A_305 = arith.addf %add3A_287, %unpack3A_303 : vector<16xf32>
      %add3A_306 = arith.addf %add3A_288, %unpack3A_304 : vector<16xf32>
      %mul3A_307 = arith.constant 6.250000e-02 : f32
      %mul3A_308 = vector.broadcast %mul3A_307 : f32 to vector<16xf32>
      %mul3A_309 = arith.mulf %add3A_297, %mul3A_308 : vector<16xf32>
      %mul3A_310 = arith.constant 64 : i32
      %mul3A_311 = arith.muli %scan3A_13, %mul3A_310 : i32
      %add3A_312 = arith.constant 0 : i32
      %add3A_313 = arith.addi %mul3A_311, %add3A_312 : i32
      %swap3A = arith.index_cast %add3A_313 : i32 to index
      %swap3A_314 = tpu.vector_load %arg7[%swap3A] {strides = array<i32>} : memref<16384xf32, #tpu.memory_space<vmem>>, vector<16xf32>,
      tpu.vector_store %arg7[%swap3A], %mul3A_309 {strides = array<i32>} : memref<16384xf32, #tpu.memory_space<vmem>>, vector<16xf32>,
      %mul3A_315 = arith.constant 6.250000e-02 : f32
      %mul3A_316 = vector.broadcast %mul3A_315 : f32 to vector<16xf32>
      %mul3A_317 = arith.mulf %add3A_298, %mul3A_316 : vector<16xf32>
      %mul3A_318 = arith.constant 64 : i32
      %mul3A_319 = arith.muli %scan3A_13, %mul3A_318 : i32
      %add3A_320 = arith.constant 16 : i32
      %add3A_321 = arith.addi %mul3A_319, %add3A_320 : i32
      %swap3A_322 = arith.index_cast %add3A_321 : i32 to index
      %swap3A_323 = tpu.vector_load %arg7[%swap3A_322] {strides = array<i32>} : memref<16384xf32, #tpu.memory_space<vmem>>, vector<16xf32>,
      tpu.vector_store %arg7[%swap3A_322], %mul3A_317 {strides = array<i32>} : memref<16384xf32, #tpu.memory_space<vmem>>, vector<16xf32>,
      %mul3A_324 = arith.constant 6.250000e-02 : f32
      %mul3A_325 = vector.broadcast %mul3A_324 : f32 to vector<16xf32>
      %mul3A_326 = arith.mulf %add3A_305, %mul3A_325 : vector<16xf32>
      %mul3A_327 = arith.constant 64 : i32
      %mul3A_328 = arith.muli %scan3A_13, %mul3A_327 : i32
      %add3A_329 = arith.constant 32 : i32
      %add3A_330 = arith.addi %mul3A_328, %add3A_329 : i32
      %swap3A_331 = arith.index_cast %add3A_330 : i32 to index
      %swap3A_332 = tpu.vector_load %arg7[%swap3A_331] {strides = array<i32>} : memref<16384xf32, #tpu.memory_space<vmem>>, vector<16xf32>,
      tpu.vector_store %arg7[%swap3A_331], %mul3A_326 {strides = array<i32>} : memref<16384xf32, #tpu.memory_space<vmem>>, vector<16xf32>,
      %mul3A_333 = arith.constant 6.250000e-02 : f32
      %mul3A_334 = vector.broadcast %mul3A_333 : f32 to vector<16xf32>
      %mul3A_335 = arith.mulf %add3A_306, %mul3A_334 : vector<16xf32>
      %mul3A_336 = arith.constant 64 : i32
      %mul3A_337 = arith.muli %scan3A_13, %mul3A_336 : i32
      %add3A_338 = arith.constant 48 : i32
      %add3A_339 = arith.addi %mul3A_337, %add3A_338 : i32
      %swap3A_340 = arith.index_cast %add3A_339 : i32 to index
      %swap3A_341 = tpu.vector_load %arg7[%swap3A_340] {strides = array<i32>} : memref<16384xf32, #tpu.memory_space<vmem>>, vector<16xf32>,
      tpu.vector_store %arg7[%swap3A_340], %mul3A_335 {strides = array<i32>} : memref<16384xf32, #tpu.memory_space<vmem>>, vector<16xf32>,
    }
    %scan3A_10 = arith.constant 256 : i32
    %mul3A_11 = arith.constant 16384 : i32
    %mul3A_12 = arith.muli %add3A, %mul3A_11 : i32
    "tpu.region"() ({
      %run_scoped3A = tpu.sem_alloc : memref<!tpu.dma_semaphore, #tpu.memory_space<semaphore_mem>>
      %dma_start3A = tpu.memref_slice %arg4[%mul3A_12] : memref<524288xf32, #tpu.memory_space<hbm>> -> memref<16384xf32, #tpu.memory_space<hbm>>
      %dma_start3A_13 = tpu.memref_slice %arg4[%mul3A_12] : memref<524288xf32, #tpu.memory_space<hbm>> -> memref<16384xf32, #tpu.memory_space<hbm>>
      tpu.enqueue_dma source(%arg7 : memref<16384xf32, #tpu.memory_space<vmem>>) target(%dma_start3A_13 : memref<16384xf32, #tpu.memory_space<hbm>>) target_semaphore(%run_scoped3A : memref<!tpu.dma_semaphore, #tpu.memory_space<semaphore_mem>>)
      %dma_wait3A = tpu.memref_slice %arg4[%mul3A_12] : memref<524288xf32, #tpu.memory_space<hbm>> -> memref<16384xf32, #tpu.memory_space<hbm>>
      %dma_wait3A_14 = tpu.memref_slice %arg4[%mul3A_12] : memref<524288xf32, #tpu.memory_space<hbm>> -> memref<16384xf32, #tpu.memory_space<hbm>>
      tpu.wait_dma2 semaphore(%run_scoped3A : memref<!tpu.dma_semaphore, #tpu.memory_space<semaphore_mem>>) src(%arg7 : memref<16384xf32, #tpu.memory_space<vmem>>) dst(%dma_wait3A_14 : memref<16384xf32, #tpu.memory_space<hbm>>)
      tpu.yield
    }) : () -> ()
    return
  }
}

module attributes {stable_mosaic.version = 14 : i64} {
  func.func @_addr_body(%arg0: i32, %arg1: memref<1024x1024xf32, #tpu.memory_space<vmem>>, %arg2: memref<1024x336xbf16, #tpu.memory_space<vmem>>, %arg3: memref<1x336xf32, #tpu.memory_space<vmem>>, %arg4: memref<336x16xbf16, #tpu.memory_space<vmem>>, %arg5: memref<1x16xf32, #tpu.memory_space<vmem>>, %arg6: memref<1024x16xi32, #tpu.memory_space<vmem>>) attributes {dimension_semantics = [#tpu.dimension_semantics<arbitrary>], iteration_bounds = array<i64: 8>, scalar_prefetch = 0 : i64, scratch_operands = 0 : i64, tpu.core_type = #tpu.core_type<tc>, window_params = [{transform_indices = @transform_0, window_bounds = array<i64: 1024, 1024>}, {pipeline_mode = #tpu.pipeline_mode<synchronous>, transform_indices = @transform_1, window_bounds = array<i64: 1024, 336>}, {pipeline_mode = #tpu.pipeline_mode<synchronous>, transform_indices = @transform_2, window_bounds = array<i64: 1, 336>}, {pipeline_mode = #tpu.pipeline_mode<synchronous>, transform_indices = @transform_3, window_bounds = array<i64: 336, 16>}, {pipeline_mode = #tpu.pipeline_mode<synchronous>, transform_indices = @transform_4, window_bounds = array<i64: 1, 16>}, {transform_indices = @transform_5, window_bounds = array<i64: 1024, 16>}]} {
    %get3A = arith.constant 0 : index
    %get3A_0 = arith.constant 0 : index
    %get3A_1 = vector.load %arg1[%get3A, %get3A_0] : memref<1024x1024xf32, #tpu.memory_space<vmem>>, vector<1024x1024xf32>
    %mul3A = arith.mulf %get3A_1, %get3A_1 : vector<1024x1024xf32>
    %reduce_sum3A = arith.constant dense<0.000000e+00> : vector<1024xf32>
    %reduce_sum3A_2 = vector.multi_reduction <add>, %mul3A, %reduce_sum3A [1] : vector<1024x1024xf32> to vector<1024xf32>
    %broadcast_in_dim3A = vector.shape_cast %reduce_sum3A_2 : vector<1024xf32> to vector<1024x1xf32>
    %sqrt3A = math.sqrt %broadcast_in_dim3A : vector<1024x1xf32>
    %max3A = arith.constant 9.99999996E-13 : f32
    %max3A_3 = vector.broadcast %max3A : f32 to vector<1024x1xf32>
    %max3A_4 = arith.maximumf %sqrt3A, %max3A_3 : vector<1024x1xf32>
    %div3A = vector.broadcast %max3A_4 : vector<1024x1xf32> to vector<1024x1024xf32>
    %div3A_5 = arith.divf %get3A_1, %div3A : vector<1024x1024xf32>
    %convert_element_type3A = arith.truncf %div3A_5 : vector<1024x1024xf32> to vector<1024x1024xbf16>
    %get3A_6 = arith.constant 0 : index
    %get3A_7 = arith.constant 0 : index
    %get3A_8 = vector.load %arg2[%get3A_6, %get3A_7] : memref<1024x336xbf16, #tpu.memory_space<vmem>>, vector<1024x336xbf16>
    %dot_general3A = arith.constant dense<0.000000e+00> : vector<1024x336xf32>
    %dot_general3A_9 = tpu.matmul %convert_element_type3A, %get3A_8, %dot_general3A {dimension_numbers = #tpu.dot_dimension_numbers<[1], [0], [0], [1], [0, 0, 1, 1], [], []>, transpose_lhs_hint = false} : vector<1024x1024xbf16>, vector<1024x336xbf16>, vector<1024x336xf32> -> vector<1024x336xf32>
    %get3A_10 = arith.constant 0 : index
    %get3A_11 = arith.constant 0 : index
    %get3A_12 = vector.load %arg3[%get3A_10, %get3A_11] : memref<1x336xf32, #tpu.memory_space<vmem>>, vector<1x336xf32>
    %gt3A = vector.broadcast %get3A_12 : vector<1x336xf32> to vector<1024x336xf32>
    %gt3A_13 = arith.cmpf ogt, %dot_general3A_9, %gt3A : vector<1024x336xf32>
    %convert_element_type3A_14 = arith.extui %gt3A_13 : vector<1024x336xi1> to vector<1024x336xi32>
    %convert_element_type3A_15 = arith.sitofp %convert_element_type3A_14 : vector<1024x336xi32> to vector<1024x336xf32>
    %convert_element_type3A_16 = arith.truncf %convert_element_type3A_15 : vector<1024x336xf32> to vector<1024x336xbf16>
    %get3A_17 = arith.constant 0 : index
    %get3A_18 = arith.constant 0 : index
    %get3A_19 = vector.load %arg4[%get3A_17, %get3A_18] : memref<336x16xbf16, #tpu.memory_space<vmem>>, vector<336x16xbf16>
    %dot_general3A_20 = arith.constant dense<0.000000e+00> : vector<1024x16xf32>
    %dot_general3A_21 = tpu.matmul %convert_element_type3A_16, %get3A_19, %dot_general3A_20 {dimension_numbers = #tpu.dot_dimension_numbers<[1], [0], [0], [1], [0, 0, 1, 1], [], []>, transpose_lhs_hint = false} : vector<1024x336xbf16>, vector<336x16xbf16>, vector<1024x16xf32> -> vector<1024x16xf32>
    %mul3A_22 = arith.constant 3.200000e+01 : f32
    %mul3A_23 = vector.broadcast %mul3A_22 : f32 to vector<1024x16xf32>
    %mul3A_24 = arith.mulf %dot_general3A_21, %mul3A_23 : vector<1024x16xf32>
    %get3A_25 = arith.constant 0 : index
    %get3A_26 = arith.constant 0 : index
    %get3A_27 = vector.load %arg5[%get3A_25, %get3A_26] : memref<1x16xf32, #tpu.memory_space<vmem>>, vector<1x16xf32>
    %add3A = vector.broadcast %get3A_27 : vector<1x16xf32> to vector<1024x16xf32>
    %add3A_28 = arith.addf %mul3A_24, %add3A : vector<1024x16xf32>
    %convert_element_type3A_29 = arith.fptosi %add3A_28 : vector<1024x16xf32> to vector<1024x16xi32>
    %swap3A = arith.constant 0 : index
    %swap3A_30 = arith.constant 0 : index
    %swap3A_31 = vector.load %arg6[%swap3A, %swap3A_30] : memref<1024x16xi32, #tpu.memory_space<vmem>>, vector<1024x16xi32>
    tpu.vector_store %arg6[%swap3A, %swap3A_30], %convert_element_type3A_29 {strides = array<i32>} : memref<1024x16xi32, #tpu.memory_space<vmem>>, vector<1024x16xi32>,
    return
  }
  func.func @transform_0(%arg0: i32) -> (i32, i32) {
    %add3A = arith.constant 24 : i32
    %add3A_0 = arith.addi %add3A, %arg0 : i32
    %c0_i32 = arith.constant 0 : i32
    %c0_i32_1 = arith.constant 0 : i32
    return %add3A_0, %c0_i32 : i32, i32
  }
  func.func @transform_1(%arg0: i32) -> (i32, i32) {
    %c0_i32 = arith.constant 0 : i32
    %c0_i32_0 = arith.constant 0 : i32
    %c0_i32_1 = arith.constant 0 : i32
    return %c0_i32, %c0_i32_0 : i32, i32
  }
  func.func @transform_2(%arg0: i32) -> (i32, i32) {
    %c0_i32 = arith.constant 0 : i32
    %c0_i32_0 = arith.constant 0 : i32
    %c0_i32_1 = arith.constant 0 : i32
    return %c0_i32, %c0_i32_0 : i32, i32
  }
  func.func @transform_3(%arg0: i32) -> (i32, i32) {
    %c0_i32 = arith.constant 0 : i32
    %c0_i32_0 = arith.constant 0 : i32
    %c0_i32_1 = arith.constant 0 : i32
    return %c0_i32, %c0_i32_0 : i32, i32
  }
  func.func @transform_4(%arg0: i32) -> (i32, i32) {
    %c0_i32 = arith.constant 0 : i32
    %c0_i32_0 = arith.constant 0 : i32
    %c0_i32_1 = arith.constant 0 : i32
    return %c0_i32, %c0_i32_0 : i32, i32
  }
  func.func @transform_5(%arg0: i32) -> (i32, i32) {
    %c0_i32 = arith.constant 0 : i32
    %c0_i32_0 = arith.constant 0 : i32
    return %arg0, %c0_i32 : i32, i32
  }
}

module attributes {stable_mosaic.version = 14 : i64} {
  func.func @_addr_body(%arg0: i32, %arg1: memref<1024x1024xf32, #tpu.memory_space<vmem>>, %arg2: memref<1024x336xbf16, #tpu.memory_space<vmem>>, %arg3: memref<1x336xf32, #tpu.memory_space<vmem>>, %arg4: memref<336x16xbf16, #tpu.memory_space<vmem>>, %arg5: memref<1x16xf32, #tpu.memory_space<vmem>>, %arg6: memref<1024x16xi32, #tpu.memory_space<vmem>>) attributes {dimension_semantics = [#tpu.dimension_semantics<arbitrary>], iteration_bounds = array<i64: 8>, scalar_prefetch = 0 : i64, scratch_operands = 0 : i64, tpu.core_type = #tpu.core_type<tc>, window_params = [{transform_indices = @transform_0, window_bounds = array<i64: 1024, 1024>}, {pipeline_mode = #tpu.pipeline_mode<synchronous>, transform_indices = @transform_1, window_bounds = array<i64: 1024, 336>}, {pipeline_mode = #tpu.pipeline_mode<synchronous>, transform_indices = @transform_2, window_bounds = array<i64: 1, 336>}, {pipeline_mode = #tpu.pipeline_mode<synchronous>, transform_indices = @transform_3, window_bounds = array<i64: 336, 16>}, {pipeline_mode = #tpu.pipeline_mode<synchronous>, transform_indices = @transform_4, window_bounds = array<i64: 1, 16>}, {transform_indices = @transform_5, window_bounds = array<i64: 1024, 16>}]} {
    %get3A = arith.constant 0 : index
    %get3A_0 = arith.constant 0 : index
    %get3A_1 = vector.load %arg1[%get3A, %get3A_0] : memref<1024x1024xf32, #tpu.memory_space<vmem>>, vector<1024x1024xf32>
    %mul3A = arith.mulf %get3A_1, %get3A_1 : vector<1024x1024xf32>
    %reduce_sum3A = arith.constant dense<0.000000e+00> : vector<1024xf32>
    %reduce_sum3A_2 = vector.multi_reduction <add>, %mul3A, %reduce_sum3A [1] : vector<1024x1024xf32> to vector<1024xf32>
    %broadcast_in_dim3A = vector.shape_cast %reduce_sum3A_2 : vector<1024xf32> to vector<1024x1xf32>
    %sqrt3A = math.sqrt %broadcast_in_dim3A : vector<1024x1xf32>
    %max3A = arith.constant 9.99999996E-13 : f32
    %max3A_3 = vector.broadcast %max3A : f32 to vector<1024x1xf32>
    %max3A_4 = arith.maximumf %sqrt3A, %max3A_3 : vector<1024x1xf32>
    %div3A = vector.broadcast %max3A_4 : vector<1024x1xf32> to vector<1024x1024xf32>
    %div3A_5 = arith.divf %get3A_1, %div3A : vector<1024x1024xf32>
    %convert_element_type3A = arith.truncf %div3A_5 : vector<1024x1024xf32> to vector<1024x1024xbf16>
    %get3A_6 = arith.constant 0 : index
    %get3A_7 = arith.constant 0 : index
    %get3A_8 = vector.load %arg2[%get3A_6, %get3A_7] : memref<1024x336xbf16, #tpu.memory_space<vmem>>, vector<1024x336xbf16>
    %dot_general3A = arith.constant dense<0.000000e+00> : vector<1024x336xf32>
    %dot_general3A_9 = tpu.matmul %convert_element_type3A, %get3A_8, %dot_general3A {dimension_numbers = #tpu.dot_dimension_numbers<[1], [0], [0], [1], [0, 0, 1, 1], [], []>, transpose_lhs_hint = false} : vector<1024x1024xbf16>, vector<1024x336xbf16>, vector<1024x336xf32> -> vector<1024x336xf32>
    %get3A_10 = arith.constant 0 : index
    %get3A_11 = arith.constant 0 : index
    %get3A_12 = vector.load %arg3[%get3A_10, %get3A_11] : memref<1x336xf32, #tpu.memory_space<vmem>>, vector<1x336xf32>
    %gt3A = vector.broadcast %get3A_12 : vector<1x336xf32> to vector<1024x336xf32>
    %gt3A_13 = arith.cmpf ogt, %dot_general3A_9, %gt3A : vector<1024x336xf32>
    %convert_element_type3A_14 = arith.extui %gt3A_13 : vector<1024x336xi1> to vector<1024x336xi32>
    %convert_element_type3A_15 = arith.sitofp %convert_element_type3A_14 : vector<1024x336xi32> to vector<1024x336xf32>
    %convert_element_type3A_16 = arith.truncf %convert_element_type3A_15 : vector<1024x336xf32> to vector<1024x336xbf16>
    %get3A_17 = arith.constant 0 : index
    %get3A_18 = arith.constant 0 : index
    %get3A_19 = vector.load %arg4[%get3A_17, %get3A_18] : memref<336x16xbf16, #tpu.memory_space<vmem>>, vector<336x16xbf16>
    %dot_general3A_20 = arith.constant dense<0.000000e+00> : vector<1024x16xf32>
    %dot_general3A_21 = tpu.matmul %convert_element_type3A_16, %get3A_19, %dot_general3A_20 {dimension_numbers = #tpu.dot_dimension_numbers<[1], [0], [0], [1], [0, 0, 1, 1], [], []>, transpose_lhs_hint = false} : vector<1024x336xbf16>, vector<336x16xbf16>, vector<1024x16xf32> -> vector<1024x16xf32>
    %mul3A_22 = arith.constant 3.200000e+01 : f32
    %mul3A_23 = vector.broadcast %mul3A_22 : f32 to vector<1024x16xf32>
    %mul3A_24 = arith.mulf %dot_general3A_21, %mul3A_23 : vector<1024x16xf32>
    %get3A_25 = arith.constant 0 : index
    %get3A_26 = arith.constant 0 : index
    %get3A_27 = vector.load %arg5[%get3A_25, %get3A_26] : memref<1x16xf32, #tpu.memory_space<vmem>>, vector<1x16xf32>
    %add3A = vector.broadcast %get3A_27 : vector<1x16xf32> to vector<1024x16xf32>
    %add3A_28 = arith.addf %mul3A_24, %add3A : vector<1024x16xf32>
    %convert_element_type3A_29 = arith.fptosi %add3A_28 : vector<1024x16xf32> to vector<1024x16xi32>
    %swap3A = arith.constant 0 : index
    %swap3A_30 = arith.constant 0 : index
    %swap3A_31 = vector.load %arg6[%swap3A, %swap3A_30] : memref<1024x16xi32, #tpu.memory_space<vmem>>, vector<1024x16xi32>
    tpu.vector_store %arg6[%swap3A, %swap3A_30], %convert_element_type3A_29 {strides = array<i32>} : memref<1024x16xi32, #tpu.memory_space<vmem>>, vector<1024x16xi32>,
    return
  }
  func.func @transform_0(%arg0: i32) -> (i32, i32) {
    %add3A = arith.constant 16 : i32
    %add3A_0 = arith.addi %add3A, %arg0 : i32
    %c0_i32 = arith.constant 0 : i32
    %c0_i32_1 = arith.constant 0 : i32
    return %add3A_0, %c0_i32 : i32, i32
  }
  func.func @transform_1(%arg0: i32) -> (i32, i32) {
    %c0_i32 = arith.constant 0 : i32
    %c0_i32_0 = arith.constant 0 : i32
    %c0_i32_1 = arith.constant 0 : i32
    return %c0_i32, %c0_i32_0 : i32, i32
  }
  func.func @transform_2(%arg0: i32) -> (i32, i32) {
    %c0_i32 = arith.constant 0 : i32
    %c0_i32_0 = arith.constant 0 : i32
    %c0_i32_1 = arith.constant 0 : i32
    return %c0_i32, %c0_i32_0 : i32, i32
  }
  func.func @transform_3(%arg0: i32) -> (i32, i32) {
    %c0_i32 = arith.constant 0 : i32
    %c0_i32_0 = arith.constant 0 : i32
    %c0_i32_1 = arith.constant 0 : i32
    return %c0_i32, %c0_i32_0 : i32, i32
  }
  func.func @transform_4(%arg0: i32) -> (i32, i32) {
    %c0_i32 = arith.constant 0 : i32
    %c0_i32_0 = arith.constant 0 : i32
    %c0_i32_1 = arith.constant 0 : i32
    return %c0_i32, %c0_i32_0 : i32, i32
  }
  func.func @transform_5(%arg0: i32) -> (i32, i32) {
    %c0_i32 = arith.constant 0 : i32
    %c0_i32_0 = arith.constant 0 : i32
    return %arg0, %c0_i32 : i32, i32
  }
}

module attributes {stable_mosaic.version = 14 : i64} {
  func.func @_addr_body(%arg0: i32, %arg1: memref<1024x1024xf32, #tpu.memory_space<vmem>>, %arg2: memref<1024x336xbf16, #tpu.memory_space<vmem>>, %arg3: memref<1x336xf32, #tpu.memory_space<vmem>>, %arg4: memref<336x16xbf16, #tpu.memory_space<vmem>>, %arg5: memref<1x16xf32, #tpu.memory_space<vmem>>, %arg6: memref<1024x16xi32, #tpu.memory_space<vmem>>) attributes {dimension_semantics = [#tpu.dimension_semantics<arbitrary>], iteration_bounds = array<i64: 8>, scalar_prefetch = 0 : i64, scratch_operands = 0 : i64, tpu.core_type = #tpu.core_type<tc>, window_params = [{transform_indices = @transform_0, window_bounds = array<i64: 1024, 1024>}, {pipeline_mode = #tpu.pipeline_mode<synchronous>, transform_indices = @transform_1, window_bounds = array<i64: 1024, 336>}, {pipeline_mode = #tpu.pipeline_mode<synchronous>, transform_indices = @transform_2, window_bounds = array<i64: 1, 336>}, {pipeline_mode = #tpu.pipeline_mode<synchronous>, transform_indices = @transform_3, window_bounds = array<i64: 336, 16>}, {pipeline_mode = #tpu.pipeline_mode<synchronous>, transform_indices = @transform_4, window_bounds = array<i64: 1, 16>}, {transform_indices = @transform_5, window_bounds = array<i64: 1024, 16>}]} {
    %get3A = arith.constant 0 : index
    %get3A_0 = arith.constant 0 : index
    %get3A_1 = vector.load %arg1[%get3A, %get3A_0] : memref<1024x1024xf32, #tpu.memory_space<vmem>>, vector<1024x1024xf32>
    %mul3A = arith.mulf %get3A_1, %get3A_1 : vector<1024x1024xf32>
    %reduce_sum3A = arith.constant dense<0.000000e+00> : vector<1024xf32>
    %reduce_sum3A_2 = vector.multi_reduction <add>, %mul3A, %reduce_sum3A [1] : vector<1024x1024xf32> to vector<1024xf32>
    %broadcast_in_dim3A = vector.shape_cast %reduce_sum3A_2 : vector<1024xf32> to vector<1024x1xf32>
    %sqrt3A = math.sqrt %broadcast_in_dim3A : vector<1024x1xf32>
    %max3A = arith.constant 9.99999996E-13 : f32
    %max3A_3 = vector.broadcast %max3A : f32 to vector<1024x1xf32>
    %max3A_4 = arith.maximumf %sqrt3A, %max3A_3 : vector<1024x1xf32>
    %div3A = vector.broadcast %max3A_4 : vector<1024x1xf32> to vector<1024x1024xf32>
    %div3A_5 = arith.divf %get3A_1, %div3A : vector<1024x1024xf32>
    %convert_element_type3A = arith.truncf %div3A_5 : vector<1024x1024xf32> to vector<1024x1024xbf16>
    %get3A_6 = arith.constant 0 : index
    %get3A_7 = arith.constant 0 : index
    %get3A_8 = vector.load %arg2[%get3A_6, %get3A_7] : memref<1024x336xbf16, #tpu.memory_space<vmem>>, vector<1024x336xbf16>
    %dot_general3A = arith.constant dense<0.000000e+00> : vector<1024x336xf32>
    %dot_general3A_9 = tpu.matmul %convert_element_type3A, %get3A_8, %dot_general3A {dimension_numbers = #tpu.dot_dimension_numbers<[1], [0], [0], [1], [0, 0, 1, 1], [], []>, transpose_lhs_hint = false} : vector<1024x1024xbf16>, vector<1024x336xbf16>, vector<1024x336xf32> -> vector<1024x336xf32>
    %get3A_10 = arith.constant 0 : index
    %get3A_11 = arith.constant 0 : index
    %get3A_12 = vector.load %arg3[%get3A_10, %get3A_11] : memref<1x336xf32, #tpu.memory_space<vmem>>, vector<1x336xf32>
    %gt3A = vector.broadcast %get3A_12 : vector<1x336xf32> to vector<1024x336xf32>
    %gt3A_13 = arith.cmpf ogt, %dot_general3A_9, %gt3A : vector<1024x336xf32>
    %convert_element_type3A_14 = arith.extui %gt3A_13 : vector<1024x336xi1> to vector<1024x336xi32>
    %convert_element_type3A_15 = arith.sitofp %convert_element_type3A_14 : vector<1024x336xi32> to vector<1024x336xf32>
    %convert_element_type3A_16 = arith.truncf %convert_element_type3A_15 : vector<1024x336xf32> to vector<1024x336xbf16>
    %get3A_17 = arith.constant 0 : index
    %get3A_18 = arith.constant 0 : index
    %get3A_19 = vector.load %arg4[%get3A_17, %get3A_18] : memref<336x16xbf16, #tpu.memory_space<vmem>>, vector<336x16xbf16>
    %dot_general3A_20 = arith.constant dense<0.000000e+00> : vector<1024x16xf32>
    %dot_general3A_21 = tpu.matmul %convert_element_type3A_16, %get3A_19, %dot_general3A_20 {dimension_numbers = #tpu.dot_dimension_numbers<[1], [0], [0], [1], [0, 0, 1, 1], [], []>, transpose_lhs_hint = false} : vector<1024x336xbf16>, vector<336x16xbf16>, vector<1024x16xf32> -> vector<1024x16xf32>
    %mul3A_22 = arith.constant 3.200000e+01 : f32
    %mul3A_23 = vector.broadcast %mul3A_22 : f32 to vector<1024x16xf32>
    %mul3A_24 = arith.mulf %dot_general3A_21, %mul3A_23 : vector<1024x16xf32>
    %get3A_25 = arith.constant 0 : index
    %get3A_26 = arith.constant 0 : index
    %get3A_27 = vector.load %arg5[%get3A_25, %get3A_26] : memref<1x16xf32, #tpu.memory_space<vmem>>, vector<1x16xf32>
    %add3A = vector.broadcast %get3A_27 : vector<1x16xf32> to vector<1024x16xf32>
    %add3A_28 = arith.addf %mul3A_24, %add3A : vector<1024x16xf32>
    %convert_element_type3A_29 = arith.fptosi %add3A_28 : vector<1024x16xf32> to vector<1024x16xi32>
    %swap3A = arith.constant 0 : index
    %swap3A_30 = arith.constant 0 : index
    %swap3A_31 = vector.load %arg6[%swap3A, %swap3A_30] : memref<1024x16xi32, #tpu.memory_space<vmem>>, vector<1024x16xi32>
    tpu.vector_store %arg6[%swap3A, %swap3A_30], %convert_element_type3A_29 {strides = array<i32>} : memref<1024x16xi32, #tpu.memory_space<vmem>>, vector<1024x16xi32>,
    return
  }
  func.func @transform_0(%arg0: i32) -> (i32, i32) {
    %add3A = arith.constant 8 : i32
    %add3A_0 = arith.addi %add3A, %arg0 : i32
    %c0_i32 = arith.constant 0 : i32
    %c0_i32_1 = arith.constant 0 : i32
    return %add3A_0, %c0_i32 : i32, i32
  }
  func.func @transform_1(%arg0: i32) -> (i32, i32) {
    %c0_i32 = arith.constant 0 : i32
    %c0_i32_0 = arith.constant 0 : i32
    %c0_i32_1 = arith.constant 0 : i32
    return %c0_i32, %c0_i32_0 : i32, i32
  }
  func.func @transform_2(%arg0: i32) -> (i32, i32) {
    %c0_i32 = arith.constant 0 : i32
    %c0_i32_0 = arith.constant 0 : i32
    %c0_i32_1 = arith.constant 0 : i32
    return %c0_i32, %c0_i32_0 : i32, i32
  }
  func.func @transform_3(%arg0: i32) -> (i32, i32) {
    %c0_i32 = arith.constant 0 : i32
    %c0_i32_0 = arith.constant 0 : i32
    %c0_i32_1 = arith.constant 0 : i32
    return %c0_i32, %c0_i32_0 : i32, i32
  }
  func.func @transform_4(%arg0: i32) -> (i32, i32) {
    %c0_i32 = arith.constant 0 : i32
    %c0_i32_0 = arith.constant 0 : i32
    %c0_i32_1 = arith.constant 0 : i32
    return %c0_i32, %c0_i32_0 : i32, i32
  }
  func.func @transform_5(%arg0: i32) -> (i32, i32) {
    %c0_i32 = arith.constant 0 : i32
    %c0_i32_0 = arith.constant 0 : i32
    return %arg0, %c0_i32 : i32, i32
  }
}

module attributes {stable_mosaic.version = 14 : i64} {
  func.func @_addr_body(%arg0: i32, %arg1: memref<1024x1024xf32, #tpu.memory_space<vmem>>, %arg2: memref<1024x336xbf16, #tpu.memory_space<vmem>>, %arg3: memref<1x336xf32, #tpu.memory_space<vmem>>, %arg4: memref<336x16xbf16, #tpu.memory_space<vmem>>, %arg5: memref<1x16xf32, #tpu.memory_space<vmem>>, %arg6: memref<1024x16xi32, #tpu.memory_space<vmem>>) attributes {dimension_semantics = [#tpu.dimension_semantics<arbitrary>], iteration_bounds = array<i64: 8>, scalar_prefetch = 0 : i64, scratch_operands = 0 : i64, tpu.core_type = #tpu.core_type<tc>, window_params = [{transform_indices = @transform_0, window_bounds = array<i64: 1024, 1024>}, {pipeline_mode = #tpu.pipeline_mode<synchronous>, transform_indices = @transform_1, window_bounds = array<i64: 1024, 336>}, {pipeline_mode = #tpu.pipeline_mode<synchronous>, transform_indices = @transform_2, window_bounds = array<i64: 1, 336>}, {pipeline_mode = #tpu.pipeline_mode<synchronous>, transform_indices = @transform_3, window_bounds = array<i64: 336, 16>}, {pipeline_mode = #tpu.pipeline_mode<synchronous>, transform_indices = @transform_4, window_bounds = array<i64: 1, 16>}, {transform_indices = @transform_5, window_bounds = array<i64: 1024, 16>}]} {
    %get3A = arith.constant 0 : index
    %get3A_0 = arith.constant 0 : index
    %get3A_1 = vector.load %arg1[%get3A, %get3A_0] : memref<1024x1024xf32, #tpu.memory_space<vmem>>, vector<1024x1024xf32>
    %mul3A = arith.mulf %get3A_1, %get3A_1 : vector<1024x1024xf32>
    %reduce_sum3A = arith.constant dense<0.000000e+00> : vector<1024xf32>
    %reduce_sum3A_2 = vector.multi_reduction <add>, %mul3A, %reduce_sum3A [1] : vector<1024x1024xf32> to vector<1024xf32>
    %broadcast_in_dim3A = vector.shape_cast %reduce_sum3A_2 : vector<1024xf32> to vector<1024x1xf32>
    %sqrt3A = math.sqrt %broadcast_in_dim3A : vector<1024x1xf32>
    %max3A = arith.constant 9.99999996E-13 : f32
    %max3A_3 = vector.broadcast %max3A : f32 to vector<1024x1xf32>
    %max3A_4 = arith.maximumf %sqrt3A, %max3A_3 : vector<1024x1xf32>
    %div3A = vector.broadcast %max3A_4 : vector<1024x1xf32> to vector<1024x1024xf32>
    %div3A_5 = arith.divf %get3A_1, %div3A : vector<1024x1024xf32>
    %convert_element_type3A = arith.truncf %div3A_5 : vector<1024x1024xf32> to vector<1024x1024xbf16>
    %get3A_6 = arith.constant 0 : index
    %get3A_7 = arith.constant 0 : index
    %get3A_8 = vector.load %arg2[%get3A_6, %get3A_7] : memref<1024x336xbf16, #tpu.memory_space<vmem>>, vector<1024x336xbf16>
    %dot_general3A = arith.constant dense<0.000000e+00> : vector<1024x336xf32>
    %dot_general3A_9 = tpu.matmul %convert_element_type3A, %get3A_8, %dot_general3A {dimension_numbers = #tpu.dot_dimension_numbers<[1], [0], [0], [1], [0, 0, 1, 1], [], []>, transpose_lhs_hint = false} : vector<1024x1024xbf16>, vector<1024x336xbf16>, vector<1024x336xf32> -> vector<1024x336xf32>
    %get3A_10 = arith.constant 0 : index
    %get3A_11 = arith.constant 0 : index
    %get3A_12 = vector.load %arg3[%get3A_10, %get3A_11] : memref<1x336xf32, #tpu.memory_space<vmem>>, vector<1x336xf32>
    %gt3A = vector.broadcast %get3A_12 : vector<1x336xf32> to vector<1024x336xf32>
    %gt3A_13 = arith.cmpf ogt, %dot_general3A_9, %gt3A : vector<1024x336xf32>
    %convert_element_type3A_14 = arith.extui %gt3A_13 : vector<1024x336xi1> to vector<1024x336xi32>
    %convert_element_type3A_15 = arith.sitofp %convert_element_type3A_14 : vector<1024x336xi32> to vector<1024x336xf32>
    %convert_element_type3A_16 = arith.truncf %convert_element_type3A_15 : vector<1024x336xf32> to vector<1024x336xbf16>
    %get3A_17 = arith.constant 0 : index
    %get3A_18 = arith.constant 0 : index
    %get3A_19 = vector.load %arg4[%get3A_17, %get3A_18] : memref<336x16xbf16, #tpu.memory_space<vmem>>, vector<336x16xbf16>
    %dot_general3A_20 = arith.constant dense<0.000000e+00> : vector<1024x16xf32>
    %dot_general3A_21 = tpu.matmul %convert_element_type3A_16, %get3A_19, %dot_general3A_20 {dimension_numbers = #tpu.dot_dimension_numbers<[1], [0], [0], [1], [0, 0, 1, 1], [], []>, transpose_lhs_hint = false} : vector<1024x336xbf16>, vector<336x16xbf16>, vector<1024x16xf32> -> vector<1024x16xf32>
    %mul3A_22 = arith.constant 3.200000e+01 : f32
    %mul3A_23 = vector.broadcast %mul3A_22 : f32 to vector<1024x16xf32>
    %mul3A_24 = arith.mulf %dot_general3A_21, %mul3A_23 : vector<1024x16xf32>
    %get3A_25 = arith.constant 0 : index
    %get3A_26 = arith.constant 0 : index
    %get3A_27 = vector.load %arg5[%get3A_25, %get3A_26] : memref<1x16xf32, #tpu.memory_space<vmem>>, vector<1x16xf32>
    %add3A = vector.broadcast %get3A_27 : vector<1x16xf32> to vector<1024x16xf32>
    %add3A_28 = arith.addf %mul3A_24, %add3A : vector<1024x16xf32>
    %convert_element_type3A_29 = arith.fptosi %add3A_28 : vector<1024x16xf32> to vector<1024x16xi32>
    %swap3A = arith.constant 0 : index
    %swap3A_30 = arith.constant 0 : index
    %swap3A_31 = vector.load %arg6[%swap3A, %swap3A_30] : memref<1024x16xi32, #tpu.memory_space<vmem>>, vector<1024x16xi32>
    tpu.vector_store %arg6[%swap3A, %swap3A_30], %convert_element_type3A_29 {strides = array<i32>} : memref<1024x16xi32, #tpu.memory_space<vmem>>, vector<1024x16xi32>,
    return
  }
  func.func @transform_0(%arg0: i32) -> (i32, i32) {
    %add3A = arith.constant 0 : i32
    %add3A_0 = arith.addi %add3A, %arg0 : i32
    %c0_i32 = arith.constant 0 : i32
    %c0_i32_1 = arith.constant 0 : i32
    return %add3A_0, %c0_i32 : i32, i32
  }
  func.func @transform_1(%arg0: i32) -> (i32, i32) {
    %c0_i32 = arith.constant 0 : i32
    %c0_i32_0 = arith.constant 0 : i32
    %c0_i32_1 = arith.constant 0 : i32
    return %c0_i32, %c0_i32_0 : i32, i32
  }
  func.func @transform_2(%arg0: i32) -> (i32, i32) {
    %c0_i32 = arith.constant 0 : i32
    %c0_i32_0 = arith.constant 0 : i32
    %c0_i32_1 = arith.constant 0 : i32
    return %c0_i32, %c0_i32_0 : i32, i32
  }
  func.func @transform_3(%arg0: i32) -> (i32, i32) {
    %c0_i32 = arith.constant 0 : i32
    %c0_i32_0 = arith.constant 0 : i32
    %c0_i32_1 = arith.constant 0 : i32
    return %c0_i32, %c0_i32_0 : i32, i32
  }
  func.func @transform_4(%arg0: i32) -> (i32, i32) {
    %c0_i32 = arith.constant 0 : i32
    %c0_i32_0 = arith.constant 0 : i32
    %c0_i32_1 = arith.constant 0 : i32
    return %c0_i32, %c0_i32_0 : i32, i32
  }
  func.func @transform_5(%arg0: i32) -> (i32, i32) {
    %c0_i32 = arith.constant 0 : i32
    %c0_i32_0 = arith.constant 0 : i32
    return %arg0, %c0_i32 : i32, i32
  }
}

</mosaic_0001>

<sc_bundles>
// kernel: kernel.10.cloned.1.call-start
scs
__scs_entry_jumppad:
0x0: {  	(pc) =	sbr.rel $0x88, $3  }
0x1: {  	(tag) =	ssettag $0x0;
	lr =	simm.s32 $0x1  }
0x2: {  	[smem:$0x3F9E] =	sst lr;
	_ =	strace $0xD0000000  }
0x3: {  	_ = 	snop  }
0x4: {  	_ = 	snop  }
0x5: {  	_ = 	snop  }
0x6: {  	_ = 	snop  }
0x7: {  	_ = 	snop  }
__scs_overlays_trampoline_lowered:
0x8: {  	[smem:$0x3FAD] =	sst s0  }
0x9: {  	[smem:$0x3FAE] =	sst s1  }
0xa: {  	[smem:$0x3FAF] =	sst s2  }
0xb: {  	[smem:$0x3FB0] =	sst s3  }
0xc: {  	[smem:$0x3FB1] =	sst s4  }
0xd: {  	[smem:$0x3FB2] =	sst s5  }
0xe: {  	[smem:$0x3FB3] =	sst s6  }
0xf: {  	[smem:$0x3FB4] =	sst s7  }
0x10: {  	[smem:$0x3FB5] =	sst s8  }
0x11: {  	[smem:$0x3FB6] =	sst s9;
	s0 =	simm.s32 @!p0 $0x0  }
0x12: {  	s1 =	sld [smem:$0x3F9C];
	s0 =	simm.s32 @p0 $0x1  }
0x13: {  	[smem:$0x3FB7] =	sst s0;
	s0 =	simm.s32 @!p1 $0x0  }
0x14: {  	s2 =	sld [smem:$0x3F9B];
	s0 =	simm.s32 @p1 $0x1  }
0x15: {  	[smem:$0x3FB8] =	sst s0;
	s0 =	simm.s32 @!p2 $0x0  }
0x16: {  	s3 =	sld [smem:$0x3FDB];
	s0 =	simm.s32 @p2 $0x1  }
0x17: {  	s4 =	simm.s32 $0x1BF5;
	[smem:$0x3FBA] =	sst s0  }
0x18: {  	s0 =	sld [smem:$0x3F9D];
	_ =	swait.ge [sflag:s4], $0x0  }
0x19: {  	s7 =	sld [smem:$0x3F9E]  }
0x1a: {  	s8 =	sadd.s32 $0xFFFFE003, lr  }
0x1b: {  	s9 =	sadd.s32 $0xFFFFFEF7, lr;
	s5 =	simm.s32 $0xFFFFFFFF;
	p2 =	slt.u32 s8, $0xFFFFF086  }
0x1c: {  	p1 =	slt.u32 s9, $0xF7A;
	s5 =	simm.s32 @!p2 $0x0  }
0x1d: {  	s5 =	simm.s32 @p1 $0x1;
	p0 =	seq.s32 s7, s2  }
0x1e: {  	s7 =	smul.u32 @!p0 $0xF7A, s2;
	p2 =	seq.s32 @!p0 s5, $0x0  }
0x1f: {  	s9 =	smul.u32 $0xF7A, s1;
	s8 =	simm.s32 @!p0 $0x1BF5;
	p2 =	por !p2, p0  }
0x20: {  	[sflag:s8] =	ssyncset.s32 @!p0 $0xFFFFF086;
	s6 =	sadd.s32 @!p0 s3, s7;
	s7 =	simm.s32 @!p0 $0x108  }
0x21: {  	s3 =	sadd.s32 s3, s9;
	s6 =	sadd.s32 @!p0 $0x88, s6;
	s7 =	simm.s32 @p2 $0x1082  }
0x22: {  	[simem:s7], [sflag:s8] =	dma.local @!p0 [hbm:s6], $0xF7A  }
0x23: {  	s9 =	sor.u32 $0xD0000000, s2;
	s6 =	simm.s32 $0x108;
	_ =	swait.ge @!p0 [sflag:s8], $0x0  }
0x24: {  	s3 =	sadd.s32 $0x88, s3;
	s6 =	simm.s32 @!p1 $0x1082;
	[sflag:s4] =	ssyncset.s32 $0xFFFFF086  }
0x25: {  	[simem:s6], [sflag:s4] =	dma.local [hbm:s3], $0xF7A  }
0x26: {  	[smem:$0x3F9E] =	sst s1;
	(tag) =	ssettag s2;
	_ =	strace s9  }
0x27: {  	s1 =	sld [smem:$0x3FAE]  }
0x28: {  	s2 =	sld [smem:$0x3FAF]  }
0x29: {  	s4 =	sld [smem:$0x3FB1]  }
0x2a: {  	p0 =	seq.s32 s5, $0x0;
	s5 =	sld [smem:$0x3FB2]  }
0x2b: {  	s6 =	sld [smem:$0x3FB3]  }
0x2c: {  	s7 =	sld [smem:$0x3FB4]  }
0x2d: {  	s3 =	simm.s32 $0x108;
	s8 =	sld [smem:$0x3FB5]  }
0x2e: {  	s3 =	simm.s32 @!p0 $0x1082;
	s9 =	sld [smem:$0x3FB6]  }
0x2f: {  	lr =	sadd.s32 s0, s3;
	s0 =	sld [smem:$0x3FAD]  }
0x30: {  	s3 =	sld [smem:$0x3FB0]  }
0x31: {  	[smem:$0x3FB9] =	sst s10  }
0x32: {  	s10 =	sld [smem:$0x3FB7];
	_ =	sdelay $0x3  }
0x33: {  	p0 =	seq.s32 s10, $0x1;
	s10 =	sld [smem:$0x3FB9];
	_ =	sdelay $0x3  }
0x34: {  	[smem:$0x3FB9] =	sst s10  }
0x35: {  	s10 =	sld [smem:$0x3FB8];
	_ =	sdelay $0x3  }
0x36: {  	p1 =	seq.s32 s10, $0x1;
	s10 =	sld [smem:$0x3FB9];
	_ =	sdelay $0x3  }
0x37: {  	[smem:$0x3FB9] =	sst s10  }
0x38: {  	s10 =	sld [smem:$0x3FBA]  }
0x39: {  	_ = 	snop;
	(pc) =	sbr.ind lr, $3  }
0x3a: {  	_ = 	snop  }
0x3b: {  	_ = 	snop  }
0x3c: {  	p2 =	seq.s32 s10, $0x1;
	s10 =	sld [smem:$0x3FB9]  }
0x3d: {  	_ =	shalt  }
0x3e: {  	_ =	shalt  }
0x3f: {  	_ =	shalt  }
0x40: {  	_ =	shalt  }
0x41: {  	_ =	shalt  }
0x42: {  	_ =	shalt  }
0x43: {  	_ =	shalt  }
0x44: {  	_ =	shalt  }
0x45: {  	_ =	shalt  }
0x46: {  	_ =	shalt  }
0x47: {  	_ =	shalt  }
0x48: {  	_ =	shalt  }
0x49: {  	_ =	shalt  }
0x4a: {  	_ =	shalt  }
0x4b: {  	_ =	shalt  }
0x4c: {  	_ =	shalt  }
0x4d: {  	_ =	shalt  }
0x4e: {  	_ =	shalt  }
0x4f: {  	_ =	shalt  }
0x50: {  	_ =	shalt  }
0x51: {  	_ =	shalt  }
0x52: {  	_ =	shalt  }
0x53: {  	_ =	shalt  }
0x54: {  	_ =	shalt  }
0x55: {  	_ =	shalt  }
0x56: {  	_ =	shalt  }
0x57: {  	_ =	shalt  }
0x58: {  	_ =	shalt  }
0x59: {  	_ =	shalt  }
0x5a: {  	_ =	shalt  }
0x5b: {  	_ =	shalt  }
0x5c: {  	_ =	shalt  }
0x5d: {  	_ =	shalt  }
0x5e: {  	_ =	shalt  }
0x5f: {  	_ =	shalt  }
0x60: {  	_ =	shalt  }
0x61: {  	_ =	shalt  }
0x62: {  	_ =	shalt  }
0x63: {  	_ =	shalt  }
0x64: {  	_ =	shalt  }
0x65: {  	_ =	shalt  }
0x66: {  	_ =	shalt  }
0x67: {  	_ =	shalt  }
0x68: {  	_ =	shalt  }
0x69: {  	_ =	shalt  }
0x6a: {  	_ =	shalt  }
0x6b: {  	_ =	shalt  }
0x6c: {  	_ =	shalt  }
0x6d: {  	_ =	shalt  }
0x6e: {  	_ =	shalt  }
0x6f: {  	_ =	shalt  }
0x70: {  	_ =	shalt  }
0x71: {  	_ =	shalt  }
0x72: {  	_ =	shalt  }
0x73: {  	_ =	shalt  }
0x74: {  	_ =	shalt  }
0x75: {  	_ =	shalt  }
0x76: {  	_ =	shalt  }
0x77: {  	_ =	shalt  }
0x78: {  	_ =	shalt  }
0x79: {  	_ =	shalt  }
0x7a: {  	_ =	shalt  }
0x7b: {  	_ =	shalt  }
0x7c: {  	_ =	shalt  }
0x7d: {  	_ =	shalt  }
0x7e: {  	_ =	shalt  }
0x7f: {  	_ =	shalt  }
0x80: {  	_ =	shalt  }
0x81: {  	_ =	shalt  }
0x82: {  	_ =	shalt  }
0x83: {  	_ =	shalt  }
0x84: {  	_ =	shalt  }
0x85: {  	_ =	shalt  }
0x86: {  	_ =	shalt  }
0x87: {  	_ =	shalt  }
.Lfunc_end0:
.L_simem_size_0:
called_computation_lowered:
.L_overlay_start_0:
0x88: {  	s2 =	sld [smem:$0x3FD9]  }
0x89: {  	s3 =	sld [smem:$0x3FFE];
	_ =	sdelay $0x1  }
0x8a: {  	s1 =	srdreg.scid  }
0x8b: {  	s0 =	sand.u32 $0x1, s1  }
0x8c: {  	s17 =	sshll.u32 s0, $0xA;
	s2 =	sadd.s32 s3, s2  }
0x8d: {  	s2 =	sadd.s32 s2, s17  }
0x8e: {  	[smem:$0x3FC5] =	sst s2  }
0x8f: {  	_ = 	snop  }
0x90: {  	(tm) =	ssettm $0x1  }
0x91: {  	s18 =	sld [smem:$0x3FFB];
	_ =	sdelay $0x3  }
0x92: {  	_ =	strace s18  }
0x93: {  	s2 =	sld [smem:$0x3FFC];
	_ =	sdelay $0x3  }
0x94: {  	_ =	strace s2  }
0x95: {  	s2 =	sld [smem:$0x3FFD];
	_ =	sdelay $0x3  }
0x96: {  	_ =	strace s2  }
0x97: {  	_ =	strace $0x8FFFFFFF  }
0x98: {  	s19 =	sld [smem:$0x3FDB];
	_ =	sdelay $0x1  }
0x99: {  	s20 =	simm.s32 $_scs_section_size  }
0x9a: {  	s4 =	simm.s32 $_size__tile_overlayer_lowered;
	s5 =	simm.s32 $_tile_overlayer_lowered  }
0x9b: {  	s6 =	simm.s32 $0x1BFF;
	s21 =	sshll.u32 s5, $0x1;
	s3 =	sadd.s32 s20, s19  }
0x9c: {  	s22 =	simm.s32 $0x0;
	s4 =	sshll.u32 s4, $0x1;
	s5 =	sadd.s32 s21, s3  }
0x9d: {  	[timem:s22], [sflag:s6] =	dma.local [hbm:s5], s4  }
0x9e: {  	_ =	swait.ge [sflag:s6], s4  }
0x9f: {  	s4 =	ssub.s32 $0x0, s4;
	[sflag:s6] =	ssyncset.done $0x0  }
0xa0: {  	[sflag:s6] =	ssyncadd.s32 s4;
	_ =	sdelay $0x1  }
0xa1: {  	s23 =	simm.s32 $0x1B8B  }
0xa2: {  	_ =	swait.ge [sflag:s23], $0x1  }
0xa3: {  	[sflag:s23] =	ssyncset.done $0x0  }
0xa4: {  	[sflag:s23] =	ssyncadd.s32 $0xFFFFFFFF  }
0xa5: {  	s4 =	sld [smem:$0x0]  }
0xa6: {  	s5 =	sand.u32 $0xFFFFFFFE, s1  }
0xa7: {  	p0 =	sne.s32 s1, s5  }
0xa8: {  	s5 =	sshll.u32 @p0 s5, $0xE  }
0xa9: {  	s5 =	sadd.s32 @p0 $0x11B8D, s5;
	s6 =	sshll.u32 @p0 s4, $0x11  }
0xaa: {  	s5 =	sor.u32 @p0 s6, s5  }
0xab: {  	[sflag:s5] =	ssyncadd.remote.s32 @p0 $0x1;
	_ =	sdelay $0x1  }
0xac: {  	s5 =	simm.s32 @p0 $0x1B8D  }
0xad: {  	_ =	swait.eq @p0 [sflag:s5], $0x1  }
0xae: {  	[sflag:s5] =	ssyncadd.s32 @p0 $0xFFFFFFFF  }
0xaf: {  	s6 =	sshll.u32 @!p0 s1, $0xE  }
0xb0: {  	s6 =	sor.u32 @!p0 $0x4000, s6;
	s5 =	simm.s32 @!p0 $0x1B8D  }
0xb1: {  	s4 =	sshll.u32 @!p0 s4, $0x11;
	s6 =	sadd.s32 @!p0 $0x11B8D, s6;
	_ =	swait.eq @!p0 [sflag:s5], $0x1  }
0xb2: {  	s4 =	sor.u32 @!p0 s4, s6;
	[sflag:s5] =	ssyncadd.s32 @!p0 $0xFFFFFFFF  }
0xb3: {  	s25 =	simm.s32 $0x1B8E;
	s24 =	sld [smem:$0x3FFE];
	[sflag:s4] =	ssyncadd.remote.s32 @!p0 $0x1  }
0xb4: {  	s26 =	simm.s32 $execute0_lowered;
	[smem:$0x3FD2] =	sst s25  }
0xb5: {  	s5 =	sshll.u32 s26, $0x1;
	_ =	strace $0x8000004F;
	[dreg:$0x1] =	wrdreg $0xFFFFFFFF  }
0xb6: {  	s28 =	simm.s32 $_size_execute0_lowered;
	s3 =	sadd.s32 s3, s5;
	[dreg:$0x0] =	wrdreg $0x0  }
0xb7: {  	s5 =	sshll.u32 s28, $0x1;
	[dreg:$0x2] =	wrdreg s3  }
0xb8: {  	[dreg:$0x3] =	wrdreg s5  }
0xb9: {  	[dreg:$0x4] =	wrdreg $0xC0  }
0xba: {  	_ =	task [dreg:s22], $0x5FFFF  }
0xbb: {  	[dreg:$0x1] =	wrdreg $0xFFFFFFFF  }
0xbc: {  	[dreg:$0x0] =	wrdreg $0x60  }
0xbd: {  	[dreg:$0x2] =	wrdreg s24  }
0xbe: {  	[dreg:$0x3] =	wrdreg $0x9  }
0xbf: {  	_ =	task.clear_ibuf [dreg:s22], $0x4FFFF;
	_ =	strace $0x9000004F  }
0xc0: {  	s29 =	simm.s32 $0x9;
	_ =	strace $0x80000051  }
0xc1: {  	_ =	swait.ge [sflag:s29], $0x1  }
0xc2: {  	[sflag:s29] =	ssyncadd.s32 $0xFFFFFFFF  }
0xc3: {  	_ =	strace $0x90000051  }
0xc4: {  	_ =	sfence  }
0xc5: {  	s30 =	sld [smem:$0x0];
	_ =	sdelay $0x2  }
0xc6: {  	s31 =	sshll.u32 s1, $0xD;
	s1 =	sshrl.u32 s1, $0x2  }
0xc7: {  	s4 =	sand.u32 $0x4000, s31;
	s1 =	sadd.s32 s1, s30  }
0xc8: {  	s0 =	sor.u32 s4, s0;
	s1 =	sshll.u32 s1, $0x11  }
0xc9: {  	s0 =	sor.u32 s1, s0  }
0xca: {  	s0 =	sadd.s32 $0x8F2B, s0  }
0xcb: {  	[sflag:s0] =	ssyncadd.remote.s32 $0x1  }
0xcc: {  	_ =	sfence.sel $0xFFFF  }
0xcd: {  	[dreg:$0x0] =	wrdreg $0xFFFFFFFF;
	(pc) =	sbr.abs _section_cstart, $3  }
0xce: {  	[dreg:$0x1] =	wrdreg $0xFFFFFFFF  }
0xcf: {  	_ =	task.clear_ibuf [dreg:s22], $0x2FFFF;
	_ =	strace $0x9FFFFFFF  }
0xd0: {  	(tm) =	ssettm $0x7FFFFFFF  }
0xd1: {  	_ =	shalt  }
tec
execute0_lowered:
.L_overlay_start_1:
0x0: {  	(tag) =	ssettag $0x1  }
0x1: {  	s4 =	rddreg [dreg:$0x0]  }
0x2: {  	s0 =	rddreg [dreg:$0x1];
	s2 =	simm.s32 $0x0;
	s3 =	srdreg.scid  }
0x3: {  	s1 =	stileid.u32;
	s9 =	simm.s32 $0x3A00;
	s10 =	simm.s32 $0x0  }
0x4: {  	[smem:$0x7FF] =	sst s2;
	s5 =	sand.u32 $0x1, s3;
	s31 =	sshll.u32 s1, $0x1  }
0x5: {  	s3 =	sadd.s32 $0x1000, s4;
	_ =	strace $0x80000050;
	s6 =	sor.u32 s5, s31  }
0x6: {  	s5 =	ssub.s32 $0x2, s5;
	s7 =	sshll.u32 s6, $0x9;
	s6 =	sshll.u32 s6, $0xB  }
0x7: {  	s8 =	sshrl.u32 s5, $0x1;
	s7 =	sadd.s32 s7, s4;
	s6 =	sadd.s32 s6, s4  }
0x8: {  	v0 =	vlaneseq.u32;
	s8 =	ssub.s32 s5, s8;
	s4 =	sadd.s32 $0x2D600, s7;
	s5 =	sadd.s32 $0x31600, s6  }
0x9: {  	v1 =	vor.u32 $0x10, v0;
	s6 =	smax.u32 s8, $0x1;
	s7 =	simm.s32 $0x1;
	s8 =	simm.s32 $0x2A00  }
.LBB2_1:
0xa: {  	[tilespmem:s2], [sflag:$0x1] =	stream.linear.gather [hbm4b:s3+s2], $0x2A00, $0x38;
	[tilespmem:$0x7A00] =	vst v63  }
0xb: {  	_ =	swait.ge [sflag:s7], $0x2A00  }
0xc: {  	[sflag:s7] =	ssyncset.done $0x0  }
0xd: {  	[sflag:s7] =	ssyncadd.s32 $0xFFFFD600  }
0xe: {  	[tilespmem:s8], [sflag:$0x1] =	stream.linear.gather [hbm4b:s4+s2], $0x1000, $0x38;
	[tilespmem:$0x7A00] =	vst v63  }
0xf: {  	_ =	swait.ge [sflag:s7], $0x1000  }
0x10: {  	[sflag:s7] =	ssyncset.done $0x0  }
0x11: {  	s11 =	simm.s32 $0x0;
	[sflag:s7] =	ssyncadd.s32 $0xFFFFF000  }
0x12: {  	v3 =	vld [tilespmem:s11+$0x2A00];
	_ =	sdelay $0x4  }
0x13: {  	v2 =	vbroadcast v3, $0x2;
	v4 =	vbroadcast v3, $0x7  }
0x14: {  	v5 =	vbroadcast v3, $0x4;
	v7 =	vbroadcast v3, $0x0  }
0x15: {  	v6 =	vbroadcast v3, $0xE;
	v10 =	vbroadcast v3, $0x1  }
0x16: {  	v11 =	vbroadcast v3, $0x3;
	v13 =	vbroadcast v3, $0x5;
	v12 =	vadd.s32 v1, v7  }
0x17: {  	v14 =	vbroadcast v3, $0x6;
	v21 =	vbroadcast v3, $0x8;
	v7 =	vadd.s32 v0, v7  }
0x18: {  	v22 =	vbroadcast v3, $0x9;
	v23 =	vbroadcast v3, $0xA;
	v17 =	vadd.s32 v0, v10  }
0x19: {  	v24 =	vbroadcast v3, $0xB;
	v29 =	vbroadcast v3, $0xC;
	v8 =	vadd.s32 v0, v2  }
0x1a: {  	v9 =	vadd.s32 v1, v2;
	v2 =	vadd.s32 v0, v6;
	v15 =	vadd.s32 v0, v5  }
0x1b: {  	v16 =	vadd.s32 v1, v5;
	v5 =	vadd.s32 v1, v6;
	v6 =	vadd.s32 v0, v11;
	v12 =	vld.idx.msk [tilespmem:v12+s2+$0x0], $0xffff  }
0x1c: {  	v30 =	vbroadcast v3, $0xD;
	v3 =	vbroadcast v3, $0xF;
	v7 =	vld.idx.msk [tilespmem:v7+s2+$0x0], $0xffff  }
0x1d: {  	v18 =	vadd.s32 v0, v13;
	v13 =	vadd.s32 v1, v13;
	v11 =	vadd.s32 v1, v11;
	v17 =	vld.idx.msk [tilespmem:v17+s2+$0x0], $0xffff  }
0x1e: {  	v10 =	vadd.s32 v1, v10;
	v19 =	vadd.s32 v1, v14;
	v20 =	vadd.s32 v0, v4;
	v8 =	vld.idx.msk [tilespmem:v8+s2+$0x0], $0xffff  }
0x1f: {  	v25 =	vadd.s32 v0, v21;
	v21 =	vadd.s32 v1, v21;
	v31 =	vadd.s32 v1, v4;
	v4 =	vld.idx.msk [tilespmem:v9+s2+$0x0], $0xffff  }
0x20: {  	v26 =	vadd.s32 v0, v22;
	v22 =	vadd.s32 v1, v22;
	v14 =	vadd.s32 v0, v14;
	v6 =	vld.idx.msk [tilespmem:v6+s2+$0x0], $0xffff  }
0x21: {  	v27 =	vadd.s32 v0, v23;
	v23 =	vadd.s32 v1, v23;
	v28 =	vadd.s32 v0, v24;
	v15 =	vld.idx.msk [tilespmem:v15+s2+$0x0], $0xffff  }
0x22: {  	v24 =	vadd.s32 v1, v24;
	v32 =	vadd.s32 v0, v29;
	v29 =	vadd.s32 v1, v29;
	v11 =	vld.idx.msk [tilespmem:v11+s2+$0x0], $0xffff  }
0x23: {  	v34 =	vadd.s32 v1, v30;
	v60 =	vadd.s32 v0, v30;
	v18 =	vld.idx.msk [tilespmem:v18+s2+$0x0], $0xffff;
	v9 =	vunpack.i.l.bf16.f32 v12  }
0x24: {  	v33 =	vunpack.i.u.bf16.f32 v7;
	v7 =	vunpack.i.l.bf16.f32 v7;
	v12 =	vunpack.i.u.bf16.f32 v12  }
0x25: {  	v14 =	vld.idx.msk [tilespmem:v14+s2+$0x0], $0xffff;
	v35 =	vunpack.i.u.bf16.f32 v17;
	v17 =	vunpack.i.l.bf16.f32 v17;
	v52 =	vunpack.i.u.bf16.f32 v8  }
0x26: {  	v8 =	vunpack.i.l.bf16.f32 v8;
	v36 =	vunpack.i.u.bf16.f32 v4;
	v37 =	vunpack.i.l.bf16.f32 v6  }
0x27: {  	v10 =	vld.idx.msk [tilespmem:v10+s2+$0x0], $0xffff;
	v6 =	vunpack.i.u.bf16.f32 v6;
	v53 =	vunpack.i.u.bf16.f32 v15;
	v15 =	vunpack.i.l.bf16.f32 v15  }
0x28: {  	v16 =	vld.idx.msk [tilespmem:v16+s2+$0x0], $0xffff;
	v54 =	vunpack.i.u.bf16.f32 v11;
	v55 =	vunpack.i.l.bf16.f32 v18;
	v18 =	vunpack.i.u.bf16.f32 v18  }
0x29: {  	v11 =	vunpack.i.l.bf16.f32 v11;
	v33 =	vadd.f32 $0.0e+00, v33;
	v7 =	vadd.f32 $0.0e+00, v7  }
0x2a: {  	v21 =	vld.idx.msk [tilespmem:v21+s2+$0x0], $0xffff;
	v56 =	vunpack.i.l.bf16.f32 v14;
	v9 =	vadd.f32 $0.0e+00, v9;
	v12 =	vadd.f32 $0.0e+00, v12  }
0x2b: {  	v14 =	vunpack.i.u.bf16.f32 v14;
	v33 =	vadd.f32 v35, v33;
	v7 =	vadd.f32 v17, v7  }
0x2c: {  	v13 =	vld.idx.msk [tilespmem:v13+s2+$0x0], $0xffff;
	v17 =	vunpack.i.l.bf16.f32 v4;
	v4 =	vunpack.i.u.bf16.f32 v10;
	v10 =	vunpack.i.l.bf16.f32 v10  }
0x2d: {  	v9 =	vadd.f32 v10, v9;
	v10 =	vadd.f32 v4, v12;
	v12 =	vunpack.i.u.bf16.f32 v16  }
0x2e: {  	v7 =	vadd.f32 v8, v7;
	v8 =	vunpack.i.l.bf16.f32 v16;
	v16 =	vld.idx.msk [tilespmem:v19+s2+$0x0], $0xffff;
	v19 =	vadd.f32 v52, v33  }
0x2f: {  	v20 =	vld.idx.msk [tilespmem:v20+s2+$0x0], $0xffff;
	v58 =	vunpack.i.l.bf16.f32 v21;
	v21 =	vunpack.i.u.bf16.f32 v21;
	v10 =	vadd.f32 v36, v10  }
0x30: {  	v25 =	vld.idx.msk [tilespmem:v25+s2+$0x0], $0xffff;
	v4 =	vadd.s32 v0, v3;
	v9 =	vadd.f32 v17, v9;
	v6 =	vadd.f32 v6, v19  }
0x31: {  	v17 =	vunpack.i.u.bf16.f32 v13;
	v7 =	vadd.f32 v37, v7;
	v19 =	vld.idx.msk [tilespmem:v31+s2+$0x0], $0xffff;
	v10 =	vadd.f32 v54, v10  }
0x32: {  	v57 =	vld.idx.msk [tilespmem:v28+s2+$0x0], $0xffff;
	v9 =	vadd.f32 v11, v9;
	v11 =	vunpack.i.l.bf16.f32 v13;
	v6 =	vadd.f32 v53, v6  }
0x33: {  	v23 =	vld.idx.msk [tilespmem:v23+s2+$0x0], $0xffff;
	v7 =	vadd.f32 v15, v7;
	v13 =	vunpack.i.u.bf16.f32 v16;
	v15 =	vunpack.i.l.bf16.f32 v16  }
0x34: {  	v16 =	vld.idx.msk [tilespmem:v26+s2+$0x0], $0xffff;
	v10 =	vadd.f32 v12, v10;
	v12 =	vunpack.i.l.bf16.f32 v20;
	v6 =	vadd.f32 v18, v6  }
0x35: {  	v8 =	vadd.f32 v8, v9;
	v9 =	vunpack.i.u.bf16.f32 v20;
	v18 =	vld.idx.msk [tilespmem:v22+s2+$0x0], $0xffff;
	v7 =	vadd.f32 v55, v7  }
0x36: {  	v22 =	vld.idx.msk [tilespmem:v27+s2+$0x0], $0xffff;
	v20 =	vunpack.i.u.bf16.f32 v19;
	v10 =	vadd.f32 v17, v10;
	v6 =	vadd.f32 v14, v6  }
0x37: {  	v19 =	vunpack.i.l.bf16.f32 v19;
	v17 =	vunpack.i.l.bf16.f32 v25;
	v7 =	vadd.f32 v56, v7  }
0x38: {  	v14 =	vunpack.i.u.bf16.f32 v25;
	v6 =	vadd.f32 v9, v6;
	v9 =	vadd.f32 v13, v10  }
0x39: {  	v24 =	vld.idx.msk [tilespmem:v24+s2+$0x0], $0xffff;
	v59 =	vunpack.i.l.bf16.f32 v16;
	v10 =	vadd.f32 v11, v8;
	v16 =	vunpack.i.u.bf16.f32 v16  }
0x3a: {  	v8 =	vunpack.i.l.bf16.f32 v57;
	v13 =	vunpack.i.l.bf16.f32 v23;
	v61 =	vunpack.i.u.bf16.f32 v18  }
0x3b: {  	v62 =	vld.idx.msk [tilespmem:v32+s2+$0x0], $0xffff;
	v63 =	vunpack.i.u.bf16.f32 v22;
	v11 =	vadd.f32 v20, v9;
	v6 =	vadd.f32 v14, v6  }
0x3c: {  	v9 =	vunpack.i.l.bf16.f32 v18;
	v18 =	vadd.f32 v15, v10;
	v10 =	vadd.f32 v12, v7  }
0x3d: {  	v14 =	vunpack.i.l.bf16.f32 v22;
	v7 =	vunpack.i.u.bf16.f32 v23;
	v21 =	vadd.f32 v21, v11  }
0x3e: {  	v15 =	vld.idx.msk [tilespmem:v29+s2+$0x0], $0xffff;
	v17 =	vadd.f32 v17, v10;
	v23 =	vadd.f32 v16, v6;
	v10 =	vunpack.i.l.bf16.f32 v24  }
0x3f: {  	v5 =	vld.idx.msk [tilespmem:v5+s2+$0x0], $0xffff;
	v19 =	vadd.f32 v19, v18;
	v18 =	vunpack.i.u.bf16.f32 v57;
	v11 =	vunpack.i.u.bf16.f32 v24  }
0x40: {  	v6 =	vld.idx.msk [tilespmem:v34+s2+$0x0], $0xffff;
	v16 =	vunpack.i.l.bf16.f32 v62;
	v20 =	vadd.f32 v59, v17;
	v17 =	vadd.f32 v61, v21  }
0x41: {  	s12 =	simm.s32 $0x3A20;
	s13 =	simm.s32 $0x40;
	s11 =	simm.s32 $0x3A20;
	v12 =	vld.idx.msk [tilespmem:v60+s2+$0x0], $0xffff;
	v22 =	vadd.f32 v58, v19;
	v21 =	vadd.f32 v63, v23;
	v19 =	vunpack.i.u.bf16.f32 v62  }
.LBB2_2:
0x42: {  	p0 =	sne.s32 s13, $0x3FC0  }
0x43: {  	v14 =	vadd.f32 v14, v20;
	v20 =	vunpack.i.u.bf16.f32 v15;
	v15 =	vunpack.i.l.bf16.f32 v15;
	s12 =	sadd.s32 $0x40, s12;
	s14 =	smov.u32 s13;
	s13 =	sadd.s32 $0x40, s13  }
0x44: {  	v3 =	vadd.s32 v1, v3;
	v9 =	vadd.f32 v9, v22;
	v18 =	vadd.f32 v18, v21;
	v2 =	vld.idx.msk [tilespmem:v2+s2+$0x0], $0xffff  }
0x45: {  	v8 =	vadd.f32 v8, v14;
	v14 =	vunpack.i.u.bf16.f32 v6  }
0x46: {  	v9 =	vadd.f32 v13, v9;
	v13 =	vadd.f32 v19, v18;
	v18 =	vunpack.i.u.bf16.f32 v12;
	v4 =	vld.idx.msk [tilespmem:v4+s2+$0x0], $0xffff  }
0x47: {  	v7 =	vadd.f32 v7, v17;
	v8 =	vadd.f32 v16, v8  }
0x48: {  	v9 =	vadd.f32 v10, v9;
	v10 =	vunpack.i.l.bf16.f32 v12;
	v12 =	vunpack.i.u.bf16.f32 v5  }
0x49: {  	v7 =	vadd.f32 v11, v7;
	v6 =	vunpack.i.l.bf16.f32 v6;
	v8 =	vadd.f32 v10, v8;
	v3 =	vld.idx.msk [tilespmem:v3+s2+$0x0], $0xffff  }
0x4a: {  	v10 =	vadd.f32 v18, v13;
	v11 =	vunpack.i.l.bf16.f32 v2;
	v9 =	vadd.f32 v15, v9  }
0x4b: {  	v7 =	vadd.f32 v20, v7;
	v5 =	vunpack.i.l.bf16.f32 v5;
	v8 =	vadd.f32 v11, v8  }
0x4c: {  	v2 =	vunpack.i.u.bf16.f32 v2;
	v6 =	vadd.f32 v6, v9;
	v9 =	vunpack.i.l.bf16.f32 v4  }
0x4d: {  	v7 =	vadd.f32 v14, v7;
	v8 =	vadd.f32 v9, v8  }
0x4e: {  	v2 =	vadd.f32 v2, v10;
	v4 =	vunpack.i.u.bf16.f32 v4;
	v5 =	vadd.f32 v5, v6  }
0x4f: {  	v6 =	vadd.f32 v12, v7;
	v7 =	vunpack.i.l.bf16.f32 v3;
	v8 =	vmul.f32 $6.250000000e-02, v8  }
0x50: {  	v2 =	vadd.f32 v4, v2;
	v3 =	vunpack.i.u.bf16.f32 v3;
	v4 =	vadd.f32 v7, v5  }
0x51: {  	v3 =	vadd.f32 v3, v6;
	[tilespmem:s11+$0xFFFFFFE0] =	vst v8  }
0x52: {  	v2 =	vmul.f32 $6.250000000e-02, v2;
	v4 =	vmul.f32 $6.250000000e-02, v4  }
0x53: {  	v3 =	vmul.f32 $6.250000000e-02, v3  }
0x54: {  	[tilespmem:s11+$0x0] =	vst v4  }
0x55: {  	s14 =	sshra.s32 s14, $0x2;
	[tilespmem:s11+$0x10] =	vst v3  }
0x56: {  	[tilespmem:s11+$0xFFFFFFF0] =	vst v2;
	s11 =	smov.u32 s12  }
0x57: {  	v3 =	vld [tilespmem:s14+$0x2A00];
	_ =	sdelay $0x4  }
0x58: {  	v2 =	vbroadcast v3, $0x2;
	v4 =	vbroadcast v3, $0x7  }
0x59: {  	v5 =	vbroadcast v3, $0x4;
	v6 =	vbroadcast v3, $0xE  }
0x5a: {  	v7 =	vbroadcast v3, $0x0;
	v8 =	vadd.s32 v0, v2;
	v9 =	vadd.s32 v1, v2  }
0x5b: {  	v10 =	vbroadcast v3, $0x1;
	v11 =	vbroadcast v3, $0x3;
	v2 =	vadd.s32 v0, v6  }
0x5c: {  	v13 =	vbroadcast v3, $0x5;
	v14 =	vbroadcast v3, $0x6;
	v12 =	vadd.s32 v1, v7  }
0x5d: {  	v7 =	vadd.s32 v0, v7;
	v15 =	vadd.s32 v0, v5;
	v16 =	vadd.s32 v1, v5  }
0x5e: {  	v17 =	vadd.s32 v0, v10;
	v18 =	vadd.s32 v0, v13;
	v13 =	vadd.s32 v1, v13  }
0x5f: {  	v10 =	vadd.s32 v1, v10;
	v19 =	vadd.s32 v1, v14;
	v20 =	vadd.s32 v0, v4  }
0x60: {  	v21 =	vbroadcast v3, $0x8;
	v22 =	vbroadcast v3, $0x9;
	v5 =	vadd.s32 v1, v6  }
0x61: {  	v23 =	vbroadcast v3, $0xA;
	v24 =	vbroadcast v3, $0xB;
	v6 =	vld.idx.msk [tilespmem:v12+s2+$0x0], $0xffff;
	v12 =	vadd.s32 v0, v11  }
0x62: {  	v25 =	vadd.s32 v0, v21;
	v21 =	vadd.s32 v1, v21;
	v26 =	vadd.s32 v0, v22;
	v7 =	vld.idx.msk [tilespmem:v7+s2+$0x0], $0xffff  }
0x63: {  	v22 =	vadd.s32 v1, v22;
	v27 =	vadd.s32 v0, v23;
	v23 =	vadd.s32 v1, v23;
	v17 =	vld.idx.msk [tilespmem:v17+s2+$0x0], $0xffff  }
0x64: {  	v28 =	vadd.s32 v0, v24;
	v24 =	vadd.s32 v1, v24;
	v11 =	vadd.s32 v1, v11;
	v8 =	vld.idx.msk [tilespmem:v8+s2+$0x0], $0xffff  }
0x65: {  	v29 =	vbroadcast v3, $0xC;
	v30 =	vbroadcast v3, $0xD;
	v9 =	vld.idx.msk [tilespmem:v9+s2+$0x0], $0xffff  }
0x66: {  	v3 =	vbroadcast v3, $0xF;
	v31 =	vadd.s32 v1, v4  }
0x67: {  	v14 =	vadd.s32 v0, v14;
	v32 =	vadd.s32 v0, v29;
	v4 =	vunpack.i.l.bf16.f32 v6;
	v12 =	vld.idx.msk [tilespmem:v12+s2+$0x0], $0xffff  }
0x68: {  	v6 =	vunpack.i.u.bf16.f32 v6;
	v33 =	vunpack.i.u.bf16.f32 v7;
	v7 =	vunpack.i.l.bf16.f32 v7;
	v10 =	vld.idx.msk [tilespmem:v10+s2+$0x0], $0xffff  }
0x69: {  	v29 =	vadd.s32 v1, v29;
	v34 =	vadd.s32 v1, v30;
	v33 =	vadd.f32 $0.0e+00, v33;
	v16 =	vld.idx.msk [tilespmem:v16+s2+$0x0], $0xffff  }
0x6a: {  	v7 =	vadd.f32 $0.0e+00, v7;
	v35 =	vunpack.i.u.bf16.f32 v17;
	v17 =	vunpack.i.l.bf16.f32 v17;
	v15 =	vld.idx.msk [tilespmem:v15+s2+$0x0], $0xffff  }
0x6b: {  	v33 =	vadd.f32 v35, v33;
	v35 =	vunpack.i.u.bf16.f32 v8;
	v8 =	vunpack.i.l.bf16.f32 v8;
	v11 =	vld.idx.msk [tilespmem:v11+s2+$0x0], $0xffff  }
0x6c: {  	v4 =	vadd.f32 $0.0e+00, v4;
	v6 =	vadd.f32 $0.0e+00, v6;
	v36 =	vunpack.i.u.bf16.f32 v9;
	v18 =	vld.idx.msk [tilespmem:v18+s2+$0x0], $0xffff  }
0x6d: {  	v7 =	vadd.f32 v17, v7;
	v9 =	vunpack.i.l.bf16.f32 v9;
	v17 =	vunpack.i.l.bf16.f32 v12;
	v13 =	vld.idx.msk [tilespmem:v13+s2+$0x0], $0xffff  }
0x6e: {  	v12 =	vunpack.i.u.bf16.f32 v12;
	v37 =	vunpack.i.u.bf16.f32 v10;
	v10 =	vunpack.i.l.bf16.f32 v10  }
0x6f: {  	v10 =	vadd.f32 v10, v4;
	v6 =	vadd.f32 v37, v6;
	v37 =	vunpack.i.u.bf16.f32 v16;
	v14 =	vld.idx.msk [tilespmem:v14+s2+$0x0], $0xffff  }
0x70: {  	v7 =	vadd.f32 v8, v7;
	v8 =	vunpack.i.l.bf16.f32 v16;
	v4 =	vadd.s32 v0, v3;
	v16 =	vld.idx.msk [tilespmem:v19+s2+$0x0], $0xffff  }
0x71: {  	v19 =	vadd.f32 v35, v33;
	v33 =	vunpack.i.u.bf16.f32 v15;
	v15 =	vunpack.i.l.bf16.f32 v15;
	v20 =	vld.idx.msk [tilespmem:v20+s2+$0x0], $0xffff  }
0x72: {  	v6 =	vadd.f32 v36, v6;
	v35 =	vunpack.i.u.bf16.f32 v11;
	v36 =	vunpack.i.l.bf16.f32 v18;
	v25 =	vld.idx.msk [tilespmem:v25+s2+$0x0], $0xffff  }
0x73: {  	v7 =	vadd.f32 v17, v7;
	v17 =	vunpack.i.u.bf16.f32 v18;
	v12 =	vadd.f32 v12, v19;
	v18 =	vld.idx.msk [tilespmem:v31+s2+$0x0], $0xffff  }
0x74: {  	v9 =	vadd.f32 v9, v10;
	v6 =	vadd.f32 v35, v6;
	v10 =	vunpack.i.u.bf16.f32 v13  }
0x75: {  	v11 =	vunpack.i.l.bf16.f32 v11;
	v12 =	vadd.f32 v33, v12;
	v19 =	vunpack.i.l.bf16.f32 v14;
	v21 =	vld.idx.msk [tilespmem:v21+s2+$0x0], $0xffff  }
0x76: {  	v9 =	vadd.f32 v11, v9;
	v11 =	vunpack.i.l.bf16.f32 v13;
	v13 =	vunpack.i.u.bf16.f32 v16  }
0x77: {  	v7 =	vadd.f32 v15, v7;
	v14 =	vunpack.i.u.bf16.f32 v14;
	v15 =	vunpack.i.l.bf16.f32 v16;
	v16 =	vld.idx.msk [tilespmem:v26+s2+$0x0], $0xffff  }
0x78: {  	v6 =	vadd.f32 v37, v6;
	v12 =	vadd.f32 v17, v12;
	v17 =	vunpack.i.l.bf16.f32 v20;
	v22 =	vld.idx.msk [tilespmem:v22+s2+$0x0], $0xffff  }
0x79: {  	v8 =	vadd.f32 v8, v9;
	v9 =	vunpack.i.u.bf16.f32 v20;
	v20 =	vunpack.i.u.bf16.f32 v18;
	v26 =	vld.idx.msk [tilespmem:v27+s2+$0x0], $0xffff  }
0x7a: {  	v12 =	vadd.f32 v14, v12;
	v18 =	vunpack.i.l.bf16.f32 v18;
	v14 =	vunpack.i.u.bf16.f32 v25;
	v27 =	vld.idx.msk [tilespmem:v28+s2+$0x0], $0xffff  }
0x7b: {  	v6 =	vadd.f32 v10, v6;
	v10 =	vunpack.i.l.bf16.f32 v25;
	v25 =	vunpack.i.l.bf16.f32 v21;
	v23 =	vld.idx.msk [tilespmem:v23+s2+$0x0], $0xffff  }
0x7c: {  	v7 =	vadd.f32 v36, v7;
	v12 =	vadd.f32 v9, v12;
	v21 =	vunpack.i.u.bf16.f32 v21  }
0x7d: {  	v30 =	vadd.s32 v0, v30;
	v6 =	vadd.f32 v13, v6;
	v28 =	vunpack.i.l.bf16.f32 v16;
	v24 =	vld.idx.msk [tilespmem:v24+s2+$0x0], $0xffff  }
0x7e: {  	v7 =	vadd.f32 v19, v7;
	v11 =	vadd.f32 v11, v8;
	v19 =	vunpack.i.u.bf16.f32 v22  }
0x7f: {  	v6 =	vadd.f32 v20, v6;
	v16 =	vunpack.i.u.bf16.f32 v16;
	v9 =	vunpack.i.l.bf16.f32 v22;
	v31 =	vld.idx.msk [tilespmem:v32+s2+$0x0], $0xffff  }
0x80: {  	v12 =	vadd.f32 v14, v12;
	v14 =	vunpack.i.l.bf16.f32 v26;
	v8 =	vunpack.i.l.bf16.f32 v27  }
0x81: {  	v17 =	vadd.f32 v17, v7;
	v11 =	vadd.f32 v15, v11;
	v7 =	vunpack.i.u.bf16.f32 v23;
	v15 =	vld.idx.msk [tilespmem:v29+s2+$0x0], $0xffff  }
.Ltmp0:
0x82: {  	v21 =	vadd.f32 v21, v6;
	v26 =	vunpack.i.u.bf16.f32 v26;
	v13 =	vunpack.i.l.bf16.f32 v23;
	(pc) =	sbr.rel @p0 .LBB2_2-.Ltmp0, $4  }
0x83: {  	v17 =	vadd.f32 v10, v17;
	v23 =	vadd.f32 v16, v12;
	v10 =	vunpack.i.l.bf16.f32 v24;
	v6 =	vld.idx.msk [tilespmem:v34+s2+$0x0], $0xffff  }
0x84: {  	v22 =	vadd.f32 v18, v11;
	v18 =	vunpack.i.u.bf16.f32 v27;
	v11 =	vunpack.i.u.bf16.f32 v24;
	v12 =	vld.idx.msk [tilespmem:v30+s2+$0x0], $0xffff  }
0x85: {  	v20 =	vadd.f32 v28, v17;
	v17 =	vadd.f32 v19, v21;
	v16 =	vunpack.i.l.bf16.f32 v31  }
0x86: {  	v22 =	vadd.f32 v25, v22;
	v21 =	vadd.f32 v26, v23;
	v19 =	vunpack.i.u.bf16.f32 v31;
	v5 =	vld.idx.msk [tilespmem:v5+s2+$0x0], $0xffff  }
0x87: {  	_ =	sdelay $0x1  }
0x88: {  	v14 =	vadd.f32 v14, v20  }
0x89: {  	v3 =	vadd.s32 v1, v3;
	v50 =	vunpack.i.u.bf16.f32 v15;
	v7 =	vadd.f32 v7, v17  }
0x8a: {  	v51 =	vunpack.i.l.bf16.f32 v15;
	v2 =	vld.idx.msk [tilespmem:v2+s2+$0x0], $0xffff;
	v9 =	vadd.f32 v9, v22;
	v18 =	vadd.f32 v18, v21  }
0x8b: {  	v52 =	vunpack.i.u.bf16.f32 v6;
	v57 =	vunpack.i.l.bf16.f32 v6;
	v8 =	vadd.f32 v8, v14  }
0x8c: {  	v4 =	vld.idx.msk [tilespmem:v4+s2+$0x0], $0xffff;
	v54 =	vunpack.i.u.bf16.f32 v12;
	v7 =	vadd.f32 v11, v7;
	v9 =	vadd.f32 v13, v9  }
0x8d: {  	v55 =	vunpack.i.l.bf16.f32 v12;
	v53 =	vadd.f32 v19, v18;
	v8 =	vadd.f32 v16, v8  }
0x8e: {  	v56 =	vunpack.i.u.bf16.f32 v5;
	v7 =	vadd.f32 v50, v7;
	v9 =	vadd.f32 v10, v9  }
0x8f: {  	v3 =	vld.idx.msk [tilespmem:v3+s2+$0x0], $0xffff;
	v10 =	vadd.f32 v54, v53;
	v58 =	vunpack.i.l.bf16.f32 v2;
	v8 =	vadd.f32 v55, v8  }
0x90: {  	v2 =	vunpack.i.u.bf16.f32 v2;
	v7 =	vadd.f32 v52, v7;
	v9 =	vadd.f32 v51, v9  }
0x91: {  	v60 =	vunpack.i.l.bf16.f32 v4;
	v2 =	vadd.f32 v2, v10;
	v8 =	vadd.f32 v58, v8  }
0x92: {  	v4 =	vunpack.i.u.bf16.f32 v4;
	v7 =	vadd.f32 v56, v7;
	v6 =	vadd.f32 v57, v9  }
0x93: {  	v59 =	vunpack.i.l.bf16.f32 v5;
	v2 =	vadd.f32 v4, v2;
	v61 =	vadd.f32 v60, v8  }
0x94: {  	v62 =	vunpack.i.l.bf16.f32 v3;
	v3 =	vunpack.i.u.bf16.f32 v3;
	v5 =	vadd.f32 v59, v6  }
0x95: {  	v3 =	vadd.f32 v3, v7;
	v2 =	vmul.f32 $6.250000000e-02, v2  }
0x96: {  	v6 =	vmul.f32 $6.250000000e-02, v61;
	v5 =	vadd.f32 v62, v5  }
0x97: {  	v3 =	vmul.f32 $6.250000000e-02, v3;
	[tilespmem:s11+$0xFFFFFFF0] =	vst v2  }
0x98: {  	s10 =	sadd.s32 $0x1, s10;
	[tilespmem:s11+$0xFFFFFFE0] =	vst v6;
	v63 =	vmul.f32 $6.250000000e-02, v5  }
0x99: {  	p0 =	sne.s32 s10, s6;
	[tilespmem:s11+$0x10] =	vst v3  }
.Ltmp1:
0x9a: {  	[tilespmem:s11+$0x0] =	vst v63;
	(pc) =	sbr.rel @p0 .LBB2_1-.Ltmp1, $4  }
0x9b: {  	[hbm4b:s5+s2] =	stream.linear.scatter [tilespmem:s9], [sflag:$0x1], $0x4000, $0x38;
	[tilespmem:$0x7A00] =	vst v63  }
0x9c: {  	_ =	swait.ge [sflag:s7], $0x4000  }
0x9d: {  	[sflag:s7] =	ssyncset.done $0x0  }
0x9e: {  	[sflag:s7] =	ssyncadd.s32 $0xFFFFC000  }
0x9f: {  	_ =	sfence.sel $0x180000  }
0xa0: {  	[bflag:$0x0] =	sbarrier.arrive $0xFFFF  }
0xa1: {  	p0 =	sne.s32 s1, $0x0;
	_ =	strace $0x90000050  }
0xa2: {  	s0 =	sadd.s32 @!p0 $0x100000, s0;
	[bflag:$0x2] =	sbarrier.arrive $0xFFFF  }
0xa3: {  	[sflag:s0] =	ssyncadd.tile.s32 @!p0 $0x1;
	_ =	shalt  }
.Lfunc_end2:
_tile_overlayer_lowered:
.L_overlay_start_2:
0xa4: {  	(tag) =	ssettag $0x2  }
0xa5: {  	s0 =	rddreg [dreg:$0x0];
	s2 =	stileid.u32  }
0xa6: {  	s1 =	rddreg [dreg:$0x1];
	p0 =	sne.s32 s2, $0x0  }
0xa7: {  	s3 =	rddreg [dreg:$0x2];
	[bflag:$0x3] =	sbarrier.arrive $0xFFFF;
	s2 =	simm.s32 @!p0 $0x1C01  }
0xa8: {  	[timem:s3], [sflag:s2] =	dma.local @!p0 [hbm:s0], s1  }
0xa9: {  	s0 =	simm.s32 @!p0 $0x1  }
0xaa: {  	_ =	swait.ge @!p0 [sflag:s0], s1  }
0xab: {  	s1 =	ssub.s32 @!p0 $0x0, s1;
	[sflag:s0] =	ssyncset.done @!p0 $0x0  }
0xac: {  	[sflag:s0] =	ssyncadd.s32 @!p0 s1  }
0xad: {  	[bflag:$0x3] =	sbarrier.arrive $0xFFFF  }
0xae: {  	_ =	shalt  }

// kernel: kernel.13.cloned.1.call-start
scs
__scs_entry_jumppad:
0x0: {  	(pc) =	sbr.rel $0x88, $3  }
0x1: {  	(tag) =	ssettag $0x0;
	lr =	simm.s32 $0x1  }
0x2: {  	[smem:$0x3F9E] =	sst lr;
	_ =	strace $0xD0000000  }
0x3: {  	_ = 	snop  }
0x4: {  	_ = 	snop  }
0x5: {  	_ = 	snop  }
0x6: {  	_ = 	snop  }
0x7: {  	_ = 	snop  }
__scs_overlays_trampoline_lowered:
0x8: {  	[smem:$0x3FAD] =	sst s0  }
0x9: {  	[smem:$0x3FAE] =	sst s1  }
0xa: {  	[smem:$0x3FAF] =	sst s2  }
0xb: {  	[smem:$0x3FB0] =	sst s3  }
0xc: {  	[smem:$0x3FB1] =	sst s4  }
0xd: {  	[smem:$0x3FB2] =	sst s5  }
0xe: {  	[smem:$0x3FB3] =	sst s6  }
0xf: {  	[smem:$0x3FB4] =	sst s7  }
0x10: {  	[smem:$0x3FB5] =	sst s8  }
0x11: {  	[smem:$0x3FB6] =	sst s9;
	s0 =	simm.s32 @!p0 $0x0  }
0x12: {  	s1 =	sld [smem:$0x3F9C];
	s0 =	simm.s32 @p0 $0x1  }
0x13: {  	[smem:$0x3FB7] =	sst s0;
	s0 =	simm.s32 @!p1 $0x0  }
0x14: {  	s2 =	sld [smem:$0x3F9B];
	s0 =	simm.s32 @p1 $0x1  }
0x15: {  	[smem:$0x3FB8] =	sst s0;
	s0 =	simm.s32 @!p2 $0x0  }
0x16: {  	s3 =	sld [smem:$0x3FDB];
	s0 =	simm.s32 @p2 $0x1  }
0x17: {  	s4 =	simm.s32 $0x1BF5;
	[smem:$0x3FBA] =	sst s0  }
0x18: {  	s0 =	sld [smem:$0x3F9D];
	_ =	swait.ge [sflag:s4], $0x0  }
0x19: {  	s7 =	sld [smem:$0x3F9E]  }
0x1a: {  	s8 =	sadd.s32 $0xFFFFE003, lr  }
0x1b: {  	s9 =	sadd.s32 $0xFFFFFEF7, lr;
	s5 =	simm.s32 $0xFFFFFFFF;
	p2 =	slt.u32 s8, $0xFFFFF086  }
0x1c: {  	p1 =	slt.u32 s9, $0xF7A;
	s5 =	simm.s32 @!p2 $0x0  }
0x1d: {  	s5 =	simm.s32 @p1 $0x1;
	p0 =	seq.s32 s7, s2  }
0x1e: {  	s7 =	smul.u32 @!p0 $0xF7A, s2;
	p2 =	seq.s32 @!p0 s5, $0x0  }
0x1f: {  	s9 =	smul.u32 $0xF7A, s1;
	s8 =	simm.s32 @!p0 $0x1BF5;
	p2 =	por !p2, p0  }
0x20: {  	[sflag:s8] =	ssyncset.s32 @!p0 $0xFFFFF086;
	s6 =	sadd.s32 @!p0 s3, s7;
	s7 =	simm.s32 @!p0 $0x108  }
0x21: {  	s3 =	sadd.s32 s3, s9;
	s6 =	sadd.s32 @!p0 $0x88, s6;
	s7 =	simm.s32 @p2 $0x1082  }
0x22: {  	[simem:s7], [sflag:s8] =	dma.local @!p0 [hbm:s6], $0xF7A  }
0x23: {  	s9 =	sor.u32 $0xD0000000, s2;
	s6 =	simm.s32 $0x108;
	_ =	swait.ge @!p0 [sflag:s8], $0x0  }
0x24: {  	s3 =	sadd.s32 $0x88, s3;
	s6 =	simm.s32 @!p1 $0x1082;
	[sflag:s4] =	ssyncset.s32 $0xFFFFF086  }
0x25: {  	[simem:s6], [sflag:s4] =	dma.local [hbm:s3], $0xF7A  }
0x26: {  	[smem:$0x3F9E] =	sst s1;
	(tag) =	ssettag s2;
	_ =	strace s9  }
0x27: {  	s1 =	sld [smem:$0x3FAE]  }
0x28: {  	s2 =	sld [smem:$0x3FAF]  }
0x29: {  	s4 =	sld [smem:$0x3FB1]  }
0x2a: {  	p0 =	seq.s32 s5, $0x0;
	s5 =	sld [smem:$0x3FB2]  }
0x2b: {  	s6 =	sld [smem:$0x3FB3]  }
0x2c: {  	s7 =	sld [smem:$0x3FB4]  }
0x2d: {  	s3 =	simm.s32 $0x108;
	s8 =	sld [smem:$0x3FB5]  }
0x2e: {  	s3 =	simm.s32 @!p0 $0x1082;
	s9 =	sld [smem:$0x3FB6]  }
0x2f: {  	lr =	sadd.s32 s0, s3;
	s0 =	sld [smem:$0x3FAD]  }
0x30: {  	s3 =	sld [smem:$0x3FB0]  }
0x31: {  	[smem:$0x3FB9] =	sst s10  }
0x32: {  	s10 =	sld [smem:$0x3FB7];
	_ =	sdelay $0x3  }
0x33: {  	p0 =	seq.s32 s10, $0x1;
	s10 =	sld [smem:$0x3FB9];
	_ =	sdelay $0x3  }
0x34: {  	[smem:$0x3FB9] =	sst s10  }
0x35: {  	s10 =	sld [smem:$0x3FB8];
	_ =	sdelay $0x3  }
0x36: {  	p1 =	seq.s32 s10, $0x1;
	s10 =	sld [smem:$0x3FB9];
	_ =	sdelay $0x3  }
0x37: {  	[smem:$0x3FB9] =	sst s10  }
0x38: {  	s10 =	sld [smem:$0x3FBA]  }
0x39: {  	_ = 	snop;
	(pc) =	sbr.ind lr, $3  }
0x3a: {  	_ = 	snop  }
0x3b: {  	_ = 	snop  }
0x3c: {  	p2 =	seq.s32 s10, $0x1;
	s10 =	sld [smem:$0x3FB9]  }
0x3d: {  	_ =	shalt  }
0x3e: {  	_ =	shalt  }
0x3f: {  	_ =	shalt  }
0x40: {  	_ =	shalt  }
0x41: {  	_ =	shalt  }
0x42: {  	_ =	shalt  }
0x43: {  	_ =	shalt  }
0x44: {  	_ =	shalt  }
0x45: {  	_ =	shalt  }
0x46: {  	_ =	shalt  }
0x47: {  	_ =	shalt  }
0x48: {  	_ =	shalt  }
0x49: {  	_ =	shalt  }
0x4a: {  	_ =	shalt  }
0x4b: {  	_ =	shalt  }
0x4c: {  	_ =	shalt  }
0x4d: {  	_ =	shalt  }
0x4e: {  	_ =	shalt  }
0x4f: {  	_ =	shalt  }
0x50: {  	_ =	shalt  }
0x51: {  	_ =	shalt  }
0x52: {  	_ =	shalt  }
0x53: {  	_ =	shalt  }
0x54: {  	_ =	shalt  }
0x55: {  	_ =	shalt  }
0x56: {  	_ =	shalt  }
0x57: {  	_ =	shalt  }
0x58: {  	_ =	shalt  }
0x59: {  	_ =	shalt  }
0x5a: {  	_ =	shalt  }
0x5b: {  	_ =	shalt  }
0x5c: {  	_ =	shalt  }
0x5d: {  	_ =	shalt  }
0x5e: {  	_ =	shalt  }
0x5f: {  	_ =	shalt  }
0x60: {  	_ =	shalt  }
0x61: {  	_ =	shalt  }
0x62: {  	_ =	shalt  }
0x63: {  	_ =	shalt  }
0x64: {  	_ =	shalt  }
0x65: {  	_ =	shalt  }
0x66: {  	_ =	shalt  }
0x67: {  	_ =	shalt  }
0x68: {  	_ =	shalt  }
0x69: {  	_ =	shalt  }
0x6a: {  	_ =	shalt  }
0x6b: {  	_ =	shalt  }
0x6c: {  	_ =	shalt  }
0x6d: {  	_ =	shalt  }
0x6e: {  	_ =	shalt  }
0x6f: {  	_ =	shalt  }
0x70: {  	_ =	shalt  }
0x71: {  	_ =	shalt  }
0x72: {  	_ =	shalt  }
0x73: {  	_ =	shalt  }
0x74: {  	_ =	shalt  }
0x75: {  	_ =	shalt  }
0x76: {  	_ =	shalt  }
0x77: {  	_ =	shalt  }
0x78: {  	_ =	shalt  }
0x79: {  	_ =	shalt  }
0x7a: {  	_ =	shalt  }
0x7b: {  	_ =	shalt  }
0x7c: {  	_ =	shalt  }
0x7d: {  	_ =	shalt  }
0x7e: {  	_ =	shalt  }
0x7f: {  	_ =	shalt  }
0x80: {  	_ =	shalt  }
0x81: {  	_ =	shalt  }
0x82: {  	_ =	shalt  }
0x83: {  	_ =	shalt  }
0x84: {  	_ =	shalt  }
0x85: {  	_ =	shalt  }
0x86: {  	_ =	shalt  }
0x87: {  	_ =	shalt  }
.Lfunc_end0:
.L_simem_size_0:
called_computation.1_lowered:
.L_overlay_start_0:
0x88: {  	s2 =	sld [smem:$0x3FD9]  }
0x89: {  	s3 =	sld [smem:$0x3FFE];
	_ =	sdelay $0x1  }
0x8a: {  	s1 =	srdreg.scid  }
0x8b: {  	s0 =	sand.u32 $0x1, s1  }
0x8c: {  	s17 =	sshll.u32 s0, $0xA;
	s2 =	sadd.s32 s3, s2  }
0x8d: {  	s2 =	sadd.s32 s2, s17  }
0x8e: {  	[smem:$0x3FC5] =	sst s2  }
0x8f: {  	_ = 	snop  }
0x90: {  	s18 =	sld [smem:$0x3FD0];
	(tm) =	ssettm $0x1  }
0x91: {  	s19 =	sld [smem:$0x3FFB];
	_ =	sdelay $0x3  }
0x92: {  	_ =	strace s19  }
0x93: {  	s2 =	sld [smem:$0x3FFC];
	_ =	sdelay $0x3  }
0x94: {  	_ =	strace s2  }
0x95: {  	s2 =	sld [smem:$0x3FFD];
	_ =	sdelay $0x3  }
0x96: {  	_ =	strace s2  }
0x97: {  	_ =	strace $0x8FFFFFFF  }
0x98: {  	s20 =	sld [smem:$0x3FDB];
	_ =	sdelay $0x1  }
0x99: {  	s4 =	simm.s32 $_scs_section_size  }
0x9a: {  	s5 =	simm.s32 $_size__tile_overlayer_lowered;
	s6 =	simm.s32 $_tile_overlayer_lowered  }
0x9b: {  	s7 =	simm.s32 $0x1BFF;
	s21 =	sshll.u32 s6, $0x1;
	s4 =	sadd.s32 s4, s20  }
0x9c: {  	s22 =	simm.s32 $0x0;
	s5 =	sshll.u32 s5, $0x1;
	s6 =	sadd.s32 s21, s4  }
0x9d: {  	[timem:s22], [sflag:s7] =	dma.local [hbm:s6], s5  }
0x9e: {  	_ =	swait.ge [sflag:s7], s5  }
0x9f: {  	s5 =	ssub.s32 $0x0, s5;
	[sflag:s7] =	ssyncset.done $0x0  }
0xa0: {  	[sflag:s7] =	ssyncadd.s32 s5;
	_ =	sdelay $0x1  }
0xa1: {  	s23 =	simm.s32 $0x1B8B  }
0xa2: {  	_ =	swait.ge [sflag:s23], $0x1  }
0xa3: {  	[sflag:s23] =	ssyncset.done $0x0  }
0xa4: {  	[sflag:s23] =	ssyncadd.s32 $0xFFFFFFFF  }
0xa5: {  	s5 =	sld [smem:$0x0]  }
0xa6: {  	s6 =	sand.u32 $0xFFFFFFFE, s1  }
0xa7: {  	p0 =	sne.s32 s1, s6  }
0xa8: {  	s6 =	sshll.u32 @p0 s6, $0xE  }
0xa9: {  	s6 =	sadd.s32 @p0 $0x11B8D, s6;
	s7 =	sshll.u32 @p0 s5, $0x11  }
0xaa: {  	s6 =	sor.u32 @p0 s7, s6  }
0xab: {  	[sflag:s6] =	ssyncadd.remote.s32 @p0 $0x1;
	_ =	sdelay $0x1  }
0xac: {  	s6 =	simm.s32 @p0 $0x1B8D  }
0xad: {  	_ =	swait.eq @p0 [sflag:s6], $0x1  }
0xae: {  	[sflag:s6] =	ssyncadd.s32 @p0 $0xFFFFFFFF  }
0xaf: {  	s7 =	sshll.u32 @!p0 s1, $0xE  }
0xb0: {  	s7 =	sor.u32 @!p0 $0x4000, s7;
	s6 =	simm.s32 @!p0 $0x1B8D  }
0xb1: {  	s5 =	sshll.u32 @!p0 s5, $0x11;
	s7 =	sadd.s32 @!p0 $0x11B8D, s7;
	_ =	swait.eq @!p0 [sflag:s6], $0x1  }
0xb2: {  	s5 =	sor.u32 @!p0 s5, s7;
	[sflag:s6] =	ssyncadd.s32 @!p0 $0xFFFFFFFF  }
0xb3: {  	s25 =	simm.s32 $0x1B8E;
	s24 =	sld [smem:$0x3FFE];
	[sflag:s5] =	ssyncadd.remote.s32 @!p0 $0x1  }
0xb4: {  	s26 =	simm.s32 $execute0_lowered;
	[smem:$0x3FD2] =	sst s25  }
0xb5: {  	s6 =	sshll.u32 s26, $0x1;
	_ =	strace $0x8000004C;
	[dreg:$0x1] =	wrdreg $0xFFFFFFFF  }
0xb6: {  	s28 =	simm.s32 $_size_execute0_lowered;
	s4 =	sadd.s32 s4, s6;
	[dreg:$0x0] =	wrdreg $0x0  }
0xb7: {  	s6 =	sshll.u32 s28, $0x1;
	[dreg:$0x2] =	wrdreg s4  }
0xb8: {  	[dreg:$0x3] =	wrdreg s6  }
0xb9: {  	[dreg:$0x4] =	wrdreg $0xC0  }
0xba: {  	_ =	task [dreg:s22], $0x5FFFF  }
0xbb: {  	[dreg:$0x1] =	wrdreg $0xFFFFFFFF  }
0xbc: {  	[dreg:$0x0] =	wrdreg $0x60  }
0xbd: {  	[dreg:$0x2] =	wrdreg s24  }
0xbe: {  	[dreg:$0x3] =	wrdreg s18  }
0xbf: {  	[dreg:$0x4] =	wrdreg $0xA  }
0xc0: {  	_ =	task.clear_ibuf [dreg:s22], $0x5FFFF;
	_ =	strace $0x9000004C  }
0xc1: {  	s29 =	simm.s32 $0xA;
	_ =	strace $0x8000004E  }
0xc2: {  	_ =	swait.ge [sflag:s29], $0x1  }
0xc3: {  	[sflag:s29] =	ssyncadd.s32 $0xFFFFFFFF  }
0xc4: {  	_ =	strace $0x9000004E  }
0xc5: {  	_ =	sfence  }
0xc6: {  	s30 =	sld [smem:$0x0];
	_ =	sdelay $0x2  }
0xc7: {  	s31 =	sshll.u32 s1, $0xD;
	s1 =	sshrl.u32 s1, $0x2  }
0xc8: {  	s4 =	sand.u32 $0x4000, s31;
	s1 =	sadd.s32 s1, s30  }
0xc9: {  	s0 =	sor.u32 s4, s0;
	s1 =	sshll.u32 s1, $0x11  }
0xca: {  	s0 =	sor.u32 s1, s0  }
0xcb: {  	s0 =	sadd.s32 $0x8F2B, s0  }
0xcc: {  	[sflag:s0] =	ssyncadd.remote.s32 $0x1  }
0xcd: {  	_ =	sfence.sel $0xFFFF  }
0xce: {  	[dreg:$0x0] =	wrdreg $0xFFFFFFFF;
	(pc) =	sbr.abs _section_cstart, $3  }
0xcf: {  	[dreg:$0x1] =	wrdreg $0xFFFFFFFF  }
0xd0: {  	_ =	task.clear_ibuf [dreg:s22], $0x2FFFF;
	_ =	strace $0x9FFFFFFF  }
0xd1: {  	(tm) =	ssettm $0x7FFFFFFF  }
tec
execute0_lowered:
.L_overlay_start_1:
0x0: {  	(tag) =	ssettag $0x1  }
0x1: {  	s4 =	rddreg [dreg:$0x0]  }
0x2: {  	s5 =	rddreg [dreg:$0x1]  }
0x3: {  	s0 =	rddreg [dreg:$0x2];
	s3 =	srdreg.scid  }
0x4: {  	s1 =	stileid.u32;
	s2 =	simm.s32 $0x0;
	s9 =	simm.s32 $0x3A00  }
0x5: {  	s3 =	sand.u32 $0x1, s3;
	s6 =	sshll.u32 s1, $0x1;
	[smem:$0x7FF] =	sst s2  }
0x6: {  	s10 =	simm.s32 $0x0;
	s6 =	sor.u32 s3, s6;
	_ =	strace $0x8000004D  }
0x7: {  	s8 =	ssub.s32 $0x2, s3;
	s3 =	sadd.s32 $0x1000, s4;
	s7 =	sshll.u32 s6, $0x9  }
0x8: {  	s31 =	sshrl.u32 s8, $0x1;
	s6 =	sshll.u32 s6, $0xB;
	s4 =	sadd.s32 s7, s4  }
0x9: {  	v0 =	vlaneseq.u32;
	s7 =	ssub.s32 s8, s31;
	s5 =	sadd.s32 s5, s6;
	s8 =	simm.s32 $0x2A00  }
0xa: {  	v1 =	vor.u32 $0x10, v0;
	s4 =	sadd.s32 $0x29600, s4;
	s6 =	smax.u32 s7, $0x1;
	s7 =	simm.s32 $0x1  }
.LBB2_1:
0xb: {  	[tilespmem:s2], [sflag:$0x1] =	stream.linear.gather [hbm4b:s3+s2], $0x2A00, $0x38;
	[tilespmem:$0x7A00] =	vst v63  }
0xc: {  	_ =	swait.ge [sflag:s7], $0x2A00  }
0xd: {  	[sflag:s7] =	ssyncset.done $0x0  }
0xe: {  	[sflag:s7] =	ssyncadd.s32 $0xFFFFD600  }
0xf: {  	[tilespmem:s8], [sflag:$0x1] =	stream.linear.gather [hbm4b:s4+s2], $0x1000, $0x38;
	[tilespmem:$0x7A00] =	vst v63  }
0x10: {  	_ =	swait.ge [sflag:s7], $0x1000  }
0x11: {  	[sflag:s7] =	ssyncset.done $0x0  }
0x12: {  	s11 =	simm.s32 $0x0;
	[sflag:s7] =	ssyncadd.s32 $0xFFFFF000  }
0x13: {  	v3 =	vld [tilespmem:s11+$0x2A00];
	_ =	sdelay $0x4  }
0x14: {  	v2 =	vbroadcast v3, $0x2;
	v4 =	vbroadcast v3, $0x7  }
0x15: {  	v5 =	vbroadcast v3, $0x4;
	v7 =	vbroadcast v3, $0x0  }
0x16: {  	v6 =	vbroadcast v3, $0xE;
	v10 =	vbroadcast v3, $0x1  }
0x17: {  	v11 =	vbroadcast v3, $0x3;
	v13 =	vbroadcast v3, $0x5;
	v12 =	vadd.s32 v1, v7  }
0x18: {  	v14 =	vbroadcast v3, $0x6;
	v21 =	vbroadcast v3, $0x8;
	v7 =	vadd.s32 v0, v7  }
0x19: {  	v22 =	vbroadcast v3, $0x9;
	v23 =	vbroadcast v3, $0xA;
	v17 =	vadd.s32 v0, v10  }
0x1a: {  	v24 =	vbroadcast v3, $0xB;
	v29 =	vbroadcast v3, $0xC;
	v8 =	vadd.s32 v0, v2  }
0x1b: {  	v9 =	vadd.s32 v1, v2;
	v2 =	vadd.s32 v0, v6;
	v15 =	vadd.s32 v0, v5  }
0x1c: {  	v16 =	vadd.s32 v1, v5;
	v5 =	vadd.s32 v1, v6;
	v6 =	vadd.s32 v0, v11;
	v12 =	vld.idx.msk [tilespmem:v12+s2+$0x0], $0xffff  }
0x1d: {  	v30 =	vbroadcast v3, $0xD;
	v3 =	vbroadcast v3, $0xF;
	v7 =	vld.idx.msk [tilespmem:v7+s2+$0x0], $0xffff  }
0x1e: {  	v18 =	vadd.s32 v0, v13;
	v13 =	vadd.s32 v1, v13;
	v11 =	vadd.s32 v1, v11;
	v17 =	vld.idx.msk [tilespmem:v17+s2+$0x0], $0xffff  }
0x1f: {  	v10 =	vadd.s32 v1, v10;
	v19 =	vadd.s32 v1, v14;
	v20 =	vadd.s32 v0, v4;
	v8 =	vld.idx.msk [tilespmem:v8+s2+$0x0], $0xffff  }
0x20: {  	v25 =	vadd.s32 v0, v21;
	v21 =	vadd.s32 v1, v21;
	v31 =	vadd.s32 v1, v4;
	v4 =	vld.idx.msk [tilespmem:v9+s2+$0x0], $0xffff  }
0x21: {  	v26 =	vadd.s32 v0, v22;
	v22 =	vadd.s32 v1, v22;
	v14 =	vadd.s32 v0, v14;
	v6 =	vld.idx.msk [tilespmem:v6+s2+$0x0], $0xffff  }
0x22: {  	v27 =	vadd.s32 v0, v23;
	v23 =	vadd.s32 v1, v23;
	v28 =	vadd.s32 v0, v24;
	v15 =	vld.idx.msk [tilespmem:v15+s2+$0x0], $0xffff  }
0x23: {  	v24 =	vadd.s32 v1, v24;
	v32 =	vadd.s32 v0, v29;
	v29 =	vadd.s32 v1, v29;
	v11 =	vld.idx.msk [tilespmem:v11+s2+$0x0], $0xffff  }
0x24: {  	v34 =	vadd.s32 v1, v30;
	v60 =	vadd.s32 v0, v30;
	v18 =	vld.idx.msk [tilespmem:v18+s2+$0x0], $0xffff;
	v9 =	vunpack.i.l.bf16.f32 v12  }
0x25: {  	v33 =	vunpack.i.u.bf16.f32 v7;
	v7 =	vunpack.i.l.bf16.f32 v7;
	v12 =	vunpack.i.u.bf16.f32 v12  }
0x26: {  	v14 =	vld.idx.msk [tilespmem:v14+s2+$0x0], $0xffff;
	v35 =	vunpack.i.u.bf16.f32 v17;
	v17 =	vunpack.i.l.bf16.f32 v17;
	v52 =	vunpack.i.u.bf16.f32 v8  }
0x27: {  	v8 =	vunpack.i.l.bf16.f32 v8;
	v36 =	vunpack.i.u.bf16.f32 v4;
	v37 =	vunpack.i.l.bf16.f32 v6  }
0x28: {  	v10 =	vld.idx.msk [tilespmem:v10+s2+$0x0], $0xffff;
	v6 =	vunpack.i.u.bf16.f32 v6;
	v53 =	vunpack.i.u.bf16.f32 v15;
	v15 =	vunpack.i.l.bf16.f32 v15  }
0x29: {  	v16 =	vld.idx.msk [tilespmem:v16+s2+$0x0], $0xffff;
	v54 =	vunpack.i.u.bf16.f32 v11;
	v55 =	vunpack.i.l.bf16.f32 v18;
	v18 =	vunpack.i.u.bf16.f32 v18  }
0x2a: {  	v11 =	vunpack.i.l.bf16.f32 v11;
	v33 =	vadd.f32 $0.0e+00, v33;
	v7 =	vadd.f32 $0.0e+00, v7  }
0x2b: {  	v21 =	vld.idx.msk [tilespmem:v21+s2+$0x0], $0xffff;
	v56 =	vunpack.i.l.bf16.f32 v14;
	v9 =	vadd.f32 $0.0e+00, v9;
	v12 =	vadd.f32 $0.0e+00, v12  }
0x2c: {  	v14 =	vunpack.i.u.bf16.f32 v14;
	v33 =	vadd.f32 v35, v33;
	v7 =	vadd.f32 v17, v7  }
0x2d: {  	v13 =	vld.idx.msk [tilespmem:v13+s2+$0x0], $0xffff;
	v17 =	vunpack.i.l.bf16.f32 v4;
	v4 =	vunpack.i.u.bf16.f32 v10;
	v10 =	vunpack.i.l.bf16.f32 v10  }
0x2e: {  	v9 =	vadd.f32 v10, v9;
	v10 =	vadd.f32 v4, v12;
	v12 =	vunpack.i.u.bf16.f32 v16  }
0x2f: {  	v7 =	vadd.f32 v8, v7;
	v8 =	vunpack.i.l.bf16.f32 v16;
	v16 =	vld.idx.msk [tilespmem:v19+s2+$0x0], $0xffff;
	v19 =	vadd.f32 v52, v33  }
0x30: {  	v20 =	vld.idx.msk [tilespmem:v20+s2+$0x0], $0xffff;
	v58 =	vunpack.i.l.bf16.f32 v21;
	v21 =	vunpack.i.u.bf16.f32 v21;
	v10 =	vadd.f32 v36, v10  }
0x31: {  	v25 =	vld.idx.msk [tilespmem:v25+s2+$0x0], $0xffff;
	v4 =	vadd.s32 v0, v3;
	v9 =	vadd.f32 v17, v9;
	v6 =	vadd.f32 v6, v19  }
0x32: {  	v17 =	vunpack.i.u.bf16.f32 v13;
	v7 =	vadd.f32 v37, v7;
	v19 =	vld.idx.msk [tilespmem:v31+s2+$0x0], $0xffff;
	v10 =	vadd.f32 v54, v10  }
0x33: {  	v57 =	vld.idx.msk [tilespmem:v28+s2+$0x0], $0xffff;
	v9 =	vadd.f32 v11, v9;
	v11 =	vunpack.i.l.bf16.f32 v13;
	v6 =	vadd.f32 v53, v6  }
0x34: {  	v23 =	vld.idx.msk [tilespmem:v23+s2+$0x0], $0xffff;
	v7 =	vadd.f32 v15, v7;
	v13 =	vunpack.i.u.bf16.f32 v16;
	v15 =	vunpack.i.l.bf16.f32 v16  }
0x35: {  	v16 =	vld.idx.msk [tilespmem:v26+s2+$0x0], $0xffff;
	v10 =	vadd.f32 v12, v10;
	v12 =	vunpack.i.l.bf16.f32 v20;
	v6 =	vadd.f32 v18, v6  }
0x36: {  	v8 =	vadd.f32 v8, v9;
	v9 =	vunpack.i.u.bf16.f32 v20;
	v18 =	vld.idx.msk [tilespmem:v22+s2+$0x0], $0xffff;
	v7 =	vadd.f32 v55, v7  }
0x37: {  	v22 =	vld.idx.msk [tilespmem:v27+s2+$0x0], $0xffff;
	v20 =	vunpack.i.u.bf16.f32 v19;
	v10 =	vadd.f32 v17, v10;
	v6 =	vadd.f32 v14, v6  }
0x38: {  	v19 =	vunpack.i.l.bf16.f32 v19;
	v17 =	vunpack.i.l.bf16.f32 v25;
	v7 =	vadd.f32 v56, v7  }
0x39: {  	v14 =	vunpack.i.u.bf16.f32 v25;
	v6 =	vadd.f32 v9, v6;
	v9 =	vadd.f32 v13, v10  }
0x3a: {  	v24 =	vld.idx.msk [tilespmem:v24+s2+$0x0], $0xffff;
	v59 =	vunpack.i.l.bf16.f32 v16;
	v10 =	vadd.f32 v11, v8;
	v16 =	vunpack.i.u.bf16.f32 v16  }
0x3b: {  	v8 =	vunpack.i.l.bf16.f32 v57;
	v13 =	vunpack.i.l.bf16.f32 v23;
	v61 =	vunpack.i.u.bf16.f32 v18  }
0x3c: {  	v62 =	vld.idx.msk [tilespmem:v32+s2+$0x0], $0xffff;
	v63 =	vunpack.i.u.bf16.f32 v22;
	v11 =	vadd.f32 v20, v9;
	v6 =	vadd.f32 v14, v6  }
0x3d: {  	v9 =	vunpack.i.l.bf16.f32 v18;
	v18 =	vadd.f32 v15, v10;
	v10 =	vadd.f32 v12, v7  }
0x3e: {  	v14 =	vunpack.i.l.bf16.f32 v22;
	v7 =	vunpack.i.u.bf16.f32 v23;
	v21 =	vadd.f32 v21, v11  }
0x3f: {  	v15 =	vld.idx.msk [tilespmem:v29+s2+$0x0], $0xffff;
	v17 =	vadd.f32 v17, v10;
	v23 =	vadd.f32 v16, v6;
	v10 =	vunpack.i.l.bf16.f32 v24  }
0x40: {  	v5 =	vld.idx.msk [tilespmem:v5+s2+$0x0], $0xffff;
	v19 =	vadd.f32 v19, v18;
	v18 =	vunpack.i.u.bf16.f32 v57;
	v11 =	vunpack.i.u.bf16.f32 v24  }
0x41: {  	v6 =	vld.idx.msk [tilespmem:v34+s2+$0x0], $0xffff;
	v16 =	vunpack.i.l.bf16.f32 v62;
	v20 =	vadd.f32 v59, v17;
	v17 =	vadd.f32 v61, v21  }
0x42: {  	s12 =	simm.s32 $0x3A20;
	s13 =	simm.s32 $0x40;
	s11 =	simm.s32 $0x3A20;
	v12 =	vld.idx.msk [tilespmem:v60+s2+$0x0], $0xffff;
	v22 =	vadd.f32 v58, v19;
	v21 =	vadd.f32 v63, v23;
	v19 =	vunpack.i.u.bf16.f32 v62  }
.LBB2_2:
0x43: {  	p0 =	sne.s32 s13, $0x3FC0  }
0x44: {  	v14 =	vadd.f32 v14, v20;
	v20 =	vunpack.i.u.bf16.f32 v15;
	v15 =	vunpack.i.l.bf16.f32 v15;
	s12 =	sadd.s32 $0x40, s12;
	s14 =	smov.u32 s13;
	s13 =	sadd.s32 $0x40, s13  }
0x45: {  	v3 =	vadd.s32 v1, v3;
	v9 =	vadd.f32 v9, v22;
	v18 =	vadd.f32 v18, v21;
	v2 =	vld.idx.msk [tilespmem:v2+s2+$0x0], $0xffff  }
0x46: {  	v8 =	vadd.f32 v8, v14;
	v14 =	vunpack.i.u.bf16.f32 v6  }
0x47: {  	v9 =	vadd.f32 v13, v9;
	v13 =	vadd.f32 v19, v18;
	v18 =	vunpack.i.u.bf16.f32 v12;
	v4 =	vld.idx.msk [tilespmem:v4+s2+$0x0], $0xffff  }
0x48: {  	v7 =	vadd.f32 v7, v17;
	v8 =	vadd.f32 v16, v8  }
0x49: {  	v9 =	vadd.f32 v10, v9;
	v10 =	vunpack.i.l.bf16.f32 v12;
	v12 =	vunpack.i.u.bf16.f32 v5  }
0x4a: {  	v7 =	vadd.f32 v11, v7;
	v6 =	vunpack.i.l.bf16.f32 v6;
	v8 =	vadd.f32 v10, v8;
	v3 =	vld.idx.msk [tilespmem:v3+s2+$0x0], $0xffff  }
0x4b: {  	v10 =	vadd.f32 v18, v13;
	v11 =	vunpack.i.l.bf16.f32 v2;
	v9 =	vadd.f32 v15, v9  }
0x4c: {  	v7 =	vadd.f32 v20, v7;
	v5 =	vunpack.i.l.bf16.f32 v5;
	v8 =	vadd.f32 v11, v8  }
0x4d: {  	v2 =	vunpack.i.u.bf16.f32 v2;
	v6 =	vadd.f32 v6, v9;
	v9 =	vunpack.i.l.bf16.f32 v4  }
0x4e: {  	v7 =	vadd.f32 v14, v7;
	v8 =	vadd.f32 v9, v8  }
0x4f: {  	v2 =	vadd.f32 v2, v10;
	v4 =	vunpack.i.u.bf16.f32 v4;
	v5 =	vadd.f32 v5, v6  }
0x50: {  	v6 =	vadd.f32 v12, v7;
	v7 =	vunpack.i.l.bf16.f32 v3;
	v8 =	vmul.f32 $6.250000000e-02, v8  }
0x51: {  	v2 =	vadd.f32 v4, v2;
	v3 =	vunpack.i.u.bf16.f32 v3;
	v4 =	vadd.f32 v7, v5  }
0x52: {  	v3 =	vadd.f32 v3, v6;
	[tilespmem:s11+$0xFFFFFFE0] =	vst v8  }
0x53: {  	v2 =	vmul.f32 $6.250000000e-02, v2;
	v4 =	vmul.f32 $6.250000000e-02, v4  }
0x54: {  	v3 =	vmul.f32 $6.250000000e-02, v3  }
0x55: {  	[tilespmem:s11+$0x0] =	vst v4  }
0x56: {  	s14 =	sshra.s32 s14, $0x2;
	[tilespmem:s11+$0x10] =	vst v3  }
0x57: {  	[tilespmem:s11+$0xFFFFFFF0] =	vst v2;
	s11 =	smov.u32 s12  }
0x58: {  	v3 =	vld [tilespmem:s14+$0x2A00];
	_ =	sdelay $0x4  }
0x59: {  	v2 =	vbroadcast v3, $0x2;
	v4 =	vbroadcast v3, $0x7  }
0x5a: {  	v5 =	vbroadcast v3, $0x4;
	v6 =	vbroadcast v3, $0xE  }
0x5b: {  	v7 =	vbroadcast v3, $0x0;
	v8 =	vadd.s32 v0, v2;
	v9 =	vadd.s32 v1, v2  }
0x5c: {  	v10 =	vbroadcast v3, $0x1;
	v11 =	vbroadcast v3, $0x3;
	v2 =	vadd.s32 v0, v6  }
0x5d: {  	v13 =	vbroadcast v3, $0x5;
	v14 =	vbroadcast v3, $0x6;
	v12 =	vadd.s32 v1, v7  }
0x5e: {  	v7 =	vadd.s32 v0, v7;
	v15 =	vadd.s32 v0, v5;
	v16 =	vadd.s32 v1, v5  }
0x5f: {  	v17 =	vadd.s32 v0, v10;
	v18 =	vadd.s32 v0, v13;
	v13 =	vadd.s32 v1, v13  }
0x60: {  	v10 =	vadd.s32 v1, v10;
	v19 =	vadd.s32 v1, v14;
	v20 =	vadd.s32 v0, v4  }
0x61: {  	v21 =	vbroadcast v3, $0x8;
	v22 =	vbroadcast v3, $0x9;
	v5 =	vadd.s32 v1, v6  }
0x62: {  	v23 =	vbroadcast v3, $0xA;
	v24 =	vbroadcast v3, $0xB;
	v6 =	vld.idx.msk [tilespmem:v12+s2+$0x0], $0xffff;
	v12 =	vadd.s32 v0, v11  }
0x63: {  	v25 =	vadd.s32 v0, v21;
	v21 =	vadd.s32 v1, v21;
	v26 =	vadd.s32 v0, v22;
	v7 =	vld.idx.msk [tilespmem:v7+s2+$0x0], $0xffff  }
0x64: {  	v22 =	vadd.s32 v1, v22;
	v27 =	vadd.s32 v0, v23;
	v23 =	vadd.s32 v1, v23;
	v17 =	vld.idx.msk [tilespmem:v17+s2+$0x0], $0xffff  }
0x65: {  	v28 =	vadd.s32 v0, v24;
	v24 =	vadd.s32 v1, v24;
	v11 =	vadd.s32 v1, v11;
	v8 =	vld.idx.msk [tilespmem:v8+s2+$0x0], $0xffff  }
0x66: {  	v29 =	vbroadcast v3, $0xC;
	v30 =	vbroadcast v3, $0xD;
	v9 =	vld.idx.msk [tilespmem:v9+s2+$0x0], $0xffff  }
0x67: {  	v3 =	vbroadcast v3, $0xF;
	v31 =	vadd.s32 v1, v4  }
0x68: {  	v14 =	vadd.s32 v0, v14;
	v32 =	vadd.s32 v0, v29;
	v4 =	vunpack.i.l.bf16.f32 v6;
	v12 =	vld.idx.msk [tilespmem:v12+s2+$0x0], $0xffff  }
0x69: {  	v6 =	vunpack.i.u.bf16.f32 v6;
	v33 =	vunpack.i.u.bf16.f32 v7;
	v7 =	vunpack.i.l.bf16.f32 v7;
	v10 =	vld.idx.msk [tilespmem:v10+s2+$0x0], $0xffff  }
0x6a: {  	v29 =	vadd.s32 v1, v29;
	v34 =	vadd.s32 v1, v30;
	v33 =	vadd.f32 $0.0e+00, v33;
	v16 =	vld.idx.msk [tilespmem:v16+s2+$0x0], $0xffff  }
0x6b: {  	v7 =	vadd.f32 $0.0e+00, v7;
	v35 =	vunpack.i.u.bf16.f32 v17;
	v17 =	vunpack.i.l.bf16.f32 v17;
	v15 =	vld.idx.msk [tilespmem:v15+s2+$0x0], $0xffff  }
0x6c: {  	v33 =	vadd.f32 v35, v33;
	v35 =	vunpack.i.u.bf16.f32 v8;
	v8 =	vunpack.i.l.bf16.f32 v8;
	v11 =	vld.idx.msk [tilespmem:v11+s2+$0x0], $0xffff  }
0x6d: {  	v4 =	vadd.f32 $0.0e+00, v4;
	v6 =	vadd.f32 $0.0e+00, v6;
	v36 =	vunpack.i.u.bf16.f32 v9;
	v18 =	vld.idx.msk [tilespmem:v18+s2+$0x0], $0xffff  }
0x6e: {  	v7 =	vadd.f32 v17, v7;
	v9 =	vunpack.i.l.bf16.f32 v9;
	v17 =	vunpack.i.l.bf16.f32 v12;
	v13 =	vld.idx.msk [tilespmem:v13+s2+$0x0], $0xffff  }
0x6f: {  	v12 =	vunpack.i.u.bf16.f32 v12;
	v37 =	vunpack.i.u.bf16.f32 v10;
	v10 =	vunpack.i.l.bf16.f32 v10  }
0x70: {  	v10 =	vadd.f32 v10, v4;
	v6 =	vadd.f32 v37, v6;
	v37 =	vunpack.i.u.bf16.f32 v16;
	v14 =	vld.idx.msk [tilespmem:v14+s2+$0x0], $0xffff  }
0x71: {  	v7 =	vadd.f32 v8, v7;
	v8 =	vunpack.i.l.bf16.f32 v16;
	v4 =	vadd.s32 v0, v3;
	v16 =	vld.idx.msk [tilespmem:v19+s2+$0x0], $0xffff  }
0x72: {  	v19 =	vadd.f32 v35, v33;
	v33 =	vunpack.i.u.bf16.f32 v15;
	v15 =	vunpack.i.l.bf16.f32 v15;
	v20 =	vld.idx.msk [tilespmem:v20+s2+$0x0], $0xffff  }
0x73: {  	v6 =	vadd.f32 v36, v6;
	v35 =	vunpack.i.u.bf16.f32 v11;
	v36 =	vunpack.i.l.bf16.f32 v18;
	v25 =	vld.idx.msk [tilespmem:v25+s2+$0x0], $0xffff  }
0x74: {  	v7 =	vadd.f32 v17, v7;
	v17 =	vunpack.i.u.bf16.f32 v18;
	v12 =	vadd.f32 v12, v19;
	v18 =	vld.idx.msk [tilespmem:v31+s2+$0x0], $0xffff  }
0x75: {  	v9 =	vadd.f32 v9, v10;
	v6 =	vadd.f32 v35, v6;
	v10 =	vunpack.i.u.bf16.f32 v13  }
0x76: {  	v11 =	vunpack.i.l.bf16.f32 v11;
	v12 =	vadd.f32 v33, v12;
	v19 =	vunpack.i.l.bf16.f32 v14;
	v21 =	vld.idx.msk [tilespmem:v21+s2+$0x0], $0xffff  }
0x77: {  	v9 =	vadd.f32 v11, v9;
	v11 =	vunpack.i.l.bf16.f32 v13;
	v13 =	vunpack.i.u.bf16.f32 v16  }
0x78: {  	v7 =	vadd.f32 v15, v7;
	v14 =	vunpack.i.u.bf16.f32 v14;
	v15 =	vunpack.i.l.bf16.f32 v16;
	v16 =	vld.idx.msk [tilespmem:v26+s2+$0x0], $0xffff  }
0x79: {  	v6 =	vadd.f32 v37, v6;
	v12 =	vadd.f32 v17, v12;
	v17 =	vunpack.i.l.bf16.f32 v20;
	v22 =	vld.idx.msk [tilespmem:v22+s2+$0x0], $0xffff  }
0x7a: {  	v8 =	vadd.f32 v8, v9;
	v9 =	vunpack.i.u.bf16.f32 v20;
	v20 =	vunpack.i.u.bf16.f32 v18;
	v26 =	vld.idx.msk [tilespmem:v27+s2+$0x0], $0xffff  }
0x7b: {  	v12 =	vadd.f32 v14, v12;
	v18 =	vunpack.i.l.bf16.f32 v18;
	v14 =	vunpack.i.u.bf16.f32 v25;
	v27 =	vld.idx.msk [tilespmem:v28+s2+$0x0], $0xffff  }
0x7c: {  	v6 =	vadd.f32 v10, v6;
	v10 =	vunpack.i.l.bf16.f32 v25;
	v25 =	vunpack.i.l.bf16.f32 v21;
	v23 =	vld.idx.msk [tilespmem:v23+s2+$0x0], $0xffff  }
0x7d: {  	v7 =	vadd.f32 v36, v7;
	v12 =	vadd.f32 v9, v12;
	v21 =	vunpack.i.u.bf16.f32 v21  }
0x7e: {  	v30 =	vadd.s32 v0, v30;
	v6 =	vadd.f32 v13, v6;
	v28 =	vunpack.i.l.bf16.f32 v16;
	v24 =	vld.idx.msk [tilespmem:v24+s2+$0x0], $0xffff  }
0x7f: {  	v7 =	vadd.f32 v19, v7;
	v11 =	vadd.f32 v11, v8;
	v19 =	vunpack.i.u.bf16.f32 v22  }
0x80: {  	v6 =	vadd.f32 v20, v6;
	v16 =	vunpack.i.u.bf16.f32 v16;
	v9 =	vunpack.i.l.bf16.f32 v22;
	v31 =	vld.idx.msk [tilespmem:v32+s2+$0x0], $0xffff  }
0x81: {  	v12 =	vadd.f32 v14, v12;
	v14 =	vunpack.i.l.bf16.f32 v26;
	v8 =	vunpack.i.l.bf16.f32 v27  }
0x82: {  	v17 =	vadd.f32 v17, v7;
	v11 =	vadd.f32 v15, v11;
	v7 =	vunpack.i.u.bf16.f32 v23;
	v15 =	vld.idx.msk [tilespmem:v29+s2+$0x0], $0xffff  }
.Ltmp0:
0x83: {  	v21 =	vadd.f32 v21, v6;
	v26 =	vunpack.i.u.bf16.f32 v26;
	v13 =	vunpack.i.l.bf16.f32 v23;
	(pc) =	sbr.rel @p0 .LBB2_2-.Ltmp0, $4  }
0x84: {  	v17 =	vadd.f32 v10, v17;
	v23 =	vadd.f32 v16, v12;
	v10 =	vunpack.i.l.bf16.f32 v24;
	v6 =	vld.idx.msk [tilespmem:v34+s2+$0x0], $0xffff  }
0x85: {  	v22 =	vadd.f32 v18, v11;
	v18 =	vunpack.i.u.bf16.f32 v27;
	v11 =	vunpack.i.u.bf16.f32 v24;
	v12 =	vld.idx.msk [tilespmem:v30+s2+$0x0], $0xffff  }
0x86: {  	v20 =	vadd.f32 v28, v17;
	v17 =	vadd.f32 v19, v21;
	v16 =	vunpack.i.l.bf16.f32 v31  }
0x87: {  	v22 =	vadd.f32 v25, v22;
	v21 =	vadd.f32 v26, v23;
	v19 =	vunpack.i.u.bf16.f32 v31;
	v5 =	vld.idx.msk [tilespmem:v5+s2+$0x0], $0xffff  }
0x88: {  	_ =	sdelay $0x1  }
0x89: {  	v14 =	vadd.f32 v14, v20  }
0x8a: {  	v3 =	vadd.s32 v1, v3;
	v50 =	vunpack.i.u.bf16.f32 v15;
	v7 =	vadd.f32 v7, v17  }
0x8b: {  	v51 =	vunpack.i.l.bf16.f32 v15;
	v2 =	vld.idx.msk [tilespmem:v2+s2+$0x0], $0xffff;
	v9 =	vadd.f32 v9, v22;
	v18 =	vadd.f32 v18, v21  }
0x8c: {  	v52 =	vunpack.i.u.bf16.f32 v6;
	v57 =	vunpack.i.l.bf16.f32 v6;
	v8 =	vadd.f32 v8, v14  }
0x8d: {  	v4 =	vld.idx.msk [tilespmem:v4+s2+$0x0], $0xffff;
	v54 =	vunpack.i.u.bf16.f32 v12;
	v7 =	vadd.f32 v11, v7;
	v9 =	vadd.f32 v13, v9  }
0x8e: {  	v55 =	vunpack.i.l.bf16.f32 v12;
	v53 =	vadd.f32 v19, v18;
	v8 =	vadd.f32 v16, v8  }
0x8f: {  	v56 =	vunpack.i.u.bf16.f32 v5;
	v7 =	vadd.f32 v50, v7;
	v9 =	vadd.f32 v10, v9  }
0x90: {  	v3 =	vld.idx.msk [tilespmem:v3+s2+$0x0], $0xffff;
	v10 =	vadd.f32 v54, v53;
	v58 =	vunpack.i.l.bf16.f32 v2;
	v8 =	vadd.f32 v55, v8  }
0x91: {  	v2 =	vunpack.i.u.bf16.f32 v2;
	v7 =	vadd.f32 v52, v7;
	v9 =	vadd.f32 v51, v9  }
0x92: {  	v60 =	vunpack.i.l.bf16.f32 v4;
	v2 =	vadd.f32 v2, v10;
	v8 =	vadd.f32 v58, v8  }
0x93: {  	v4 =	vunpack.i.u.bf16.f32 v4;
	v7 =	vadd.f32 v56, v7;
	v6 =	vadd.f32 v57, v9  }
0x94: {  	v59 =	vunpack.i.l.bf16.f32 v5;
	v2 =	vadd.f32 v4, v2;
	v61 =	vadd.f32 v60, v8  }
0x95: {  	v62 =	vunpack.i.l.bf16.f32 v3;
	v3 =	vunpack.i.u.bf16.f32 v3;
	v5 =	vadd.f32 v59, v6  }
0x96: {  	v3 =	vadd.f32 v3, v7;
	v2 =	vmul.f32 $6.250000000e-02, v2  }
0x97: {  	v6 =	vmul.f32 $6.250000000e-02, v61;
	v5 =	vadd.f32 v62, v5  }
0x98: {  	v3 =	vmul.f32 $6.250000000e-02, v3;
	[tilespmem:s11+$0xFFFFFFF0] =	vst v2  }
0x99: {  	s10 =	sadd.s32 $0x1, s10;
	[tilespmem:s11+$0xFFFFFFE0] =	vst v6;
	v63 =	vmul.f32 $6.250000000e-02, v5  }
0x9a: {  	p0 =	sne.s32 s10, s6;
	[tilespmem:s11+$0x10] =	vst v3  }
.Ltmp1:
0x9b: {  	[tilespmem:s11+$0x0] =	vst v63;
	(pc) =	sbr.rel @p0 .LBB2_1-.Ltmp1, $4  }
0x9c: {  	[hbm4b:s5+s2] =	stream.linear.scatter [tilespmem:s9], [sflag:$0x1], $0x4000, $0x38;
	[tilespmem:$0x7A00] =	vst v63  }
0x9d: {  	_ =	swait.ge [sflag:s7], $0x4000  }
0x9e: {  	[sflag:s7] =	ssyncset.done $0x0  }
0x9f: {  	[sflag:s7] =	ssyncadd.s32 $0xFFFFC000  }
0xa0: {  	_ =	sfence.sel $0x180000  }
0xa1: {  	[bflag:$0x0] =	sbarrier.arrive $0xFFFF  }
0xa2: {  	p0 =	sne.s32 s1, $0x0;
	_ =	strace $0x9000004D  }
0xa3: {  	s0 =	sadd.s32 @!p0 $0x100000, s0;
	[bflag:$0x2] =	sbarrier.arrive $0xFFFF  }
0xa4: {  	[sflag:s0] =	ssyncadd.tile.s32 @!p0 $0x1;
	_ =	shalt  }
.Lfunc_end2:
_tile_overlayer_lowered:
.L_overlay_start_2:
0xa5: {  	(tag) =	ssettag $0x2  }
0xa6: {  	s0 =	rddreg [dreg:$0x0];
	s2 =	stileid.u32  }
0xa7: {  	s1 =	rddreg [dreg:$0x1];
	p0 =	sne.s32 s2, $0x0  }
0xa8: {  	s3 =	rddreg [dreg:$0x2];
	[bflag:$0x3] =	sbarrier.arrive $0xFFFF;
	s2 =	simm.s32 @!p0 $0x1C01  }
0xa9: {  	[timem:s3], [sflag:s2] =	dma.local @!p0 [hbm:s0], s1  }
0xaa: {  	s0 =	simm.s32 @!p0 $0x1  }
0xab: {  	_ =	swait.ge @!p0 [sflag:s0], s1  }
0xac: {  	s1 =	ssub.s32 @!p0 $0x0, s1;
	[sflag:s0] =	ssyncset.done @!p0 $0x0  }
0xad: {  	[sflag:s0] =	ssyncadd.s32 @!p0 s1  }
0xae: {  	[bflag:$0x3] =	sbarrier.arrive $0xFFFF  }
0xaf: {  	_ =	shalt  }

// kernel: kernel.16.cloned.1.call-start
scs
__scs_entry_jumppad:
0x0: {  	(pc) =	sbr.rel $0x88, $3  }
0x1: {  	(tag) =	ssettag $0x0;
	lr =	simm.s32 $0x1  }
0x2: {  	[smem:$0x3F9E] =	sst lr;
	_ =	strace $0xD0000000  }
0x3: {  	_ = 	snop  }
0x4: {  	_ = 	snop  }
0x5: {  	_ = 	snop  }
0x6: {  	_ = 	snop  }
0x7: {  	_ = 	snop  }
__scs_overlays_trampoline_lowered:
0x8: {  	[smem:$0x3FAD] =	sst s0  }
0x9: {  	[smem:$0x3FAE] =	sst s1  }
0xa: {  	[smem:$0x3FAF] =	sst s2  }
0xb: {  	[smem:$0x3FB0] =	sst s3  }
0xc: {  	[smem:$0x3FB1] =	sst s4  }
0xd: {  	[smem:$0x3FB2] =	sst s5  }
0xe: {  	[smem:$0x3FB3] =	sst s6  }
0xf: {  	[smem:$0x3FB4] =	sst s7  }
0x10: {  	[smem:$0x3FB5] =	sst s8  }
0x11: {  	[smem:$0x3FB6] =	sst s9;
	s0 =	simm.s32 @!p0 $0x0  }
0x12: {  	s1 =	sld [smem:$0x3F9C];
	s0 =	simm.s32 @p0 $0x1  }
0x13: {  	[smem:$0x3FB7] =	sst s0;
	s0 =	simm.s32 @!p1 $0x0  }
0x14: {  	s2 =	sld [smem:$0x3F9B];
	s0 =	simm.s32 @p1 $0x1  }
0x15: {  	[smem:$0x3FB8] =	sst s0;
	s0 =	simm.s32 @!p2 $0x0  }
0x16: {  	s3 =	sld [smem:$0x3FDB];
	s0 =	simm.s32 @p2 $0x1  }
0x17: {  	s4 =	simm.s32 $0x1BF5;
	[smem:$0x3FBA] =	sst s0  }
0x18: {  	s0 =	sld [smem:$0x3F9D];
	_ =	swait.ge [sflag:s4], $0x0  }
0x19: {  	s7 =	sld [smem:$0x3F9E]  }
0x1a: {  	s8 =	sadd.s32 $0xFFFFE003, lr  }
0x1b: {  	s9 =	sadd.s32 $0xFFFFFEF7, lr;
	s5 =	simm.s32 $0xFFFFFFFF;
	p2 =	slt.u32 s8, $0xFFFFF086  }
0x1c: {  	p1 =	slt.u32 s9, $0xF7A;
	s5 =	simm.s32 @!p2 $0x0  }
0x1d: {  	s5 =	simm.s32 @p1 $0x1;
	p0 =	seq.s32 s7, s2  }
0x1e: {  	s7 =	smul.u32 @!p0 $0xF7A, s2;
	p2 =	seq.s32 @!p0 s5, $0x0  }
0x1f: {  	s9 =	smul.u32 $0xF7A, s1;
	s8 =	simm.s32 @!p0 $0x1BF5;
	p2 =	por !p2, p0  }
0x20: {  	[sflag:s8] =	ssyncset.s32 @!p0 $0xFFFFF086;
	s6 =	sadd.s32 @!p0 s3, s7;
	s7 =	simm.s32 @!p0 $0x108  }
0x21: {  	s3 =	sadd.s32 s3, s9;
	s6 =	sadd.s32 @!p0 $0x88, s6;
	s7 =	simm.s32 @p2 $0x1082  }
0x22: {  	[simem:s7], [sflag:s8] =	dma.local @!p0 [hbm:s6], $0xF7A  }
0x23: {  	s9 =	sor.u32 $0xD0000000, s2;
	s6 =	simm.s32 $0x108;
	_ =	swait.ge @!p0 [sflag:s8], $0x0  }
0x24: {  	s3 =	sadd.s32 $0x88, s3;
	s6 =	simm.s32 @!p1 $0x1082;
	[sflag:s4] =	ssyncset.s32 $0xFFFFF086  }
0x25: {  	[simem:s6], [sflag:s4] =	dma.local [hbm:s3], $0xF7A  }
0x26: {  	[smem:$0x3F9E] =	sst s1;
	(tag) =	ssettag s2;
	_ =	strace s9  }
0x27: {  	s1 =	sld [smem:$0x3FAE]  }
0x28: {  	s2 =	sld [smem:$0x3FAF]  }
0x29: {  	s4 =	sld [smem:$0x3FB1]  }
0x2a: {  	p0 =	seq.s32 s5, $0x0;
	s5 =	sld [smem:$0x3FB2]  }
0x2b: {  	s6 =	sld [smem:$0x3FB3]  }
0x2c: {  	s7 =	sld [smem:$0x3FB4]  }
0x2d: {  	s3 =	simm.s32 $0x108;
	s8 =	sld [smem:$0x3FB5]  }
0x2e: {  	s3 =	simm.s32 @!p0 $0x1082;
	s9 =	sld [smem:$0x3FB6]  }
0x2f: {  	lr =	sadd.s32 s0, s3;
	s0 =	sld [smem:$0x3FAD]  }
0x30: {  	s3 =	sld [smem:$0x3FB0]  }
0x31: {  	[smem:$0x3FB9] =	sst s10  }
0x32: {  	s10 =	sld [smem:$0x3FB7];
	_ =	sdelay $0x3  }
0x33: {  	p0 =	seq.s32 s10, $0x1;
	s10 =	sld [smem:$0x3FB9];
	_ =	sdelay $0x3  }
0x34: {  	[smem:$0x3FB9] =	sst s10  }
0x35: {  	s10 =	sld [smem:$0x3FB8];
	_ =	sdelay $0x3  }
0x36: {  	p1 =	seq.s32 s10, $0x1;
	s10 =	sld [smem:$0x3FB9];
	_ =	sdelay $0x3  }
0x37: {  	[smem:$0x3FB9] =	sst s10  }
0x38: {  	s10 =	sld [smem:$0x3FBA]  }
0x39: {  	_ = 	snop;
	(pc) =	sbr.ind lr, $3  }
0x3a: {  	_ = 	snop  }
0x3b: {  	_ = 	snop  }
0x3c: {  	p2 =	seq.s32 s10, $0x1;
	s10 =	sld [smem:$0x3FB9]  }
0x3d: {  	_ =	shalt  }
0x3e: {  	_ =	shalt  }
0x3f: {  	_ =	shalt  }
0x40: {  	_ =	shalt  }
0x41: {  	_ =	shalt  }
0x42: {  	_ =	shalt  }
0x43: {  	_ =	shalt  }
0x44: {  	_ =	shalt  }
0x45: {  	_ =	shalt  }
0x46: {  	_ =	shalt  }
0x47: {  	_ =	shalt  }
0x48: {  	_ =	shalt  }
0x49: {  	_ =	shalt  }
0x4a: {  	_ =	shalt  }
0x4b: {  	_ =	shalt  }
0x4c: {  	_ =	shalt  }
0x4d: {  	_ =	shalt  }
0x4e: {  	_ =	shalt  }
0x4f: {  	_ =	shalt  }
0x50: {  	_ =	shalt  }
0x51: {  	_ =	shalt  }
0x52: {  	_ =	shalt  }
0x53: {  	_ =	shalt  }
0x54: {  	_ =	shalt  }
0x55: {  	_ =	shalt  }
0x56: {  	_ =	shalt  }
0x57: {  	_ =	shalt  }
0x58: {  	_ =	shalt  }
0x59: {  	_ =	shalt  }
0x5a: {  	_ =	shalt  }
0x5b: {  	_ =	shalt  }
0x5c: {  	_ =	shalt  }
0x5d: {  	_ =	shalt  }
0x5e: {  	_ =	shalt  }
0x5f: {  	_ =	shalt  }
0x60: {  	_ =	shalt  }
0x61: {  	_ =	shalt  }
0x62: {  	_ =	shalt  }
0x63: {  	_ =	shalt  }
0x64: {  	_ =	shalt  }
0x65: {  	_ =	shalt  }
0x66: {  	_ =	shalt  }
0x67: {  	_ =	shalt  }
0x68: {  	_ =	shalt  }
0x69: {  	_ =	shalt  }
0x6a: {  	_ =	shalt  }
0x6b: {  	_ =	shalt  }
0x6c: {  	_ =	shalt  }
0x6d: {  	_ =	shalt  }
0x6e: {  	_ =	shalt  }
0x6f: {  	_ =	shalt  }
0x70: {  	_ =	shalt  }
0x71: {  	_ =	shalt  }
0x72: {  	_ =	shalt  }
0x73: {  	_ =	shalt  }
0x74: {  	_ =	shalt  }
0x75: {  	_ =	shalt  }
0x76: {  	_ =	shalt  }
0x77: {  	_ =	shalt  }
0x78: {  	_ =	shalt  }
0x79: {  	_ =	shalt  }
0x7a: {  	_ =	shalt  }
0x7b: {  	_ =	shalt  }
0x7c: {  	_ =	shalt  }
0x7d: {  	_ =	shalt  }
0x7e: {  	_ =	shalt  }
0x7f: {  	_ =	shalt  }
0x80: {  	_ =	shalt  }
0x81: {  	_ =	shalt  }
0x82: {  	_ =	shalt  }
0x83: {  	_ =	shalt  }
0x84: {  	_ =	shalt  }
0x85: {  	_ =	shalt  }
0x86: {  	_ =	shalt  }
0x87: {  	_ =	shalt  }
.Lfunc_end0:
.L_simem_size_0:
called_computation.2_lowered:
.L_overlay_start_0:
0x88: {  	s2 =	sld [smem:$0x3FD9]  }
0x89: {  	s3 =	sld [smem:$0x3FFE];
	_ =	sdelay $0x1  }
0x8a: {  	s1 =	srdreg.scid  }
0x8b: {  	s0 =	sand.u32 $0x1, s1  }
0x8c: {  	s17 =	sshll.u32 s0, $0xA;
	s2 =	sadd.s32 s3, s2  }
0x8d: {  	s2 =	sadd.s32 s2, s17  }
0x8e: {  	[smem:$0x3FC5] =	sst s2  }
0x8f: {  	_ = 	snop  }
0x90: {  	(tm) =	ssettm $0x1  }
0x91: {  	s18 =	sld [smem:$0x3FFB];
	_ =	sdelay $0x3  }
0x92: {  	_ =	strace s18  }
0x93: {  	s2 =	sld [smem:$0x3FFC];
	_ =	sdelay $0x3  }
0x94: {  	_ =	strace s2  }
0x95: {  	s2 =	sld [smem:$0x3FFD];
	_ =	sdelay $0x3  }
0x96: {  	_ =	strace s2  }
0x97: {  	_ =	strace $0x8FFFFFFF  }
0x98: {  	s19 =	sld [smem:$0x3FDB];
	_ =	sdelay $0x1  }
0x99: {  	s20 =	simm.s32 $_scs_section_size  }
0x9a: {  	s4 =	simm.s32 $_size__tile_overlayer_lowered;
	s5 =	simm.s32 $_tile_overlayer_lowered  }
0x9b: {  	s6 =	simm.s32 $0x1BFF;
	s21 =	sshll.u32 s5, $0x1;
	s3 =	sadd.s32 s20, s19  }
0x9c: {  	s22 =	simm.s32 $0x0;
	s4 =	sshll.u32 s4, $0x1;
	s5 =	sadd.s32 s21, s3  }
0x9d: {  	[timem:s22], [sflag:s6] =	dma.local [hbm:s5], s4  }
0x9e: {  	_ =	swait.ge [sflag:s6], s4  }
0x9f: {  	s4 =	ssub.s32 $0x0, s4;
	[sflag:s6] =	ssyncset.done $0x0  }
0xa0: {  	[sflag:s6] =	ssyncadd.s32 s4;
	_ =	sdelay $0x1  }
0xa1: {  	s23 =	simm.s32 $0x1B8B  }
0xa2: {  	_ =	swait.ge [sflag:s23], $0x1  }
0xa3: {  	[sflag:s23] =	ssyncset.done $0x0  }
0xa4: {  	[sflag:s23] =	ssyncadd.s32 $0xFFFFFFFF  }
0xa5: {  	s4 =	sld [smem:$0x0]  }
0xa6: {  	s5 =	sand.u32 $0xFFFFFFFE, s1  }
0xa7: {  	p0 =	sne.s32 s1, s5  }
0xa8: {  	s5 =	sshll.u32 @p0 s5, $0xE  }
0xa9: {  	s5 =	sadd.s32 @p0 $0x11B8D, s5;
	s6 =	sshll.u32 @p0 s4, $0x11  }
0xaa: {  	s5 =	sor.u32 @p0 s6, s5  }
0xab: {  	[sflag:s5] =	ssyncadd.remote.s32 @p0 $0x1;
	_ =	sdelay $0x1  }
0xac: {  	s5 =	simm.s32 @p0 $0x1B8D  }
0xad: {  	_ =	swait.eq @p0 [sflag:s5], $0x1  }
0xae: {  	[sflag:s5] =	ssyncadd.s32 @p0 $0xFFFFFFFF  }
0xaf: {  	s6 =	sshll.u32 @!p0 s1, $0xE  }
0xb0: {  	s6 =	sor.u32 @!p0 $0x4000, s6;
	s5 =	simm.s32 @!p0 $0x1B8D  }
0xb1: {  	s4 =	sshll.u32 @!p0 s4, $0x11;
	s6 =	sadd.s32 @!p0 $0x11B8D, s6;
	_ =	swait.eq @!p0 [sflag:s5], $0x1  }
0xb2: {  	s4 =	sor.u32 @!p0 s4, s6;
	[sflag:s5] =	ssyncadd.s32 @!p0 $0xFFFFFFFF  }
0xb3: {  	s25 =	simm.s32 $0x1B8E;
	s24 =	sld [smem:$0x3FFE];
	[sflag:s4] =	ssyncadd.remote.s32 @!p0 $0x1  }
0xb4: {  	s26 =	simm.s32 $execute0_lowered;
	[smem:$0x3FD2] =	sst s25  }
0xb5: {  	s5 =	sshll.u32 s26, $0x1;
	_ =	strace $0x80000049;
	[dreg:$0x1] =	wrdreg $0xFFFFFFFF  }
0xb6: {  	s28 =	simm.s32 $_size_execute0_lowered;
	s3 =	sadd.s32 s3, s5;
	[dreg:$0x0] =	wrdreg $0x0  }
0xb7: {  	s5 =	sshll.u32 s28, $0x1;
	[dreg:$0x2] =	wrdreg s3  }
0xb8: {  	[dreg:$0x3] =	wrdreg s5  }
0xb9: {  	[dreg:$0x4] =	wrdreg $0xC0  }
0xba: {  	_ =	task [dreg:s22], $0x5FFFF  }
0xbb: {  	[dreg:$0x1] =	wrdreg $0xFFFFFFFF  }
0xbc: {  	[dreg:$0x0] =	wrdreg $0x60  }
0xbd: {  	[dreg:$0x2] =	wrdreg s24  }
0xbe: {  	[dreg:$0x3] =	wrdreg $0xB  }
0xbf: {  	_ =	task.clear_ibuf [dreg:s22], $0x4FFFF;
	_ =	strace $0x90000049  }
0xc0: {  	s29 =	simm.s32 $0xB;
	_ =	strace $0x8000004B  }
0xc1: {  	_ =	swait.ge [sflag:s29], $0x1  }
0xc2: {  	[sflag:s29] =	ssyncadd.s32 $0xFFFFFFFF  }
0xc3: {  	_ =	strace $0x9000004B  }
0xc4: {  	_ =	sfence  }
0xc5: {  	s30 =	sld [smem:$0x0];
	_ =	sdelay $0x2  }
0xc6: {  	s31 =	sshll.u32 s1, $0xD;
	s1 =	sshrl.u32 s1, $0x2  }
0xc7: {  	s4 =	sand.u32 $0x4000, s31;
	s1 =	sadd.s32 s1, s30  }
0xc8: {  	s0 =	sor.u32 s4, s0;
	s1 =	sshll.u32 s1, $0x11  }
0xc9: {  	s0 =	sor.u32 s1, s0  }
0xca: {  	s0 =	sadd.s32 $0x8F2B, s0  }
0xcb: {  	[sflag:s0] =	ssyncadd.remote.s32 $0x1  }
0xcc: {  	_ =	sfence.sel $0xFFFF  }
0xcd: {  	[dreg:$0x0] =	wrdreg $0xFFFFFFFF;
	(pc) =	sbr.abs _section_cstart, $3  }
0xce: {  	[dreg:$0x1] =	wrdreg $0xFFFFFFFF  }
0xcf: {  	_ =	task.clear_ibuf [dreg:s22], $0x2FFFF;
	_ =	strace $0x9FFFFFFF  }
0xd0: {  	(tm) =	ssettm $0x7FFFFFFF  }
0xd1: {  	_ =	shalt  }
tec
execute0_lowered:
.L_overlay_start_1:
0x0: {  	(tag) =	ssettag $0x1  }
0x1: {  	s4 =	rddreg [dreg:$0x0]  }
0x2: {  	s0 =	rddreg [dreg:$0x1];
	s2 =	simm.s32 $0x0;
	s3 =	srdreg.scid  }
0x3: {  	s1 =	stileid.u32;
	s9 =	simm.s32 $0x3A00;
	s10 =	simm.s32 $0x0  }
0x4: {  	[smem:$0x7FF] =	sst s2;
	s5 =	sand.u32 $0x1, s3;
	s31 =	sshll.u32 s1, $0x1  }
0x5: {  	s3 =	sadd.s32 $0x1000, s4;
	_ =	strace $0x8000004A;
	s6 =	sor.u32 s5, s31  }
0x6: {  	s5 =	ssub.s32 $0x2, s5;
	s7 =	sshll.u32 s6, $0x9;
	s6 =	sshll.u32 s6, $0xB  }
0x7: {  	s8 =	sshrl.u32 s5, $0x1;
	s7 =	sadd.s32 s7, s4;
	s6 =	sadd.s32 s6, s4  }
0x8: {  	v0 =	vlaneseq.u32;
	s8 =	ssub.s32 s5, s8;
	s4 =	sadd.s32 $0x15600, s7;
	s5 =	sadd.s32 $0x19600, s6  }
0x9: {  	v1 =	vor.u32 $0x10, v0;
	s6 =	smax.u32 s8, $0x1;
	s7 =	simm.s32 $0x1;
	s8 =	simm.s32 $0x2A00  }
.LBB2_1:
0xa: {  	[tilespmem:s2], [sflag:$0x1] =	stream.linear.gather [hbm4b:s3+s2], $0x2A00, $0x38;
	[tilespmem:$0x7A00] =	vst v63  }
0xb: {  	_ =	swait.ge [sflag:s7], $0x2A00  }
0xc: {  	[sflag:s7] =	ssyncset.done $0x0  }
0xd: {  	[sflag:s7] =	ssyncadd.s32 $0xFFFFD600  }
0xe: {  	[tilespmem:s8], [sflag:$0x1] =	stream.linear.gather [hbm4b:s4+s2], $0x1000, $0x38;
	[tilespmem:$0x7A00] =	vst v63  }
0xf: {  	_ =	swait.ge [sflag:s7], $0x1000  }
0x10: {  	[sflag:s7] =	ssyncset.done $0x0  }
0x11: {  	s11 =	simm.s32 $0x0;
	[sflag:s7] =	ssyncadd.s32 $0xFFFFF000  }
0x12: {  	v3 =	vld [tilespmem:s11+$0x2A00];
	_ =	sdelay $0x4  }
0x13: {  	v2 =	vbroadcast v3, $0x2;
	v4 =	vbroadcast v3, $0x7  }
0x14: {  	v5 =	vbroadcast v3, $0x4;
	v7 =	vbroadcast v3, $0x0  }
0x15: {  	v6 =	vbroadcast v3, $0xE;
	v10 =	vbroadcast v3, $0x1  }
0x16: {  	v11 =	vbroadcast v3, $0x3;
	v13 =	vbroadcast v3, $0x5;
	v12 =	vadd.s32 v1, v7  }
0x17: {  	v14 =	vbroadcast v3, $0x6;
	v21 =	vbroadcast v3, $0x8;
	v7 =	vadd.s32 v0, v7  }
0x18: {  	v22 =	vbroadcast v3, $0x9;
	v23 =	vbroadcast v3, $0xA;
	v17 =	vadd.s32 v0, v10  }
0x19: {  	v24 =	vbroadcast v3, $0xB;
	v29 =	vbroadcast v3, $0xC;
	v8 =	vadd.s32 v0, v2  }
0x1a: {  	v9 =	vadd.s32 v1, v2;
	v2 =	vadd.s32 v0, v6;
	v15 =	vadd.s32 v0, v5  }
0x1b: {  	v16 =	vadd.s32 v1, v5;
	v5 =	vadd.s32 v1, v6;
	v6 =	vadd.s32 v0, v11;
	v12 =	vld.idx.msk [tilespmem:v12+s2+$0x0], $0xffff  }
0x1c: {  	v30 =	vbroadcast v3, $0xD;
	v3 =	vbroadcast v3, $0xF;
	v7 =	vld.idx.msk [tilespmem:v7+s2+$0x0], $0xffff  }
0x1d: {  	v18 =	vadd.s32 v0, v13;
	v13 =	vadd.s32 v1, v13;
	v11 =	vadd.s32 v1, v11;
	v17 =	vld.idx.msk [tilespmem:v17+s2+$0x0], $0xffff  }
0x1e: {  	v10 =	vadd.s32 v1, v10;
	v19 =	vadd.s32 v1, v14;
	v20 =	vadd.s32 v0, v4;
	v8 =	vld.idx.msk [tilespmem:v8+s2+$0x0], $0xffff  }
0x1f: {  	v25 =	vadd.s32 v0, v21;
	v21 =	vadd.s32 v1, v21;
	v31 =	vadd.s32 v1, v4;
	v4 =	vld.idx.msk [tilespmem:v9+s2+$0x0], $0xffff  }
0x20: {  	v26 =	vadd.s32 v0, v22;
	v22 =	vadd.s32 v1, v22;
	v14 =	vadd.s32 v0, v14;
	v6 =	vld.idx.msk [tilespmem:v6+s2+$0x0], $0xffff  }
0x21: {  	v27 =	vadd.s32 v0, v23;
	v23 =	vadd.s32 v1, v23;
	v28 =	vadd.s32 v0, v24;
	v15 =	vld.idx.msk [tilespmem:v15+s2+$0x0], $0xffff  }
0x22: {  	v24 =	vadd.s32 v1, v24;
	v32 =	vadd.s32 v0, v29;
	v29 =	vadd.s32 v1, v29;
	v11 =	vld.idx.msk [tilespmem:v11+s2+$0x0], $0xffff  }
0x23: {  	v34 =	vadd.s32 v1, v30;
	v60 =	vadd.s32 v0, v30;
	v18 =	vld.idx.msk [tilespmem:v18+s2+$0x0], $0xffff;
	v9 =	vunpack.i.l.bf16.f32 v12  }
0x24: {  	v33 =	vunpack.i.u.bf16.f32 v7;
	v7 =	vunpack.i.l.bf16.f32 v7;
	v12 =	vunpack.i.u.bf16.f32 v12  }
0x25: {  	v14 =	vld.idx.msk [tilespmem:v14+s2+$0x0], $0xffff;
	v35 =	vunpack.i.u.bf16.f32 v17;
	v17 =	vunpack.i.l.bf16.f32 v17;
	v52 =	vunpack.i.u.bf16.f32 v8  }
0x26: {  	v8 =	vunpack.i.l.bf16.f32 v8;
	v36 =	vunpack.i.u.bf16.f32 v4;
	v37 =	vunpack.i.l.bf16.f32 v6  }
0x27: {  	v10 =	vld.idx.msk [tilespmem:v10+s2+$0x0], $0xffff;
	v6 =	vunpack.i.u.bf16.f32 v6;
	v53 =	vunpack.i.u.bf16.f32 v15;
	v15 =	vunpack.i.l.bf16.f32 v15  }
0x28: {  	v16 =	vld.idx.msk [tilespmem:v16+s2+$0x0], $0xffff;
	v54 =	vunpack.i.u.bf16.f32 v11;
	v55 =	vunpack.i.l.bf16.f32 v18;
	v18 =	vunpack.i.u.bf16.f32 v18  }
0x29: {  	v11 =	vunpack.i.l.bf16.f32 v11;
	v33 =	vadd.f32 $0.0e+00, v33;
	v7 =	vadd.f32 $0.0e+00, v7  }
0x2a: {  	v21 =	vld.idx.msk [tilespmem:v21+s2+$0x0], $0xffff;
	v56 =	vunpack.i.l.bf16.f32 v14;
	v9 =	vadd.f32 $0.0e+00, v9;
	v12 =	vadd.f32 $0.0e+00, v12  }
0x2b: {  	v14 =	vunpack.i.u.bf16.f32 v14;
	v33 =	vadd.f32 v35, v33;
	v7 =	vadd.f32 v17, v7  }
0x2c: {  	v13 =	vld.idx.msk [tilespmem:v13+s2+$0x0], $0xffff;
	v17 =	vunpack.i.l.bf16.f32 v4;
	v4 =	vunpack.i.u.bf16.f32 v10;
	v10 =	vunpack.i.l.bf16.f32 v10  }
0x2d: {  	v9 =	vadd.f32 v10, v9;
	v10 =	vadd.f32 v4, v12;
	v12 =	vunpack.i.u.bf16.f32 v16  }
0x2e: {  	v7 =	vadd.f32 v8, v7;
	v8 =	vunpack.i.l.bf16.f32 v16;
	v16 =	vld.idx.msk [tilespmem:v19+s2+$0x0], $0xffff;
	v19 =	vadd.f32 v52, v33  }
0x2f: {  	v20 =	vld.idx.msk [tilespmem:v20+s2+$0x0], $0xffff;
	v58 =	vunpack.i.l.bf16.f32 v21;
	v21 =	vunpack.i.u.bf16.f32 v21;
	v10 =	vadd.f32 v36, v10  }
0x30: {  	v25 =	vld.idx.msk [tilespmem:v25+s2+$0x0], $0xffff;
	v4 =	vadd.s32 v0, v3;
	v9 =	vadd.f32 v17, v9;
	v6 =	vadd.f32 v6, v19  }
0x31: {  	v17 =	vunpack.i.u.bf16.f32 v13;
	v7 =	vadd.f32 v37, v7;
	v19 =	vld.idx.msk [tilespmem:v31+s2+$0x0], $0xffff;
	v10 =	vadd.f32 v54, v10  }
0x32: {  	v57 =	vld.idx.msk [tilespmem:v28+s2+$0x0], $0xffff;
	v9 =	vadd.f32 v11, v9;
	v11 =	vunpack.i.l.bf16.f32 v13;
	v6 =	vadd.f32 v53, v6  }
0x33: {  	v23 =	vld.idx.msk [tilespmem:v23+s2+$0x0], $0xffff;
	v7 =	vadd.f32 v15, v7;
	v13 =	vunpack.i.u.bf16.f32 v16;
	v15 =	vunpack.i.l.bf16.f32 v16  }
0x34: {  	v16 =	vld.idx.msk [tilespmem:v26+s2+$0x0], $0xffff;
	v10 =	vadd.f32 v12, v10;
	v12 =	vunpack.i.l.bf16.f32 v20;
	v6 =	vadd.f32 v18, v6  }
0x35: {  	v8 =	vadd.f32 v8, v9;
	v9 =	vunpack.i.u.bf16.f32 v20;
	v18 =	vld.idx.msk [tilespmem:v22+s2+$0x0], $0xffff;
	v7 =	vadd.f32 v55, v7  }
0x36: {  	v22 =	vld.idx.msk [tilespmem:v27+s2+$0x0], $0xffff;
	v20 =	vunpack.i.u.bf16.f32 v19;
	v10 =	vadd.f32 v17, v10;
	v6 =	vadd.f32 v14, v6  }
0x37: {  	v19 =	vunpack.i.l.bf16.f32 v19;
	v17 =	vunpack.i.l.bf16.f32 v25;
	v7 =	vadd.f32 v56, v7  }
0x38: {  	v14 =	vunpack.i.u.bf16.f32 v25;
	v6 =	vadd.f32 v9, v6;
	v9 =	vadd.f32 v13, v10  }
0x39: {  	v24 =	vld.idx.msk [tilespmem:v24+s2+$0x0], $0xffff;
	v59 =	vunpack.i.l.bf16.f32 v16;
	v10 =	vadd.f32 v11, v8;
	v16 =	vunpack.i.u.bf16.f32 v16  }
0x3a: {  	v8 =	vunpack.i.l.bf16.f32 v57;
	v13 =	vunpack.i.l.bf16.f32 v23;
	v61 =	vunpack.i.u.bf16.f32 v18  }
0x3b: {  	v62 =	vld.idx.msk [tilespmem:v32+s2+$0x0], $0xffff;
	v63 =	vunpack.i.u.bf16.f32 v22;
	v11 =	vadd.f32 v20, v9;
	v6 =	vadd.f32 v14, v6  }
0x3c: {  	v9 =	vunpack.i.l.bf16.f32 v18;
	v18 =	vadd.f32 v15, v10;
	v10 =	vadd.f32 v12, v7  }
0x3d: {  	v14 =	vunpack.i.l.bf16.f32 v22;
	v7 =	vunpack.i.u.bf16.f32 v23;
	v21 =	vadd.f32 v21, v11  }
0x3e: {  	v15 =	vld.idx.msk [tilespmem:v29+s2+$0x0], $0xffff;
	v17 =	vadd.f32 v17, v10;
	v23 =	vadd.f32 v16, v6;
	v10 =	vunpack.i.l.bf16.f32 v24  }
0x3f: {  	v5 =	vld.idx.msk [tilespmem:v5+s2+$0x0], $0xffff;
	v19 =	vadd.f32 v19, v18;
	v18 =	vunpack.i.u.bf16.f32 v57;
	v11 =	vunpack.i.u.bf16.f32 v24  }
0x40: {  	v6 =	vld.idx.msk [tilespmem:v34+s2+$0x0], $0xffff;
	v16 =	vunpack.i.l.bf16.f32 v62;
	v20 =	vadd.f32 v59, v17;
	v17 =	vadd.f32 v61, v21  }
0x41: {  	s12 =	simm.s32 $0x3A20;
	s13 =	simm.s32 $0x40;
	s11 =	simm.s32 $0x3A20;
	v12 =	vld.idx.msk [tilespmem:v60+s2+$0x0], $0xffff;
	v22 =	vadd.f32 v58, v19;
	v21 =	vadd.f32 v63, v23;
	v19 =	vunpack.i.u.bf16.f32 v62  }
.LBB2_2:
0x42: {  	p0 =	sne.s32 s13, $0x3FC0  }
0x43: {  	v14 =	vadd.f32 v14, v20;
	v20 =	vunpack.i.u.bf16.f32 v15;
	v15 =	vunpack.i.l.bf16.f32 v15;
	s12 =	sadd.s32 $0x40, s12;
	s14 =	smov.u32 s13;
	s13 =	sadd.s32 $0x40, s13  }
0x44: {  	v3 =	vadd.s32 v1, v3;
	v9 =	vadd.f32 v9, v22;
	v18 =	vadd.f32 v18, v21;
	v2 =	vld.idx.msk [tilespmem:v2+s2+$0x0], $0xffff  }
0x45: {  	v8 =	vadd.f32 v8, v14;
	v14 =	vunpack.i.u.bf16.f32 v6  }
0x46: {  	v9 =	vadd.f32 v13, v9;
	v13 =	vadd.f32 v19, v18;
	v18 =	vunpack.i.u.bf16.f32 v12;
	v4 =	vld.idx.msk [tilespmem:v4+s2+$0x0], $0xffff  }
0x47: {  	v7 =	vadd.f32 v7, v17;
	v8 =	vadd.f32 v16, v8  }
0x48: {  	v9 =	vadd.f32 v10, v9;
	v10 =	vunpack.i.l.bf16.f32 v12;
	v12 =	vunpack.i.u.bf16.f32 v5  }
0x49: {  	v7 =	vadd.f32 v11, v7;
	v6 =	vunpack.i.l.bf16.f32 v6;
	v8 =	vadd.f32 v10, v8;
	v3 =	vld.idx.msk [tilespmem:v3+s2+$0x0], $0xffff  }
0x4a: {  	v10 =	vadd.f32 v18, v13;
	v11 =	vunpack.i.l.bf16.f32 v2;
	v9 =	vadd.f32 v15, v9  }
0x4b: {  	v7 =	vadd.f32 v20, v7;
	v5 =	vunpack.i.l.bf16.f32 v5;
	v8 =	vadd.f32 v11, v8  }
0x4c: {  	v2 =	vunpack.i.u.bf16.f32 v2;
	v6 =	vadd.f32 v6, v9;
	v9 =	vunpack.i.l.bf16.f32 v4  }
0x4d: {  	v7 =	vadd.f32 v14, v7;
	v8 =	vadd.f32 v9, v8  }
0x4e: {  	v2 =	vadd.f32 v2, v10;
	v4 =	vunpack.i.u.bf16.f32 v4;
	v5 =	vadd.f32 v5, v6  }
0x4f: {  	v6 =	vadd.f32 v12, v7;
	v7 =	vunpack.i.l.bf16.f32 v3;
	v8 =	vmul.f32 $6.250000000e-02, v8  }
0x50: {  	v2 =	vadd.f32 v4, v2;
	v3 =	vunpack.i.u.bf16.f32 v3;
	v4 =	vadd.f32 v7, v5  }
0x51: {  	v3 =	vadd.f32 v3, v6;
	[tilespmem:s11+$0xFFFFFFE0] =	vst v8  }
0x52: {  	v2 =	vmul.f32 $6.250000000e-02, v2;
	v4 =	vmul.f32 $6.250000000e-02, v4  }
0x53: {  	v3 =	vmul.f32 $6.250000000e-02, v3  }
0x54: {  	[tilespmem:s11+$0x0] =	vst v4  }
0x55: {  	s14 =	sshra.s32 s14, $0x2;
	[tilespmem:s11+$0x10] =	vst v3  }
0x56: {  	[tilespmem:s11+$0xFFFFFFF0] =	vst v2;
	s11 =	smov.u32 s12  }
0x57: {  	v3 =	vld [tilespmem:s14+$0x2A00];
	_ =	sdelay $0x4  }
0x58: {  	v2 =	vbroadcast v3, $0x2;
	v4 =	vbroadcast v3, $0x7  }
0x59: {  	v5 =	vbroadcast v3, $0x4;
	v6 =	vbroadcast v3, $0xE  }
0x5a: {  	v7 =	vbroadcast v3, $0x0;
	v8 =	vadd.s32 v0, v2;
	v9 =	vadd.s32 v1, v2  }
0x5b: {  	v10 =	vbroadcast v3, $0x1;
	v11 =	vbroadcast v3, $0x3;
	v2 =	vadd.s32 v0, v6  }
0x5c: {  	v13 =	vbroadcast v3, $0x5;
	v14 =	vbroadcast v3, $0x6;
	v12 =	vadd.s32 v1, v7  }
0x5d: {  	v7 =	vadd.s32 v0, v7;
	v15 =	vadd.s32 v0, v5;
	v16 =	vadd.s32 v1, v5  }
0x5e: {  	v17 =	vadd.s32 v0, v10;
	v18 =	vadd.s32 v0, v13;
	v13 =	vadd.s32 v1, v13  }
0x5f: {  	v10 =	vadd.s32 v1, v10;
	v19 =	vadd.s32 v1, v14;
	v20 =	vadd.s32 v0, v4  }
0x60: {  	v21 =	vbroadcast v3, $0x8;
	v22 =	vbroadcast v3, $0x9;
	v5 =	vadd.s32 v1, v6  }
0x61: {  	v23 =	vbroadcast v3, $0xA;
	v24 =	vbroadcast v3, $0xB;
	v6 =	vld.idx.msk [tilespmem:v12+s2+$0x0], $0xffff;
	v12 =	vadd.s32 v0, v11  }
0x62: {  	v25 =	vadd.s32 v0, v21;
	v21 =	vadd.s32 v1, v21;
	v26 =	vadd.s32 v0, v22;
	v7 =	vld.idx.msk [tilespmem:v7+s2+$0x0], $0xffff  }
0x63: {  	v22 =	vadd.s32 v1, v22;
	v27 =	vadd.s32 v0, v23;
	v23 =	vadd.s32 v1, v23;
	v17 =	vld.idx.msk [tilespmem:v17+s2+$0x0], $0xffff  }
0x64: {  	v28 =	vadd.s32 v0, v24;
	v24 =	vadd.s32 v1, v24;
	v11 =	vadd.s32 v1, v11;
	v8 =	vld.idx.msk [tilespmem:v8+s2+$0x0], $0xffff  }
0x65: {  	v29 =	vbroadcast v3, $0xC;
	v30 =	vbroadcast v3, $0xD;
	v9 =	vld.idx.msk [tilespmem:v9+s2+$0x0], $0xffff  }
0x66: {  	v3 =	vbroadcast v3, $0xF;
	v31 =	vadd.s32 v1, v4  }
0x67: {  	v14 =	vadd.s32 v0, v14;
	v32 =	vadd.s32 v0, v29;
	v4 =	vunpack.i.l.bf16.f32 v6;
	v12 =	vld.idx.msk [tilespmem:v12+s2+$0x0], $0xffff  }
0x68: {  	v6 =	vunpack.i.u.bf16.f32 v6;
	v33 =	vunpack.i.u.bf16.f32 v7;
	v7 =	vunpack.i.l.bf16.f32 v7;
	v10 =	vld.idx.msk [tilespmem:v10+s2+$0x0], $0xffff  }
0x69: {  	v29 =	vadd.s32 v1, v29;
	v34 =	vadd.s32 v1, v30;
	v33 =	vadd.f32 $0.0e+00, v33;
	v16 =	vld.idx.msk [tilespmem:v16+s2+$0x0], $0xffff  }
0x6a: {  	v7 =	vadd.f32 $0.0e+00, v7;
	v35 =	vunpack.i.u.bf16.f32 v17;
	v17 =	vunpack.i.l.bf16.f32 v17;
	v15 =	vld.idx.msk [tilespmem:v15+s2+$0x0], $0xffff  }
0x6b: {  	v33 =	vadd.f32 v35, v33;
	v35 =	vunpack.i.u.bf16.f32 v8;
	v8 =	vunpack.i.l.bf16.f32 v8;
	v11 =	vld.idx.msk [tilespmem:v11+s2+$0x0], $0xffff  }
0x6c: {  	v4 =	vadd.f32 $0.0e+00, v4;
	v6 =	vadd.f32 $0.0e+00, v6;
	v36 =	vunpack.i.u.bf16.f32 v9;
	v18 =	vld.idx.msk [tilespmem:v18+s2+$0x0], $0xffff  }
0x6d: {  	v7 =	vadd.f32 v17, v7;
	v9 =	vunpack.i.l.bf16.f32 v9;
	v17 =	vunpack.i.l.bf16.f32 v12;
	v13 =	vld.idx.msk [tilespmem:v13+s2+$0x0], $0xffff  }
0x6e: {  	v12 =	vunpack.i.u.bf16.f32 v12;
	v37 =	vunpack.i.u.bf16.f32 v10;
	v10 =	vunpack.i.l.bf16.f32 v10  }
0x6f: {  	v10 =	vadd.f32 v10, v4;
	v6 =	vadd.f32 v37, v6;
	v37 =	vunpack.i.u.bf16.f32 v16;
	v14 =	vld.idx.msk [tilespmem:v14+s2+$0x0], $0xffff  }
0x70: {  	v7 =	vadd.f32 v8, v7;
	v8 =	vunpack.i.l.bf16.f32 v16;
	v4 =	vadd.s32 v0, v3;
	v16 =	vld.idx.msk [tilespmem:v19+s2+$0x0], $0xffff  }
0x71: {  	v19 =	vadd.f32 v35, v33;
	v33 =	vunpack.i.u.bf16.f32 v15;
	v15 =	vunpack.i.l.bf16.f32 v15;
	v20 =	vld.idx.msk [tilespmem:v20+s2+$0x0], $0xffff  }
0x72: {  	v6 =	vadd.f32 v36, v6;
	v35 =	vunpack.i.u.bf16.f32 v11;
	v36 =	vunpack.i.l.bf16.f32 v18;
	v25 =	vld.idx.msk [tilespmem:v25+s2+$0x0], $0xffff  }
0x73: {  	v7 =	vadd.f32 v17, v7;
	v17 =	vunpack.i.u.bf16.f32 v18;
	v12 =	vadd.f32 v12, v19;
	v18 =	vld.idx.msk [tilespmem:v31+s2+$0x0], $0xffff  }
0x74: {  	v9 =	vadd.f32 v9, v10;
	v6 =	vadd.f32 v35, v6;
	v10 =	vunpack.i.u.bf16.f32 v13  }
0x75: {  	v11 =	vunpack.i.l.bf16.f32 v11;
	v12 =	vadd.f32 v33, v12;
	v19 =	vunpack.i.l.bf16.f32 v14;
	v21 =	vld.idx.msk [tilespmem:v21+s2+$0x0], $0xffff  }
0x76: {  	v9 =	vadd.f32 v11, v9;
	v11 =	vunpack.i.l.bf16.f32 v13;
	v13 =	vunpack.i.u.bf16.f32 v16  }
0x77: {  	v7 =	vadd.f32 v15, v7;
	v14 =	vunpack.i.u.bf16.f32 v14;
	v15 =	vunpack.i.l.bf16.f32 v16;
	v16 =	vld.idx.msk [tilespmem:v26+s2+$0x0], $0xffff  }
0x78: {  	v6 =	vadd.f32 v37, v6;
	v12 =	vadd.f32 v17, v12;
	v17 =	vunpack.i.l.bf16.f32 v20;
	v22 =	vld.idx.msk [tilespmem:v22+s2+$0x0], $0xffff  }
0x79: {  	v8 =	vadd.f32 v8, v9;
	v9 =	vunpack.i.u.bf16.f32 v20;
	v20 =	vunpack.i.u.bf16.f32 v18;
	v26 =	vld.idx.msk [tilespmem:v27+s2+$0x0], $0xffff  }
0x7a: {  	v12 =	vadd.f32 v14, v12;
	v18 =	vunpack.i.l.bf16.f32 v18;
	v14 =	vunpack.i.u.bf16.f32 v25;
	v27 =	vld.idx.msk [tilespmem:v28+s2+$0x0], $0xffff  }
0x7b: {  	v6 =	vadd.f32 v10, v6;
	v10 =	vunpack.i.l.bf16.f32 v25;
	v25 =	vunpack.i.l.bf16.f32 v21;
	v23 =	vld.idx.msk [tilespmem:v23+s2+$0x0], $0xffff  }
0x7c: {  	v7 =	vadd.f32 v36, v7;
	v12 =	vadd.f32 v9, v12;
	v21 =	vunpack.i.u.bf16.f32 v21  }
0x7d: {  	v30 =	vadd.s32 v0, v30;
	v6 =	vadd.f32 v13, v6;
	v28 =	vunpack.i.l.bf16.f32 v16;
	v24 =	vld.idx.msk [tilespmem:v24+s2+$0x0], $0xffff  }
0x7e: {  	v7 =	vadd.f32 v19, v7;
	v11 =	vadd.f32 v11, v8;
	v19 =	vunpack.i.u.bf16.f32 v22  }
0x7f: {  	v6 =	vadd.f32 v20, v6;
	v16 =	vunpack.i.u.bf16.f32 v16;
	v9 =	vunpack.i.l.bf16.f32 v22;
	v31 =	vld.idx.msk [tilespmem:v32+s2+$0x0], $0xffff  }
0x80: {  	v12 =	vadd.f32 v14, v12;
	v14 =	vunpack.i.l.bf16.f32 v26;
	v8 =	vunpack.i.l.bf16.f32 v27  }
0x81: {  	v17 =	vadd.f32 v17, v7;
	v11 =	vadd.f32 v15, v11;
	v7 =	vunpack.i.u.bf16.f32 v23;
	v15 =	vld.idx.msk [tilespmem:v29+s2+$0x0], $0xffff  }
.Ltmp0:
0x82: {  	v21 =	vadd.f32 v21, v6;
	v26 =	vunpack.i.u.bf16.f32 v26;
	v13 =	vunpack.i.l.bf16.f32 v23;
	(pc) =	sbr.rel @p0 .LBB2_2-.Ltmp0, $4  }
0x83: {  	v17 =	vadd.f32 v10, v17;
	v23 =	vadd.f32 v16, v12;
	v10 =	vunpack.i.l.bf16.f32 v24;
	v6 =	vld.idx.msk [tilespmem:v34+s2+$0x0], $0xffff  }
0x84: {  	v22 =	vadd.f32 v18, v11;
	v18 =	vunpack.i.u.bf16.f32 v27;
	v11 =	vunpack.i.u.bf16.f32 v24;
	v12 =	vld.idx.msk [tilespmem:v30+s2+$0x0], $0xffff  }
0x85: {  	v20 =	vadd.f32 v28, v17;
	v17 =	vadd.f32 v19, v21;
	v16 =	vunpack.i.l.bf16.f32 v31  }
0x86: {  	v22 =	vadd.f32 v25, v22;
	v21 =	vadd.f32 v26, v23;
	v19 =	vunpack.i.u.bf16.f32 v31;
	v5 =	vld.idx.msk [tilespmem:v5+s2+$0x0], $0xffff  }
0x87: {  	_ =	sdelay $0x1  }
0x88: {  	v14 =	vadd.f32 v14, v20  }
0x89: {  	v3 =	vadd.s32 v1, v3;
	v50 =	vunpack.i.u.bf16.f32 v15;
	v7 =	vadd.f32 v7, v17  }
0x8a: {  	v51 =	vunpack.i.l.bf16.f32 v15;
	v2 =	vld.idx.msk [tilespmem:v2+s2+$0x0], $0xffff;
	v9 =	vadd.f32 v9, v22;
	v18 =	vadd.f32 v18, v21  }
0x8b: {  	v52 =	vunpack.i.u.bf16.f32 v6;
	v57 =	vunpack.i.l.bf16.f32 v6;
	v8 =	vadd.f32 v8, v14  }
0x8c: {  	v4 =	vld.idx.msk [tilespmem:v4+s2+$0x0], $0xffff;
	v54 =	vunpack.i.u.bf16.f32 v12;
	v7 =	vadd.f32 v11, v7;
	v9 =	vadd.f32 v13, v9  }
0x8d: {  	v55 =	vunpack.i.l.bf16.f32 v12;
	v53 =	vadd.f32 v19, v18;
	v8 =	vadd.f32 v16, v8  }
0x8e: {  	v56 =	vunpack.i.u.bf16.f32 v5;
	v7 =	vadd.f32 v50, v7;
	v9 =	vadd.f32 v10, v9  }
0x8f: {  	v3 =	vld.idx.msk [tilespmem:v3+s2+$0x0], $0xffff;
	v10 =	vadd.f32 v54, v53;
	v58 =	vunpack.i.l.bf16.f32 v2;
	v8 =	vadd.f32 v55, v8  }
0x90: {  	v2 =	vunpack.i.u.bf16.f32 v2;
	v7 =	vadd.f32 v52, v7;
	v9 =	vadd.f32 v51, v9  }
0x91: {  	v60 =	vunpack.i.l.bf16.f32 v4;
	v2 =	vadd.f32 v2, v10;
	v8 =	vadd.f32 v58, v8  }
0x92: {  	v4 =	vunpack.i.u.bf16.f32 v4;
	v7 =	vadd.f32 v56, v7;
	v6 =	vadd.f32 v57, v9  }
0x93: {  	v59 =	vunpack.i.l.bf16.f32 v5;
	v2 =	vadd.f32 v4, v2;
	v61 =	vadd.f32 v60, v8  }
0x94: {  	v62 =	vunpack.i.l.bf16.f32 v3;
	v3 =	vunpack.i.u.bf16.f32 v3;
	v5 =	vadd.f32 v59, v6  }
0x95: {  	v3 =	vadd.f32 v3, v7;
	v2 =	vmul.f32 $6.250000000e-02, v2  }
0x96: {  	v6 =	vmul.f32 $6.250000000e-02, v61;
	v5 =	vadd.f32 v62, v5  }
0x97: {  	v3 =	vmul.f32 $6.250000000e-02, v3;
	[tilespmem:s11+$0xFFFFFFF0] =	vst v2  }
0x98: {  	s10 =	sadd.s32 $0x1, s10;
	[tilespmem:s11+$0xFFFFFFE0] =	vst v6;
	v63 =	vmul.f32 $6.250000000e-02, v5  }
0x99: {  	p0 =	sne.s32 s10, s6;
	[tilespmem:s11+$0x10] =	vst v3  }
.Ltmp1:
0x9a: {  	[tilespmem:s11+$0x0] =	vst v63;
	(pc) =	sbr.rel @p0 .LBB2_1-.Ltmp1, $4  }
0x9b: {  	[hbm4b:s5+s2] =	stream.linear.scatter [tilespmem:s9], [sflag:$0x1], $0x4000, $0x38;
	[tilespmem:$0x7A00] =	vst v63  }
0x9c: {  	_ =	swait.ge [sflag:s7], $0x4000  }
0x9d: {  	[sflag:s7] =	ssyncset.done $0x0  }
0x9e: {  	[sflag:s7] =	ssyncadd.s32 $0xFFFFC000  }
0x9f: {  	_ =	sfence.sel $0x180000  }
0xa0: {  	[bflag:$0x0] =	sbarrier.arrive $0xFFFF  }
0xa1: {  	p0 =	sne.s32 s1, $0x0;
	_ =	strace $0x9000004A  }
0xa2: {  	s0 =	sadd.s32 @!p0 $0x100000, s0;
	[bflag:$0x2] =	sbarrier.arrive $0xFFFF  }
0xa3: {  	[sflag:s0] =	ssyncadd.tile.s32 @!p0 $0x1;
	_ =	shalt  }
.Lfunc_end2:
_tile_overlayer_lowered:
.L_overlay_start_2:
0xa4: {  	(tag) =	ssettag $0x2  }
0xa5: {  	s0 =	rddreg [dreg:$0x0];
	s2 =	stileid.u32  }
0xa6: {  	s1 =	rddreg [dreg:$0x1];
	p0 =	sne.s32 s2, $0x0  }
0xa7: {  	s3 =	rddreg [dreg:$0x2];
	[bflag:$0x3] =	sbarrier.arrive $0xFFFF;
	s2 =	simm.s32 @!p0 $0x1C01  }
0xa8: {  	[timem:s3], [sflag:s2] =	dma.local @!p0 [hbm:s0], s1  }
0xa9: {  	s0 =	simm.s32 @!p0 $0x1  }
0xaa: {  	_ =	swait.ge @!p0 [sflag:s0], s1  }
0xab: {  	s1 =	ssub.s32 @!p0 $0x0, s1;
	[sflag:s0] =	ssyncset.done @!p0 $0x0  }
0xac: {  	[sflag:s0] =	ssyncadd.s32 @!p0 s1  }
0xad: {  	[bflag:$0x3] =	sbarrier.arrive $0xFFFF  }
0xae: {  	_ =	shalt  }

// kernel: kernel.19.cloned.1.call-start
scs
__scs_entry_jumppad:
0x0: {  	(pc) =	sbr.rel $0x88, $3  }
0x1: {  	(tag) =	ssettag $0x0;
	lr =	simm.s32 $0x1  }
0x2: {  	[smem:$0x3F9E] =	sst lr;
	_ =	strace $0xD0000000  }
0x3: {  	_ = 	snop  }
0x4: {  	_ = 	snop  }
0x5: {  	_ = 	snop  }
0x6: {  	_ = 	snop  }
0x7: {  	_ = 	snop  }
__scs_overlays_trampoline_lowered:
0x8: {  	[smem:$0x3FAD] =	sst s0  }
0x9: {  	[smem:$0x3FAE] =	sst s1  }
0xa: {  	[smem:$0x3FAF] =	sst s2  }
0xb: {  	[smem:$0x3FB0] =	sst s3  }
0xc: {  	[smem:$0x3FB1] =	sst s4  }
0xd: {  	[smem:$0x3FB2] =	sst s5  }
0xe: {  	[smem:$0x3FB3] =	sst s6  }
0xf: {  	[smem:$0x3FB4] =	sst s7  }
0x10: {  	[smem:$0x3FB5] =	sst s8  }
0x11: {  	[smem:$0x3FB6] =	sst s9;
	s0 =	simm.s32 @!p0 $0x0  }
0x12: {  	s1 =	sld [smem:$0x3F9C];
	s0 =	simm.s32 @p0 $0x1  }
0x13: {  	[smem:$0x3FB7] =	sst s0;
	s0 =	simm.s32 @!p1 $0x0  }
0x14: {  	s2 =	sld [smem:$0x3F9B];
	s0 =	simm.s32 @p1 $0x1  }
0x15: {  	[smem:$0x3FB8] =	sst s0;
	s0 =	simm.s32 @!p2 $0x0  }
0x16: {  	s3 =	sld [smem:$0x3FDB];
	s0 =	simm.s32 @p2 $0x1  }
0x17: {  	s4 =	simm.s32 $0x1BF5;
	[smem:$0x3FBA] =	sst s0  }
0x18: {  	s0 =	sld [smem:$0x3F9D];
	_ =	swait.ge [sflag:s4], $0x0  }
0x19: {  	s7 =	sld [smem:$0x3F9E]  }
0x1a: {  	s8 =	sadd.s32 $0xFFFFE003, lr  }
0x1b: {  	s9 =	sadd.s32 $0xFFFFFEF7, lr;
	s5 =	simm.s32 $0xFFFFFFFF;
	p2 =	slt.u32 s8, $0xFFFFF086  }
0x1c: {  	p1 =	slt.u32 s9, $0xF7A;
	s5 =	simm.s32 @!p2 $0x0  }
0x1d: {  	s5 =	simm.s32 @p1 $0x1;
	p0 =	seq.s32 s7, s2  }
0x1e: {  	s7 =	smul.u32 @!p0 $0xF7A, s2;
	p2 =	seq.s32 @!p0 s5, $0x0  }
0x1f: {  	s9 =	smul.u32 $0xF7A, s1;
	s8 =	simm.s32 @!p0 $0x1BF5;
	p2 =	por !p2, p0  }
0x20: {  	[sflag:s8] =	ssyncset.s32 @!p0 $0xFFFFF086;
	s6 =	sadd.s32 @!p0 s3, s7;
	s7 =	simm.s32 @!p0 $0x108  }
0x21: {  	s3 =	sadd.s32 s3, s9;
	s6 =	sadd.s32 @!p0 $0x88, s6;
	s7 =	simm.s32 @p2 $0x1082  }
0x22: {  	[simem:s7], [sflag:s8] =	dma.local @!p0 [hbm:s6], $0xF7A  }
0x23: {  	s9 =	sor.u32 $0xD0000000, s2;
	s6 =	simm.s32 $0x108;
	_ =	swait.ge @!p0 [sflag:s8], $0x0  }
0x24: {  	s3 =	sadd.s32 $0x88, s3;
	s6 =	simm.s32 @!p1 $0x1082;
	[sflag:s4] =	ssyncset.s32 $0xFFFFF086  }
0x25: {  	[simem:s6], [sflag:s4] =	dma.local [hbm:s3], $0xF7A  }
0x26: {  	[smem:$0x3F9E] =	sst s1;
	(tag) =	ssettag s2;
	_ =	strace s9  }
0x27: {  	s1 =	sld [smem:$0x3FAE]  }
0x28: {  	s2 =	sld [smem:$0x3FAF]  }
0x29: {  	s4 =	sld [smem:$0x3FB1]  }
0x2a: {  	p0 =	seq.s32 s5, $0x0;
	s5 =	sld [smem:$0x3FB2]  }
0x2b: {  	s6 =	sld [smem:$0x3FB3]  }
0x2c: {  	s7 =	sld [smem:$0x3FB4]  }
0x2d: {  	s3 =	simm.s32 $0x108;
	s8 =	sld [smem:$0x3FB5]  }
0x2e: {  	s3 =	simm.s32 @!p0 $0x1082;
	s9 =	sld [smem:$0x3FB6]  }
0x2f: {  	lr =	sadd.s32 s0, s3;
	s0 =	sld [smem:$0x3FAD]  }
0x30: {  	s3 =	sld [smem:$0x3FB0]  }
0x31: {  	[smem:$0x3FB9] =	sst s10  }
0x32: {  	s10 =	sld [smem:$0x3FB7];
	_ =	sdelay $0x3  }
0x33: {  	p0 =	seq.s32 s10, $0x1;
	s10 =	sld [smem:$0x3FB9];
	_ =	sdelay $0x3  }
0x34: {  	[smem:$0x3FB9] =	sst s10  }
0x35: {  	s10 =	sld [smem:$0x3FB8];
	_ =	sdelay $0x3  }
0x36: {  	p1 =	seq.s32 s10, $0x1;
	s10 =	sld [smem:$0x3FB9];
	_ =	sdelay $0x3  }
0x37: {  	[smem:$0x3FB9] =	sst s10  }
0x38: {  	s10 =	sld [smem:$0x3FBA]  }
0x39: {  	_ = 	snop;
	(pc) =	sbr.ind lr, $3  }
0x3a: {  	_ = 	snop  }
0x3b: {  	_ = 	snop  }
0x3c: {  	p2 =	seq.s32 s10, $0x1;
	s10 =	sld [smem:$0x3FB9]  }
0x3d: {  	_ =	shalt  }
0x3e: {  	_ =	shalt  }
0x3f: {  	_ =	shalt  }
0x40: {  	_ =	shalt  }
0x41: {  	_ =	shalt  }
0x42: {  	_ =	shalt  }
0x43: {  	_ =	shalt  }
0x44: {  	_ =	shalt  }
0x45: {  	_ =	shalt  }
0x46: {  	_ =	shalt  }
0x47: {  	_ =	shalt  }
0x48: {  	_ =	shalt  }
0x49: {  	_ =	shalt  }
0x4a: {  	_ =	shalt  }
0x4b: {  	_ =	shalt  }
0x4c: {  	_ =	shalt  }
0x4d: {  	_ =	shalt  }
0x4e: {  	_ =	shalt  }
0x4f: {  	_ =	shalt  }
0x50: {  	_ =	shalt  }
0x51: {  	_ =	shalt  }
0x52: {  	_ =	shalt  }
0x53: {  	_ =	shalt  }
0x54: {  	_ =	shalt  }
0x55: {  	_ =	shalt  }
0x56: {  	_ =	shalt  }
0x57: {  	_ =	shalt  }
0x58: {  	_ =	shalt  }
0x59: {  	_ =	shalt  }
0x5a: {  	_ =	shalt  }
0x5b: {  	_ =	shalt  }
0x5c: {  	_ =	shalt  }
0x5d: {  	_ =	shalt  }
0x5e: {  	_ =	shalt  }
0x5f: {  	_ =	shalt  }
0x60: {  	_ =	shalt  }
0x61: {  	_ =	shalt  }
0x62: {  	_ =	shalt  }
0x63: {  	_ =	shalt  }
0x64: {  	_ =	shalt  }
0x65: {  	_ =	shalt  }
0x66: {  	_ =	shalt  }
0x67: {  	_ =	shalt  }
0x68: {  	_ =	shalt  }
0x69: {  	_ =	shalt  }
0x6a: {  	_ =	shalt  }
0x6b: {  	_ =	shalt  }
0x6c: {  	_ =	shalt  }
0x6d: {  	_ =	shalt  }
0x6e: {  	_ =	shalt  }
0x6f: {  	_ =	shalt  }
0x70: {  	_ =	shalt  }
0x71: {  	_ =	shalt  }
0x72: {  	_ =	shalt  }
0x73: {  	_ =	shalt  }
0x74: {  	_ =	shalt  }
0x75: {  	_ =	shalt  }
0x76: {  	_ =	shalt  }
0x77: {  	_ =	shalt  }
0x78: {  	_ =	shalt  }
0x79: {  	_ =	shalt  }
0x7a: {  	_ =	shalt  }
0x7b: {  	_ =	shalt  }
0x7c: {  	_ =	shalt  }
0x7d: {  	_ =	shalt  }
0x7e: {  	_ =	shalt  }
0x7f: {  	_ =	shalt  }
0x80: {  	_ =	shalt  }
0x81: {  	_ =	shalt  }
0x82: {  	_ =	shalt  }
0x83: {  	_ =	shalt  }
0x84: {  	_ =	shalt  }
0x85: {  	_ =	shalt  }
0x86: {  	_ =	shalt  }
0x87: {  	_ =	shalt  }
.Lfunc_end0:
.L_simem_size_0:
called_computation.3_lowered:
.L_overlay_start_0:
0x88: {  	s2 =	sld [smem:$0x3FD9]  }
0x89: {  	s3 =	sld [smem:$0x3FFE];
	_ =	sdelay $0x1  }
0x8a: {  	s1 =	srdreg.scid  }
0x8b: {  	s0 =	sand.u32 $0x1, s1  }
0x8c: {  	s16 =	sshll.u32 s0, $0xA;
	s2 =	sadd.s32 s3, s2  }
0x8d: {  	s2 =	sadd.s32 s2, s16  }
0x8e: {  	[smem:$0x3FC5] =	sst s2  }
0x8f: {  	_ = 	snop  }
0x90: {  	(tm) =	ssettm $0x1  }
0x91: {  	s17 =	sld [smem:$0x3FFB];
	_ =	sdelay $0x3  }
0x92: {  	_ =	strace s17  }
0x93: {  	s2 =	sld [smem:$0x3FFC];
	_ =	sdelay $0x3  }
0x94: {  	_ =	strace s2  }
0x95: {  	s2 =	sld [smem:$0x3FFD];
	_ =	sdelay $0x3  }
0x96: {  	_ =	strace s2  }
0x97: {  	_ =	strace $0x8FFFFFFF  }
0x98: {  	s18 =	sld [smem:$0x3FDB];
	_ =	sdelay $0x1  }
0x99: {  	s19 =	simm.s32 $_scs_section_size  }
0x9a: {  	s4 =	simm.s32 $_size__tile_overlayer_lowered;
	s5 =	simm.s32 $_tile_overlayer_lowered  }
0x9b: {  	s22 =	simm.s32 $0x1BFF;
	s21 =	sshll.u32 s5, $0x1;
	s2 =	sadd.s32 s19, s18  }
0x9c: {  	s6 =	simm.s32 $0x0;
	s20 =	sshll.u32 s4, $0x1;
	s4 =	sadd.s32 s21, s2  }
0x9d: {  	[timem:s6], [sflag:s22] =	dma.local [hbm:s4], s20  }
0x9e: {  	_ =	swait.ge [sflag:s22], s20  }
0x9f: {  	s3 =	ssub.s32 $0x0, s20;
	[sflag:s22] =	ssyncset.done $0x0  }
0xa0: {  	[sflag:s22] =	ssyncadd.s32 s3;
	_ =	sdelay $0x1  }
0xa1: {  	s23 =	simm.s32 $0x1B8B  }
0xa2: {  	_ =	swait.ge [sflag:s23], $0x1  }
0xa3: {  	[sflag:s23] =	ssyncset.done $0x0  }
0xa4: {  	s25 =	simm.s32 $0x1B8E;
	s24 =	sld [smem:$0x3FFE];
	[sflag:s23] =	ssyncadd.s32 $0xFFFFFFFF  }
0xa5: {  	s26 =	simm.s32 $execute0_lowered;
	[smem:$0x3FD2] =	sst s25  }
0xa6: {  	s4 =	sshll.u32 s26, $0x1;
	_ =	strace $0x80000046;
	[dreg:$0x1] =	wrdreg $0xFFFFFFFF  }
0xa7: {  	s28 =	simm.s32 $_size_execute0_lowered;
	s2 =	sadd.s32 s2, s4;
	[dreg:$0x0] =	wrdreg $0x0  }
0xa8: {  	s4 =	sshll.u32 s28, $0x1;
	[dreg:$0x2] =	wrdreg s2  }
0xa9: {  	[dreg:$0x3] =	wrdreg s4  }
0xaa: {  	[dreg:$0x4] =	wrdreg $0xC0  }
0xab: {  	_ =	task [dreg:s6], $0x5FFFF  }
0xac: {  	[dreg:$0x1] =	wrdreg $0xFFFFFFFF  }
0xad: {  	[dreg:$0x0] =	wrdreg $0x60  }
0xae: {  	[dreg:$0x2] =	wrdreg s24  }
0xaf: {  	[dreg:$0x3] =	wrdreg $0xC  }
0xb0: {  	_ =	task.clear_ibuf [dreg:s6], $0x4FFFF;
	_ =	strace $0x90000046  }
0xb1: {  	s29 =	simm.s32 $0xC;
	_ =	strace $0x80000048  }
0xb2: {  	_ =	swait.ge [sflag:s29], $0x1  }
0xb3: {  	[sflag:s29] =	ssyncadd.s32 $0xFFFFFFFF  }
0xb4: {  	_ =	strace $0x90000048  }
0xb5: {  	_ =	sfence  }
0xb6: {  	s30 =	sld [smem:$0x0];
	_ =	sdelay $0x2  }
0xb7: {  	s31 =	sshll.u32 s1, $0xD;
	s1 =	sshrl.u32 s1, $0x2  }
0xb8: {  	s3 =	sand.u32 $0x4000, s31;
	s1 =	sadd.s32 s1, s30  }
0xb9: {  	s0 =	sor.u32 s3, s0;
	s1 =	sshll.u32 s1, $0x11  }
0xba: {  	s0 =	sor.u32 s1, s0  }
0xbb: {  	s0 =	sadd.s32 $0x8F2B, s0  }
0xbc: {  	[sflag:s0] =	ssyncadd.remote.s32 $0x1  }
0xbd: {  	_ =	sfence.sel $0xFFFF  }
0xbe: {  	[dreg:$0x0] =	wrdreg $0xFFFFFFFF;
	(pc) =	sbr.abs _section_cstart, $3  }
0xbf: {  	[dreg:$0x1] =	wrdreg $0xFFFFFFFF  }
0xc0: {  	_ =	task.clear_ibuf [dreg:s6], $0x2FFFF;
	_ =	strace $0x9FFFFFFF  }
0xc1: {  	(tm) =	ssettm $0x7FFFFFFF  }
tec
execute0_lowered:
.L_overlay_start_1:
0x0: {  	(tag) =	ssettag $0x1  }
0x1: {  	s4 =	rddreg [dreg:$0x0]  }
0x2: {  	s0 =	rddreg [dreg:$0x1];
	s2 =	simm.s32 $0x0;
	s3 =	srdreg.scid  }
0x3: {  	s1 =	stileid.u32;
	s9 =	simm.s32 $0x3A00;
	s10 =	simm.s32 $0x0  }
0x4: {  	[smem:$0x7FF] =	sst s2;
	s5 =	sand.u32 $0x1, s3;
	s31 =	sshll.u32 s1, $0x1  }
0x5: {  	s3 =	sadd.s32 $0x1000, s4;
	_ =	strace $0x80000047;
	s6 =	sor.u32 s5, s31  }
0x6: {  	s5 =	ssub.s32 $0x2, s5;
	s7 =	sshll.u32 s6, $0x9;
	s6 =	sshll.u32 s6, $0xB  }
0x7: {  	s8 =	sshrl.u32 s5, $0x1;
	s7 =	sadd.s32 s7, s4;
	s6 =	sadd.s32 s6, s4  }
0x8: {  	v0 =	vlaneseq.u32;
	s8 =	ssub.s32 s5, s8;
	s4 =	sadd.s32 $0x1600, s7;
	s5 =	sadd.s32 $0x5600, s6  }
0x9: {  	v1 =	vor.u32 $0x10, v0;
	s6 =	smax.u32 s8, $0x1;
	s7 =	simm.s32 $0x1;
	s8 =	simm.s32 $0x2A00  }
.LBB2_1:
0xa: {  	[tilespmem:s2], [sflag:$0x1] =	stream.linear.gather [hbm4b:s3+s2], $0x2A00, $0x38;
	[tilespmem:$0x7A00] =	vst v63  }
0xb: {  	_ =	swait.ge [sflag:s7], $0x2A00  }
0xc: {  	[sflag:s7] =	ssyncset.done $0x0  }
0xd: {  	[sflag:s7] =	ssyncadd.s32 $0xFFFFD600  }
0xe: {  	[tilespmem:s8], [sflag:$0x1] =	stream.linear.gather [hbm4b:s4+s2], $0x1000, $0x38;
	[tilespmem:$0x7A00] =	vst v63  }
0xf: {  	_ =	swait.ge [sflag:s7], $0x1000  }
0x10: {  	[sflag:s7] =	ssyncset.done $0x0  }
0x11: {  	s11 =	simm.s32 $0x0;
	[sflag:s7] =	ssyncadd.s32 $0xFFFFF000  }
0x12: {  	v3 =	vld [tilespmem:s11+$0x2A00];
	_ =	sdelay $0x4  }
0x13: {  	v2 =	vbroadcast v3, $0x2;
	v4 =	vbroadcast v3, $0x7  }
0x14: {  	v5 =	vbroadcast v3, $0x4;
	v7 =	vbroadcast v3, $0x0  }
0x15: {  	v6 =	vbroadcast v3, $0xE;
	v10 =	vbroadcast v3, $0x1  }
0x16: {  	v11 =	vbroadcast v3, $0x3;
	v13 =	vbroadcast v3, $0x5;
	v12 =	vadd.s32 v1, v7  }
0x17: {  	v14 =	vbroadcast v3, $0x6;
	v21 =	vbroadcast v3, $0x8;
	v7 =	vadd.s32 v0, v7  }
0x18: {  	v22 =	vbroadcast v3, $0x9;
	v23 =	vbroadcast v3, $0xA;
	v17 =	vadd.s32 v0, v10  }
0x19: {  	v24 =	vbroadcast v3, $0xB;
	v29 =	vbroadcast v3, $0xC;
	v8 =	vadd.s32 v0, v2  }
0x1a: {  	v9 =	vadd.s32 v1, v2;
	v2 =	vadd.s32 v0, v6;
	v15 =	vadd.s32 v0, v5  }
0x1b: {  	v16 =	vadd.s32 v1, v5;
	v5 =	vadd.s32 v1, v6;
	v6 =	vadd.s32 v0, v11;
	v12 =	vld.idx.msk [tilespmem:v12+s2+$0x0], $0xffff  }
0x1c: {  	v30 =	vbroadcast v3, $0xD;
	v3 =	vbroadcast v3, $0xF;
	v7 =	vld.idx.msk [tilespmem:v7+s2+$0x0], $0xffff  }
0x1d: {  	v18 =	vadd.s32 v0, v13;
	v13 =	vadd.s32 v1, v13;
	v11 =	vadd.s32 v1, v11;
	v17 =	vld.idx.msk [tilespmem:v17+s2+$0x0], $0xffff  }
0x1e: {  	v10 =	vadd.s32 v1, v10;
	v19 =	vadd.s32 v1, v14;
	v20 =	vadd.s32 v0, v4;
	v8 =	vld.idx.msk [tilespmem:v8+s2+$0x0], $0xffff  }
0x1f: {  	v25 =	vadd.s32 v0, v21;
	v21 =	vadd.s32 v1, v21;
	v31 =	vadd.s32 v1, v4;
	v4 =	vld.idx.msk [tilespmem:v9+s2+$0x0], $0xffff  }
0x20: {  	v26 =	vadd.s32 v0, v22;
	v22 =	vadd.s32 v1, v22;
	v14 =	vadd.s32 v0, v14;
	v6 =	vld.idx.msk [tilespmem:v6+s2+$0x0], $0xffff  }
0x21: {  	v27 =	vadd.s32 v0, v23;
	v23 =	vadd.s32 v1, v23;
	v28 =	vadd.s32 v0, v24;
	v15 =	vld.idx.msk [tilespmem:v15+s2+$0x0], $0xffff  }
0x22: {  	v24 =	vadd.s32 v1, v24;
	v32 =	vadd.s32 v0, v29;
	v29 =	vadd.s32 v1, v29;
	v11 =	vld.idx.msk [tilespmem:v11+s2+$0x0], $0xffff  }
0x23: {  	v34 =	vadd.s32 v1, v30;
	v60 =	vadd.s32 v0, v30;
	v18 =	vld.idx.msk [tilespmem:v18+s2+$0x0], $0xffff;
	v9 =	vunpack.i.l.bf16.f32 v12  }
0x24: {  	v33 =	vunpack.i.u.bf16.f32 v7;
	v7 =	vunpack.i.l.bf16.f32 v7;
	v12 =	vunpack.i.u.bf16.f32 v12  }
0x25: {  	v14 =	vld.idx.msk [tilespmem:v14+s2+$0x0], $0xffff;
	v35 =	vunpack.i.u.bf16.f32 v17;
	v17 =	vunpack.i.l.bf16.f32 v17;
	v52 =	vunpack.i.u.bf16.f32 v8  }
0x26: {  	v8 =	vunpack.i.l.bf16.f32 v8;
	v36 =	vunpack.i.u.bf16.f32 v4;
	v37 =	vunpack.i.l.bf16.f32 v6  }
0x27: {  	v10 =	vld.idx.msk [tilespmem:v10+s2+$0x0], $0xffff;
	v6 =	vunpack.i.u.bf16.f32 v6;
	v53 =	vunpack.i.u.bf16.f32 v15;
	v15 =	vunpack.i.l.bf16.f32 v15  }
0x28: {  	v16 =	vld.idx.msk [tilespmem:v16+s2+$0x0], $0xffff;
	v54 =	vunpack.i.u.bf16.f32 v11;
	v55 =	vunpack.i.l.bf16.f32 v18;
	v18 =	vunpack.i.u.bf16.f32 v18  }
0x29: {  	v11 =	vunpack.i.l.bf16.f32 v11;
	v33 =	vadd.f32 $0.0e+00, v33;
	v7 =	vadd.f32 $0.0e+00, v7  }
0x2a: {  	v21 =	vld.idx.msk [tilespmem:v21+s2+$0x0], $0xffff;
	v56 =	vunpack.i.l.bf16.f32 v14;
	v9 =	vadd.f32 $0.0e+00, v9;
	v12 =	vadd.f32 $0.0e+00, v12  }
0x2b: {  	v14 =	vunpack.i.u.bf16.f32 v14;
	v33 =	vadd.f32 v35, v33;
	v7 =	vadd.f32 v17, v7  }
0x2c: {  	v13 =	vld.idx.msk [tilespmem:v13+s2+$0x0], $0xffff;
	v17 =	vunpack.i.l.bf16.f32 v4;
	v4 =	vunpack.i.u.bf16.f32 v10;
	v10 =	vunpack.i.l.bf16.f32 v10  }
0x2d: {  	v9 =	vadd.f32 v10, v9;
	v10 =	vadd.f32 v4, v12;
	v12 =	vunpack.i.u.bf16.f32 v16  }
0x2e: {  	v7 =	vadd.f32 v8, v7;
	v8 =	vunpack.i.l.bf16.f32 v16;
	v16 =	vld.idx.msk [tilespmem:v19+s2+$0x0], $0xffff;
	v19 =	vadd.f32 v52, v33  }
0x2f: {  	v20 =	vld.idx.msk [tilespmem:v20+s2+$0x0], $0xffff;
	v58 =	vunpack.i.l.bf16.f32 v21;
	v21 =	vunpack.i.u.bf16.f32 v21;
	v10 =	vadd.f32 v36, v10  }
0x30: {  	v25 =	vld.idx.msk [tilespmem:v25+s2+$0x0], $0xffff;
	v4 =	vadd.s32 v0, v3;
	v9 =	vadd.f32 v17, v9;
	v6 =	vadd.f32 v6, v19  }
0x31: {  	v17 =	vunpack.i.u.bf16.f32 v13;
	v7 =	vadd.f32 v37, v7;
	v19 =	vld.idx.msk [tilespmem:v31+s2+$0x0], $0xffff;
	v10 =	vadd.f32 v54, v10  }
0x32: {  	v57 =	vld.idx.msk [tilespmem:v28+s2+$0x0], $0xffff;
	v9 =	vadd.f32 v11, v9;
	v11 =	vunpack.i.l.bf16.f32 v13;
	v6 =	vadd.f32 v53, v6  }
0x33: {  	v23 =	vld.idx.msk [tilespmem:v23+s2+$0x0], $0xffff;
	v7 =	vadd.f32 v15, v7;
	v13 =	vunpack.i.u.bf16.f32 v16;
	v15 =	vunpack.i.l.bf16.f32 v16  }
0x34: {  	v16 =	vld.idx.msk [tilespmem:v26+s2+$0x0], $0xffff;
	v10 =	vadd.f32 v12, v10;
	v12 =	vunpack.i.l.bf16.f32 v20;
	v6 =	vadd.f32 v18, v6  }
0x35: {  	v8 =	vadd.f32 v8, v9;
	v9 =	vunpack.i.u.bf16.f32 v20;
	v18 =	vld.idx.msk [tilespmem:v22+s2+$0x0], $0xffff;
	v7 =	vadd.f32 v55, v7  }
0x36: {  	v22 =	vld.idx.msk [tilespmem:v27+s2+$0x0], $0xffff;
	v20 =	vunpack.i.u.bf16.f32 v19;
	v10 =	vadd.f32 v17, v10;
	v6 =	vadd.f32 v14, v6  }
0x37: {  	v19 =	vunpack.i.l.bf16.f32 v19;
	v17 =	vunpack.i.l.bf16.f32 v25;
	v7 =	vadd.f32 v56, v7  }
0x38: {  	v14 =	vunpack.i.u.bf16.f32 v25;
	v6 =	vadd.f32 v9, v6;
	v9 =	vadd.f32 v13, v10  }
0x39: {  	v24 =	vld.idx.msk [tilespmem:v24+s2+$0x0], $0xffff;
	v59 =	vunpack.i.l.bf16.f32 v16;
	v10 =	vadd.f32 v11, v8;
	v16 =	vunpack.i.u.bf16.f32 v16  }
0x3a: {  	v8 =	vunpack.i.l.bf16.f32 v57;
	v13 =	vunpack.i.l.bf16.f32 v23;
	v61 =	vunpack.i.u.bf16.f32 v18  }
0x3b: {  	v62 =	vld.idx.msk [tilespmem:v32+s2+$0x0], $0xffff;
	v63 =	vunpack.i.u.bf16.f32 v22;
	v11 =	vadd.f32 v20, v9;
	v6 =	vadd.f32 v14, v6  }
0x3c: {  	v9 =	vunpack.i.l.bf16.f32 v18;
	v18 =	vadd.f32 v15, v10;
	v10 =	vadd.f32 v12, v7  }
0x3d: {  	v14 =	vunpack.i.l.bf16.f32 v22;
	v7 =	vunpack.i.u.bf16.f32 v23;
	v21 =	vadd.f32 v21, v11  }
0x3e: {  	v15 =	vld.idx.msk [tilespmem:v29+s2+$0x0], $0xffff;
	v17 =	vadd.f32 v17, v10;
	v23 =	vadd.f32 v16, v6;
	v10 =	vunpack.i.l.bf16.f32 v24  }
0x3f: {  	v5 =	vld.idx.msk [tilespmem:v5+s2+$0x0], $0xffff;
	v19 =	vadd.f32 v19, v18;
	v18 =	vunpack.i.u.bf16.f32 v57;
	v11 =	vunpack.i.u.bf16.f32 v24  }
0x40: {  	v6 =	vld.idx.msk [tilespmem:v34+s2+$0x0], $0xffff;
	v16 =	vunpack.i.l.bf16.f32 v62;
	v20 =	vadd.f32 v59, v17;
	v17 =	vadd.f32 v61, v21  }
0x41: {  	s12 =	simm.s32 $0x3A20;
	s13 =	simm.s32 $0x40;
	s11 =	simm.s32 $0x3A20;
	v12 =	vld.idx.msk [tilespmem:v60+s2+$0x0], $0xffff;
	v22 =	vadd.f32 v58, v19;
	v21 =	vadd.f32 v63, v23;
	v19 =	vunpack.i.u.bf16.f32 v62  }
.LBB2_2:
0x42: {  	p0 =	sne.s32 s13, $0x3FC0  }
0x43: {  	v14 =	vadd.f32 v14, v20;
	v20 =	vunpack.i.u.bf16.f32 v15;
	v15 =	vunpack.i.l.bf16.f32 v15;
	s12 =	sadd.s32 $0x40, s12;
	s14 =	smov.u32 s13;
	s13 =	sadd.s32 $0x40, s13  }
0x44: {  	v3 =	vadd.s32 v1, v3;
	v9 =	vadd.f32 v9, v22;
	v18 =	vadd.f32 v18, v21;
	v2 =	vld.idx.msk [tilespmem:v2+s2+$0x0], $0xffff  }
0x45: {  	v8 =	vadd.f32 v8, v14;
	v14 =	vunpack.i.u.bf16.f32 v6  }
0x46: {  	v9 =	vadd.f32 v13, v9;
	v13 =	vadd.f32 v19, v18;
	v18 =	vunpack.i.u.bf16.f32 v12;
	v4 =	vld.idx.msk [tilespmem:v4+s2+$0x0], $0xffff  }
0x47: {  	v7 =	vadd.f32 v7, v17;
	v8 =	vadd.f32 v16, v8  }
0x48: {  	v9 =	vadd.f32 v10, v9;
	v10 =	vunpack.i.l.bf16.f32 v12;
	v12 =	vunpack.i.u.bf16.f32 v5  }
0x49: {  	v7 =	vadd.f32 v11, v7;
	v6 =	vunpack.i.l.bf16.f32 v6;
	v8 =	vadd.f32 v10, v8;
	v3 =	vld.idx.msk [tilespmem:v3+s2+$0x0], $0xffff  }
0x4a: {  	v10 =	vadd.f32 v18, v13;
	v11 =	vunpack.i.l.bf16.f32 v2;
	v9 =	vadd.f32 v15, v9  }
0x4b: {  	v7 =	vadd.f32 v20, v7;
	v5 =	vunpack.i.l.bf16.f32 v5;
	v8 =	vadd.f32 v11, v8  }
0x4c: {  	v2 =	vunpack.i.u.bf16.f32 v2;
	v6 =	vadd.f32 v6, v9;
	v9 =	vunpack.i.l.bf16.f32 v4  }
0x4d: {  	v7 =	vadd.f32 v14, v7;
	v8 =	vadd.f32 v9, v8  }
0x4e: {  	v2 =	vadd.f32 v2, v10;
	v4 =	vunpack.i.u.bf16.f32 v4;
	v5 =	vadd.f32 v5, v6  }
0x4f: {  	v6 =	vadd.f32 v12, v7;
	v7 =	vunpack.i.l.bf16.f32 v3;
	v8 =	vmul.f32 $6.250000000e-02, v8  }
0x50: {  	v2 =	vadd.f32 v4, v2;
	v3 =	vunpack.i.u.bf16.f32 v3;
	v4 =	vadd.f32 v7, v5  }
0x51: {  	v3 =	vadd.f32 v3, v6;
	[tilespmem:s11+$0xFFFFFFE0] =	vst v8  }
0x52: {  	v2 =	vmul.f32 $6.250000000e-02, v2;
	v4 =	vmul.f32 $6.250000000e-02, v4  }
0x53: {  	v3 =	vmul.f32 $6.250000000e-02, v3  }
0x54: {  	[tilespmem:s11+$0x0] =	vst v4  }
0x55: {  	s14 =	sshra.s32 s14, $0x2;
	[tilespmem:s11+$0x10] =	vst v3  }
0x56: {  	[tilespmem:s11+$0xFFFFFFF0] =	vst v2;
	s11 =	smov.u32 s12  }
0x57: {  	v3 =	vld [tilespmem:s14+$0x2A00];
	_ =	sdelay $0x4  }
0x58: {  	v2 =	vbroadcast v3, $0x2;
	v4 =	vbroadcast v3, $0x7  }
0x59: {  	v5 =	vbroadcast v3, $0x4;
	v6 =	vbroadcast v3, $0xE  }
0x5a: {  	v7 =	vbroadcast v3, $0x0;
	v8 =	vadd.s32 v0, v2;
	v9 =	vadd.s32 v1, v2  }
0x5b: {  	v10 =	vbroadcast v3, $0x1;
	v11 =	vbroadcast v3, $0x3;
	v2 =	vadd.s32 v0, v6  }
0x5c: {  	v13 =	vbroadcast v3, $0x5;
	v14 =	vbroadcast v3, $0x6;
	v12 =	vadd.s32 v1, v7  }
0x5d: {  	v7 =	vadd.s32 v0, v7;
	v15 =	vadd.s32 v0, v5;
	v16 =	vadd.s32 v1, v5  }
0x5e: {  	v17 =	vadd.s32 v0, v10;
	v18 =	vadd.s32 v0, v13;
	v13 =	vadd.s32 v1, v13  }
0x5f: {  	v10 =	vadd.s32 v1, v10;
	v19 =	vadd.s32 v1, v14;
	v20 =	vadd.s32 v0, v4  }
0x60: {  	v21 =	vbroadcast v3, $0x8;
	v22 =	vbroadcast v3, $0x9;
	v5 =	vadd.s32 v1, v6  }
0x61: {  	v23 =	vbroadcast v3, $0xA;
	v24 =	vbroadcast v3, $0xB;
	v6 =	vld.idx.msk [tilespmem:v12+s2+$0x0], $0xffff;
	v12 =	vadd.s32 v0, v11  }
0x62: {  	v25 =	vadd.s32 v0, v21;
	v21 =	vadd.s32 v1, v21;
	v26 =	vadd.s32 v0, v22;
	v7 =	vld.idx.msk [tilespmem:v7+s2+$0x0], $0xffff  }
0x63: {  	v22 =	vadd.s32 v1, v22;
	v27 =	vadd.s32 v0, v23;
	v23 =	vadd.s32 v1, v23;
	v17 =	vld.idx.msk [tilespmem:v17+s2+$0x0], $0xffff  }
0x64: {  	v28 =	vadd.s32 v0, v24;
	v24 =	vadd.s32 v1, v24;
	v11 =	vadd.s32 v1, v11;
	v8 =	vld.idx.msk [tilespmem:v8+s2+$0x0], $0xffff  }
0x65: {  	v29 =	vbroadcast v3, $0xC;
	v30 =	vbroadcast v3, $0xD;
	v9 =	vld.idx.msk [tilespmem:v9+s2+$0x0], $0xffff  }
0x66: {  	v3 =	vbroadcast v3, $0xF;
	v31 =	vadd.s32 v1, v4  }
0x67: {  	v14 =	vadd.s32 v0, v14;
	v32 =	vadd.s32 v0, v29;
	v4 =	vunpack.i.l.bf16.f32 v6;
	v12 =	vld.idx.msk [tilespmem:v12+s2+$0x0], $0xffff  }
0x68: {  	v6 =	vunpack.i.u.bf16.f32 v6;
	v33 =	vunpack.i.u.bf16.f32 v7;
	v7 =	vunpack.i.l.bf16.f32 v7;
	v10 =	vld.idx.msk [tilespmem:v10+s2+$0x0], $0xffff  }
0x69: {  	v29 =	vadd.s32 v1, v29;
	v34 =	vadd.s32 v1, v30;
	v33 =	vadd.f32 $0.0e+00, v33;
	v16 =	vld.idx.msk [tilespmem:v16+s2+$0x0], $0xffff  }
0x6a: {  	v7 =	vadd.f32 $0.0e+00, v7;
	v35 =	vunpack.i.u.bf16.f32 v17;
	v17 =	vunpack.i.l.bf16.f32 v17;
	v15 =	vld.idx.msk [tilespmem:v15+s2+$0x0], $0xffff  }
0x6b: {  	v33 =	vadd.f32 v35, v33;
	v35 =	vunpack.i.u.bf16.f32 v8;
	v8 =	vunpack.i.l.bf16.f32 v8;
	v11 =	vld.idx.msk [tilespmem:v11+s2+$0x0], $0xffff  }
0x6c: {  	v4 =	vadd.f32 $0.0e+00, v4;
	v6 =	vadd.f32 $0.0e+00, v6;
	v36 =	vunpack.i.u.bf16.f32 v9;
	v18 =	vld.idx.msk [tilespmem:v18+s2+$0x0], $0xffff  }
0x6d: {  	v7 =	vadd.f32 v17, v7;
	v9 =	vunpack.i.l.bf16.f32 v9;
	v17 =	vunpack.i.l.bf16.f32 v12;
	v13 =	vld.idx.msk [tilespmem:v13+s2+$0x0], $0xffff  }
0x6e: {  	v12 =	vunpack.i.u.bf16.f32 v12;
	v37 =	vunpack.i.u.bf16.f32 v10;
	v10 =	vunpack.i.l.bf16.f32 v10  }
0x6f: {  	v10 =	vadd.f32 v10, v4;
	v6 =	vadd.f32 v37, v6;
	v37 =	vunpack.i.u.bf16.f32 v16;
	v14 =	vld.idx.msk [tilespmem:v14+s2+$0x0], $0xffff  }
0x70: {  	v7 =	vadd.f32 v8, v7;
	v8 =	vunpack.i.l.bf16.f32 v16;
	v4 =	vadd.s32 v0, v3;
	v16 =	vld.idx.msk [tilespmem:v19+s2+$0x0], $0xffff  }
0x71: {  	v19 =	vadd.f32 v35, v33;
	v33 =	vunpack.i.u.bf16.f32 v15;
	v15 =	vunpack.i.l.bf16.f32 v15;
	v20 =	vld.idx.msk [tilespmem:v20+s2+$0x0], $0xffff  }
0x72: {  	v6 =	vadd.f32 v36, v6;
	v35 =	vunpack.i.u.bf16.f32 v11;
	v36 =	vunpack.i.l.bf16.f32 v18;
	v25 =	vld.idx.msk [tilespmem:v25+s2+$0x0], $0xffff  }
0x73: {  	v7 =	vadd.f32 v17, v7;
	v17 =	vunpack.i.u.bf16.f32 v18;
	v12 =	vadd.f32 v12, v19;
	v18 =	vld.idx.msk [tilespmem:v31+s2+$0x0], $0xffff  }
0x74: {  	v9 =	vadd.f32 v9, v10;
	v6 =	vadd.f32 v35, v6;
	v10 =	vunpack.i.u.bf16.f32 v13  }
0x75: {  	v11 =	vunpack.i.l.bf16.f32 v11;
	v12 =	vadd.f32 v33, v12;
	v19 =	vunpack.i.l.bf16.f32 v14;
	v21 =	vld.idx.msk [tilespmem:v21+s2+$0x0], $0xffff  }
0x76: {  	v9 =	vadd.f32 v11, v9;
	v11 =	vunpack.i.l.bf16.f32 v13;
	v13 =	vunpack.i.u.bf16.f32 v16  }
0x77: {  	v7 =	vadd.f32 v15, v7;
	v14 =	vunpack.i.u.bf16.f32 v14;
	v15 =	vunpack.i.l.bf16.f32 v16;
	v16 =	vld.idx.msk [tilespmem:v26+s2+$0x0], $0xffff  }
0x78: {  	v6 =	vadd.f32 v37, v6;
	v12 =	vadd.f32 v17, v12;
	v17 =	vunpack.i.l.bf16.f32 v20;
	v22 =	vld.idx.msk [tilespmem:v22+s2+$0x0], $0xffff  }
0x79: {  	v8 =	vadd.f32 v8, v9;
	v9 =	vunpack.i.u.bf16.f32 v20;
	v20 =	vunpack.i.u.bf16.f32 v18;
	v26 =	vld.idx.msk [tilespmem:v27+s2+$0x0], $0xffff  }
0x7a: {  	v12 =	vadd.f32 v14, v12;
	v18 =	vunpack.i.l.bf16.f32 v18;
	v14 =	vunpack.i.u.bf16.f32 v25;
	v27 =	vld.idx.msk [tilespmem:v28+s2+$0x0], $0xffff  }
0x7b: {  	v6 =	vadd.f32 v10, v6;
	v10 =	vunpack.i.l.bf16.f32 v25;
	v25 =	vunpack.i.l.bf16.f32 v21;
	v23 =	vld.idx.msk [tilespmem:v23+s2+$0x0], $0xffff  }
0x7c: {  	v7 =	vadd.f32 v36, v7;
	v12 =	vadd.f32 v9, v12;
	v21 =	vunpack.i.u.bf16.f32 v21  }
0x7d: {  	v30 =	vadd.s32 v0, v30;
	v6 =	vadd.f32 v13, v6;
	v28 =	vunpack.i.l.bf16.f32 v16;
	v24 =	vld.idx.msk [tilespmem:v24+s2+$0x0], $0xffff  }
0x7e: {  	v7 =	vadd.f32 v19, v7;
	v11 =	vadd.f32 v11, v8;
	v19 =	vunpack.i.u.bf16.f32 v22  }
0x7f: {  	v6 =	vadd.f32 v20, v6;
	v16 =	vunpack.i.u.bf16.f32 v16;
	v9 =	vunpack.i.l.bf16.f32 v22;
	v31 =	vld.idx.msk [tilespmem:v32+s2+$0x0], $0xffff  }
0x80: {  	v12 =	vadd.f32 v14, v12;
	v14 =	vunpack.i.l.bf16.f32 v26;
	v8 =	vunpack.i.l.bf16.f32 v27  }
0x81: {  	v17 =	vadd.f32 v17, v7;
	v11 =	vadd.f32 v15, v11;
	v7 =	vunpack.i.u.bf16.f32 v23;
	v15 =	vld.idx.msk [tilespmem:v29+s2+$0x0], $0xffff  }
.Ltmp0:
0x82: {  	v21 =	vadd.f32 v21, v6;
	v26 =	vunpack.i.u.bf16.f32 v26;
	v13 =	vunpack.i.l.bf16.f32 v23;
	(pc) =	sbr.rel @p0 .LBB2_2-.Ltmp0, $4  }
0x83: {  	v17 =	vadd.f32 v10, v17;
	v23 =	vadd.f32 v16, v12;
	v10 =	vunpack.i.l.bf16.f32 v24;
	v6 =	vld.idx.msk [tilespmem:v34+s2+$0x0], $0xffff  }
0x84: {  	v22 =	vadd.f32 v18, v11;
	v18 =	vunpack.i.u.bf16.f32 v27;
	v11 =	vunpack.i.u.bf16.f32 v24;
	v12 =	vld.idx.msk [tilespmem:v30+s2+$0x0], $0xffff  }
0x85: {  	v20 =	vadd.f32 v28, v17;
	v17 =	vadd.f32 v19, v21;
	v16 =	vunpack.i.l.bf16.f32 v31  }
0x86: {  	v22 =	vadd.f32 v25, v22;
	v21 =	vadd.f32 v26, v23;
	v19 =	vunpack.i.u.bf16.f32 v31;
	v5 =	vld.idx.msk [tilespmem:v5+s2+$0x0], $0xffff  }
0x87: {  	_ =	sdelay $0x1  }
0x88: {  	v14 =	vadd.f32 v14, v20  }
0x89: {  	v3 =	vadd.s32 v1, v3;
	v50 =	vunpack.i.u.bf16.f32 v15;
	v7 =	vadd.f32 v7, v17  }
0x8a: {  	v51 =	vunpack.i.l.bf16.f32 v15;
	v2 =	vld.idx.msk [tilespmem:v2+s2+$0x0], $0xffff;
	v9 =	vadd.f32 v9, v22;
	v18 =	vadd.f32 v18, v21  }
0x8b: {  	v52 =	vunpack.i.u.bf16.f32 v6;
	v57 =	vunpack.i.l.bf16.f32 v6;
	v8 =	vadd.f32 v8, v14  }
0x8c: {  	v4 =	vld.idx.msk [tilespmem:v4+s2+$0x0], $0xffff;
	v54 =	vunpack.i.u.bf16.f32 v12;
	v7 =	vadd.f32 v11, v7;
	v9 =	vadd.f32 v13, v9  }
0x8d: {  	v55 =	vunpack.i.l.bf16.f32 v12;
	v53 =	vadd.f32 v19, v18;
	v8 =	vadd.f32 v16, v8  }
0x8e: {  	v56 =	vunpack.i.u.bf16.f32 v5;
	v7 =	vadd.f32 v50, v7;
	v9 =	vadd.f32 v10, v9  }
0x8f: {  	v3 =	vld.idx.msk [tilespmem:v3+s2+$0x0], $0xffff;
	v10 =	vadd.f32 v54, v53;
	v58 =	vunpack.i.l.bf16.f32 v2;
	v8 =	vadd.f32 v55, v8  }
0x90: {  	v2 =	vunpack.i.u.bf16.f32 v2;
	v7 =	vadd.f32 v52, v7;
	v9 =	vadd.f32 v51, v9  }
0x91: {  	v60 =	vunpack.i.l.bf16.f32 v4;
	v2 =	vadd.f32 v2, v10;
	v8 =	vadd.f32 v58, v8  }
0x92: {  	v4 =	vunpack.i.u.bf16.f32 v4;
	v7 =	vadd.f32 v56, v7;
	v6 =	vadd.f32 v57, v9  }
0x93: {  	v59 =	vunpack.i.l.bf16.f32 v5;
	v2 =	vadd.f32 v4, v2;
	v61 =	vadd.f32 v60, v8  }
0x94: {  	v62 =	vunpack.i.l.bf16.f32 v3;
	v3 =	vunpack.i.u.bf16.f32 v3;
	v5 =	vadd.f32 v59, v6  }
0x95: {  	v3 =	vadd.f32 v3, v7;
	v2 =	vmul.f32 $6.250000000e-02, v2  }
0x96: {  	v6 =	vmul.f32 $6.250000000e-02, v61;
	v5 =	vadd.f32 v62, v5  }
0x97: {  	v3 =	vmul.f32 $6.250000000e-02, v3;
	[tilespmem:s11+$0xFFFFFFF0] =	vst v2  }
0x98: {  	s10 =	sadd.s32 $0x1, s10;
	[tilespmem:s11+$0xFFFFFFE0] =	vst v6;
	v63 =	vmul.f32 $6.250000000e-02, v5  }
0x99: {  	p0 =	sne.s32 s10, s6;
	[tilespmem:s11+$0x10] =	vst v3  }
.Ltmp1:
0x9a: {  	[tilespmem:s11+$0x0] =	vst v63;
	(pc) =	sbr.rel @p0 .LBB2_1-.Ltmp1, $4  }
0x9b: {  	[hbm4b:s5+s2] =	stream.linear.scatter [tilespmem:s9], [sflag:$0x1], $0x4000, $0x38;
	[tilespmem:$0x7A00] =	vst v63  }
0x9c: {  	_ =	swait.ge [sflag:s7], $0x4000  }
0x9d: {  	[sflag:s7] =	ssyncset.done $0x0  }
0x9e: {  	[sflag:s7] =	ssyncadd.s32 $0xFFFFC000  }
0x9f: {  	_ =	sfence.sel $0x180000  }
0xa0: {  	[bflag:$0x0] =	sbarrier.arrive $0xFFFF  }
0xa1: {  	p0 =	sne.s32 s1, $0x0;
	_ =	strace $0x90000047  }
0xa2: {  	s0 =	sadd.s32 @!p0 $0x100000, s0;
	[bflag:$0x2] =	sbarrier.arrive $0xFFFF  }
0xa3: {  	[sflag:s0] =	ssyncadd.tile.s32 @!p0 $0x1;
	_ =	shalt  }
.Lfunc_end2:
_tile_overlayer_lowered:
.L_overlay_start_2:
0xa4: {  	(tag) =	ssettag $0x2  }
0xa5: {  	s0 =	rddreg [dreg:$0x0];
	s2 =	stileid.u32  }
0xa6: {  	s1 =	rddreg [dreg:$0x1];
	p0 =	sne.s32 s2, $0x0  }
0xa7: {  	s3 =	rddreg [dreg:$0x2];
	[bflag:$0x3] =	sbarrier.arrive $0xFFFF;
	s2 =	simm.s32 @!p0 $0x1C01  }
0xa8: {  	[timem:s3], [sflag:s2] =	dma.local @!p0 [hbm:s0], s1  }
0xa9: {  	s0 =	simm.s32 @!p0 $0x1  }
0xaa: {  	_ =	swait.ge @!p0 [sflag:s0], s1  }
0xab: {  	s1 =	ssub.s32 @!p0 $0x0, s1;
	[sflag:s0] =	ssyncset.done @!p0 $0x0  }
0xac: {  	[sflag:s0] =	ssyncadd.s32 @!p0 s1  }
0xad: {  	[bflag:$0x3] =	sbarrier.arrive $0xFFFF  }
0xae: {  	_ =	shalt  }

</sc_bundles>
